<compile_context>
chip_gen: v7x
topology: tpu7x:2x2x1
jax: 0.10.2.dev20260603
libtpu: 0.0.44.dev20260713+nightly
codegen_flags: <defaults>
</compile_context>

<pallas_src>
import functools

import jax
import jax.numpy as jnp
from jax import lax
from jax.experimental import pallas as pl
from jax.experimental.pallas import tpu as pltpu
from jax.experimental.pallas import tpu_sc as plsc

N = 4096
NT = 16384
C = 128
NCH = N // C
RB = 512
NRB = N // RB
NW = 32
QPW = NT // NW
CLIP_LO = -2.0
CLIP_HI = 2.0
_F32 = jnp.float32
_I32 = jnp.int32


def _bitonic_pairs(x, ypay, p):
    for k in range(12):
        asc = ((p >> (k + 1)) & 1) == 0
        for j in range(k, -1, -1):
            if j < 7:
                ax, sz, s = 1, C, 1 << j
            else:
                ax, sz, s = 0, NCH, 1 << (j - 7)
            is_low = ((p >> j) & 1) == 0
            pvx = jnp.where(is_low, pltpu.roll(x, sz - s, axis=ax),
                            pltpu.roll(x, s, axis=ax))
            pvy = jnp.where(is_low, pltpu.roll(ypay, sz - s, axis=ax),
                            pltpu.roll(ypay, s, axis=ax))
            want_min = is_low == asc
            take = (want_min & (pvx < x)) | (~want_min & (pvx > x))
            x = jnp.where(take, pvx, x)
            ypay = jnp.where(take, pvy, ypay)
    return x, ypay


def _fit_body(x2d_ref, y2d_ref,
              ux_ref, uyc_ref, nu_ref, xmin_ref, xmax_ref,
              sx_ref, sy_ref, seg_ref):
    lane = lax.broadcasted_iota(_I32, (1, C), 1)
    sub128 = lax.broadcasted_iota(_I32, (C, 1), 0)
    sub512 = lax.broadcasted_iota(_I32, (RB, 1), 0)
    sub32 = lax.broadcasted_iota(_I32, (NCH, 1), 0)
    lanei = lax.broadcasted_iota(_I32, (NCH, C), 1)
    subi = lax.broadcasted_iota(_I32, (NCH, C), 0)
    eye = sub128 == lane
    NEG = _F32(-jnp.inf)
    POS = _F32(jnp.inf)

    sx2d, sy2d = _bitonic_pairs(x2d_ref[...], y2d_ref[...],
                                subi * C + lanei)
    sx_ref[...] = sx2d
    sy_ref[...] = sy2d

    def prev_elem(v, fill):
        r1 = pltpu.roll(v, 1, axis=1)
        pv = jnp.where(lanei == 0, pltpu.roll(r1, 1, axis=0), r1)
        return jnp.where(subi * C + lanei == 0, fill, pv)

    def cumsum2d(v):
        s = 1
        while s < C:
            sh = pltpu.roll(v, s, axis=1)
            v = v + jnp.where(lanei >= s, sh, jnp.zeros((), v.dtype))
            s *= 2
        rt = v[:, C - 1:C]
        t = rt
        s = 1
        while s < NCH:
            sh = pltpu.roll(t, s, axis=0)
            t = t + jnp.where(sub32 >= s, sh, jnp.zeros((), v.dtype))
            s *= 2
        return v + (t - rt)

    flag = (subi * C + lanei == 0) | (sx2d != prev_elem(sx2d, NEG))
    flag_i = flag.astype(_I32)
    seg_ref[...] = cumsum2d(flag_i) - 1
    n_u = jnp.sum(jnp.sum(flag_i, axis=1, keepdims=True),
                  axis=0, keepdims=True)
    n_u_s = n_u[0, 0]
    band = (_I32(RB - 1) + (_I32(N) - n_u_s)) // _I32(C) + 1

    def s4(rb, _):
        ug = rb * RB + sub512
        c0 = rb * (RB // C)

        def inner(t, carry):
            cnt, sm, mx = carry
            c = c0 + t
            oh = seg_ref[pl.ds(c, 1), :] == ug
            syc = sy_ref[pl.ds(c, 1), :]
            sxc = sx_ref[pl.ds(c, 1), :]
            cnt = cnt + jnp.sum(jnp.where(oh, _F32(1.0), _F32(0.0)),
                                axis=1, keepdims=True)
            sm = sm + jnp.sum(jnp.where(oh, syc, _F32(0.0)),
                              axis=1, keepdims=True)
            mx = jnp.maximum(mx, jnp.max(jnp.where(oh, sxc, NEG),
                                         axis=1, keepdims=True))
            return cnt, sm, mx

        ntr = jnp.minimum(band, _I32(NCH) - c0)
        cnt, sm, mx = lax.fori_loop(
            0, ntr, inner,
            (jnp.zeros((RB, 1), _F32), jnp.zeros((RB, 1), _F32),
             jnp.full((RB, 1), NEG)))
        uyc_ref[pl.ds(rb * RB, RB), :] = sm / jnp.maximum(cnt, _F32(1.0))
        ux_ref[pl.ds(rb * RB, RB), :] = jnp.where(ug >= n_u, POS, mx)
        return 0
    lax.fori_loop(0, NRB, s4, 0, unroll=False)

    nu_ref[...] = n_u
    x2d = x2d_ref[...]
    xmin_ref[...] = jnp.min(jnp.min(x2d, axis=1, keepdims=True),
                            axis=0, keepdims=True)
    xmax_ref[...] = jnp.max(jnp.max(x2d, axis=1, keepdims=True),
                            axis=0, keepdims=True)


_FIT_OUT = [
    jax.ShapeDtypeStruct((N, 1), _F32),
    jax.ShapeDtypeStruct((N, 1), _F32),
    jax.ShapeDtypeStruct((1, 1), _I32),
    jax.ShapeDtypeStruct((1, 1), _F32),
    jax.ShapeDtypeStruct((1, 1), _F32),
]

_FIT_SCRATCH = [
    pltpu.VMEM((NCH, C), _F32),
    pltpu.VMEM((NCH, C), _F32),
    pltpu.VMEM((NCH, C), _I32),
]

_fit = pl.pallas_call(
    _fit_body,
    out_shape=_FIT_OUT,
    scratch_shapes=_FIT_SCRATCH,
)


def _pava_body(uy_ref, nu_ref, pv_ref, ps_ref, np_ref, sw_ref):
    def _s(v):
        return v if getattr(v, "ndim", 0) == 0 else jnp.reshape(v, ())
    n_u = _s(nu_ref[0])

    def o_cond(c):
        i, top, tv, tw = c
        return i < n_u

    def o_body(c):
        i, top, tv, tw = c

        def m_cond(mc):
            v, w, t, mtv, mtw = mc
            return (t >= 0) & (mtv >= v)

        def m_body(mc):
            v, w, t, mtv, mtw = mc
            nw = mtw + w
            v = (mtv * mtw + v * w) / nw
            t = t - 1
            g = jnp.maximum(t, 0)
            return v, nw, t, _s(pv_ref[g]), _s(sw_ref[g])

        v, w, top, tv, tw = lax.while_loop(
            m_cond, m_body, (_s(uy_ref[i]), _F32(1.0), top, tv, tw))
        top = top + 1
        pv_ref[top] = v
        sw_ref[top] = w
        ps_ref[top] = i + 1 - w.astype(_I32)
        return i + 1, top, v, w

    _, top, _, _ = lax.while_loop(
        o_cond, o_body, (_I32(0), _I32(-1), _F32(0.0), _F32(0.0)))
    np_ref[0] = top + 1


_PAVA_SPECS = dict(
    in_specs=[pl.BlockSpec(memory_space=pltpu.SMEM),
              pl.BlockSpec(memory_space=pltpu.SMEM)],
    out_specs=[pl.BlockSpec(memory_space=pltpu.SMEM),
               pl.BlockSpec(memory_space=pltpu.SMEM),
               pl.BlockSpec(memory_space=pltpu.SMEM)],
    out_shape=[jax.ShapeDtypeStruct((N,), _F32),
               jax.ShapeDtypeStruct((N,), _I32),
               jax.ShapeDtypeStruct((1,), _I32)],
    scratch_shapes=[pltpu.SMEM((N,), _F32)],
)

_pava = pl.pallas_call(_pava_body, **_PAVA_SPECS)


def _predict(T, ux1, pv1, ps1, xmin16, xmax16, nhi16, npl16):
    mesh = plsc.VectorSubcoreMesh(core_axis_name="c", subcore_axis_name="s")

    @functools.partial(
        pl.kernel, mesh=mesh,
        out_type=jax.ShapeDtypeStruct((NT,), _F32),
        compiler_params=pltpu.CompilerParams(needs_layout_passes=False),
        scratch_types=[
            pltpu.VMEM((N,), _F32),
            pltpu.VMEM((N,), _F32),
            pltpu.VMEM((N,), _I32),
            pltpu.VMEM((QPW,), _F32),
            pltpu.VMEM((QPW,), _F32),
            pltpu.VMEM((16,), _F32),
            pltpu.VMEM((16,), _F32),
            pltpu.VMEM((16,), _I32),
            pltpu.VMEM((16,), _I32),
        ],
    )
    def k(t_hbm, ux_hbm, pv_hbm, ps_hbm, xmin_hbm, xmax_hbm, nhi_hbm,
          npl_hbm, out_hbm,
          ux_v, pv_v, ps_v, t_v, o_v, xmin_v, xmax_v, nhi_v, npl_v):
        wid = lax.axis_index("s") * 2 + lax.axis_index("c")
        base = wid * QPW
        pltpu.sync_copy(ux_hbm, ux_v)
        pltpu.sync_copy(pv_hbm, pv_v)
        pltpu.sync_copy(ps_hbm, ps_v)
        pltpu.sync_copy(t_hbm.at[pl.ds(base, QPW)], t_v)
        pltpu.sync_copy(xmin_hbm, xmin_v)
        pltpu.sync_copy(xmax_hbm, xmax_v)
        pltpu.sync_copy(nhi_hbm, nhi_v)
        pltpu.sync_copy(npl_hbm, npl_v)
        xmin = xmin_v[...]
        xmax = xmax_v[...]
        nhi = nhi_v[...]
        npl = npl_v[...]

        def body(g, acc):
            t = t_v[pl.ds(g * 16, 16)]
            tc = jnp.minimum(jnp.maximum(t, xmin), xmax)
            pos = jnp.zeros((16,), _I32)
            s = N // 2
            while s >= 1:
                cand = pos + s
                probe = plsc.load_gather(ux_v, [cand - 1])
                pos = jnp.where(probe <= tc, cand, pos)
                s //= 2
            idx = jnp.clip(pos - 1, 0, nhi)
            xb = plsc.load_gather(ux_v, [idx])
            xa = plsc.load_gather(ux_v, [idx + 1])
            pp = jnp.zeros((16,), _I32)
            s = N // 2
            while s >= 1:
                cand = pp + s
                probe = plsc.load_gather(ps_v, [cand - 1])
                take = (cand <= npl) & (probe <= idx)
                pp = jnp.where(take, cand, pp)
                s //= 2
            pb = pp - 1
            yb = jnp.clip(plsc.load_gather(pv_v, [pb]),
                          _F32(CLIP_LO), _F32(CLIP_HI))
            pb1 = jnp.minimum(pb + 1, npl - 1)
            nxt = plsc.load_gather(ps_v, [pb1])
            same = (pb1 == pb) | (idx + 1 < nxt)
            ya = jnp.where(same, yb,
                           jnp.clip(plsc.load_gather(pv_v, [pb1]),
                                    _F32(CLIP_LO), _F32(CLIP_HI)))
            slope = (ya - yb) / (xa - xb)
            o_v[pl.ds(g * 16, 16)] = yb + slope * (tc - xb)
            return acc

        lax.fori_loop(0, QPW // 16, body, 0)
        pltpu.sync_copy(o_v, out_hbm.at[pl.ds(base, QPW)])

    return k(T, ux1, pv1, ps1, xmin16, xmax16, nhi16, npl16)


def kernel(X, y, T):
    ux, uy, nu, xmin, xmax = _fit(X.reshape(NCH, C), y.reshape(NCH, C))
    pv, ps, npl = _pava(uy.reshape(N), nu.reshape(1))
    nhi = jnp.maximum(nu[0, 0] - 2, 0).astype(_I32)
    return _predict(
        T, ux.reshape(N), pv, ps,
        jnp.full((16,), xmin[0, 0], _F32),
        jnp.full((16,), xmax[0, 0], _F32),
        jnp.full((16,), nhi, _I32),
        jnp.full((16,), npl[0], _I32),
    )

# --- scband reference (transcript-rebuilt; emitter-appended) ---
"""Pipeline reference for scband-tfisotonic-regression-10514079941133 (READ-ONLY COPY).

The authoritative reference and input builder live on the scoring server;
editing this copy changes nothing except your own understanding.
"""

import jax, jax.numpy as jnp
import numpy as np

Y_MIN = -2.0
Y_MAX = 2.0

N_TRAIN = 4096
N_TEST = 16384


def setup_inputs(seed: int = 0) -> dict:
    key = jax.random.key(seed)
    k1, k2, k3 = jax.random.split(key, 3)
    X = jax.random.uniform(k1, (N_TRAIN,), dtype=jnp.float32)
    y = jax.random.normal(k2, (N_TRAIN,), dtype=jnp.float32)
    T = jax.random.uniform(k3, (N_TEST,), dtype=jnp.float32)
    return {"X": X, "y": y, "T": T}


def _isotonic_increasing(y, n_valid):
    # Exact L2 isotonic regression via the min-max (Chakravarti) formula,
    # mathematically identical to tf.nn.isotonic_regression(y, decreasing=False):
    #   y*[i] = max_{j<=i} min_{k>=i} mean(y[j..k])
    n = y.shape[0]
    S = jnp.concatenate([jnp.zeros((1,), y.dtype), jnp.cumsum(y)])
    j = jnp.arange(n)[:, None]
    k = jnp.arange(n)[None, :]
    valid = (k >= j) & (k < n_valid)
    lengths = jnp.where(valid, k - j + 1, 1).astype(y.dtype)
    M = (S[1:][None, :] - S[:n][:, None]) / lengths  # M[j,k] = mean(y[j..k])
    M = jnp.where(valid, M, jnp.inf)
    # A[j,i] = min_{k>=i} M[j,k]  (reverse cumulative min along k)
    A = jax.lax.cummin(M, axis=1, reverse=True)
    A = jnp.where(j <= k, A, -jnp.inf)
    return jnp.max(A, axis=0)


def _linear_interp1d(x, ypts, new_x, n_valid):
    idx = jnp.searchsorted(x, new_x, side='right') - 1
    idx = jnp.clip(idx, 0, n_valid - 2)
    x_below = jnp.take(x, idx)
    y_below = jnp.take(ypts, idx)
    x_above = jnp.take(x, idx + 1)
    y_above = jnp.take(ypts, idx + 1)
    slope = (y_above - y_below) / (x_above - x_below)
    return y_below + slope * (new_x - x_below)


def reference(X, y, T):
    # ---- fit: _tf_groupby (sort + unique_with_counts + segment mean) ----
    n = X.shape[0]
    uX, inv, counts = jnp.unique(
        X, return_inverse=True, return_counts=True, size=n, fill_value=jnp.inf
    )
    n_u = jnp.sum(counts > 0)
    sum_y = jax.ops.segment_sum(y, inv, num_segments=n)
    uy = sum_y / jnp.maximum(counts, 1).astype(jnp.float32)
    # ---- fit: _build_y (isotonic regression + clip) ----
    iso_y = jnp.clip(_isotonic_increasing(uy, n_u), Y_MIN, Y_MAX)
    slot = jnp.arange(n)
    X_min_ = jnp.min(jnp.where(slot < n_u, uX, jnp.inf))
    X_max_ = jnp.max(jnp.where(slot < n_u, uX, -jnp.inf))
    # ---- call: clip queries into fitted range, then linear interpolation ----
    Tc = jnp.clip(T, X_min_, X_max_)
    return _linear_interp1d(uX, iso_y, Tc, n_u)

if __name__ == "__main__":
    import jax
    _d = setup_inputs()
    print(jax.jit(kernel)(*tuple(_d.values())))

</pallas_src>

<mosaic_0001>
#map = affine_map<(d0, d1) -> (0)>
module attributes {stable_mosaic.version = 14 : i64} {
  func.func @k(%arg0: i32, %arg1: i32, %arg2: memref<16384xf32, #tpu.memory_space<hbm>>, %arg3: memref<4096xf32, #tpu.memory_space<hbm>>, %arg4: memref<4096xf32, #tpu.memory_space<hbm>>, %arg5: memref<4096xi32, #tpu.memory_space<hbm>>, %arg6: memref<16xf32, #tpu.memory_space<hbm>>, %arg7: memref<16xf32, #tpu.memory_space<hbm>>, %arg8: memref<16xi32, #tpu.memory_space<hbm>>, %arg9: memref<16xi32, #tpu.memory_space<hbm>>, %arg10: memref<16384xf32, #tpu.memory_space<hbm>>, %arg11: memref<4096xf32, #tpu.memory_space<vmem>>, %arg12: memref<4096xf32, #tpu.memory_space<vmem>>, %arg13: memref<4096xi32, #tpu.memory_space<vmem>>, %arg14: memref<512xf32, #tpu.memory_space<vmem>>, %arg15: memref<512xf32, #tpu.memory_space<vmem>>, %arg16: memref<16xf32, #tpu.memory_space<vmem>>, %arg17: memref<16xf32, #tpu.memory_space<vmem>>, %arg18: memref<16xi32, #tpu.memory_space<vmem>>, %arg19: memref<16xi32, #tpu.memory_space<vmem>>) attributes {dimension_semantics = [#tpu.dimension_semantics<core_parallel>, #tpu.dimension_semantics<subcore_parallel>], iteration_bounds = array<i64: 2, 16>, scalar_prefetch = 0 : i64, scratch_operands = 9 : i64, tpu.core_type = #tpu.core_type<sc_vector_subcore>, window_params = [{transform_indices = #map}, {transform_indices = #map}, {transform_indices = #map}, {transform_indices = #map}, {transform_indices = #map}, {transform_indices = #map}, {transform_indices = #map}, {transform_indices = #map}, {transform_indices = #map}]} {
    %mul3A = arith.constant 2 : i32
    %mul3A_0 = arith.muli %arg1, %mul3A : i32
    %add3A = arith.addi %mul3A_0, %arg0 : i32
    %mul3A_1 = arith.constant 512 : i32
    %mul3A_2 = arith.muli %add3A, %mul3A_1 : i32
    "tpu.region"() ({
      %run_scoped3A = tpu.sem_alloc : memref<!tpu.dma_semaphore, #tpu.memory_space<semaphore_mem>>
      tpu.enqueue_dma source(%arg3 : memref<4096xf32, #tpu.memory_space<hbm>>) target(%arg11 : memref<4096xf32, #tpu.memory_space<vmem>>) target_semaphore(%run_scoped3A : memref<!tpu.dma_semaphore, #tpu.memory_space<semaphore_mem>>)
      tpu.wait_dma2 semaphore(%run_scoped3A : memref<!tpu.dma_semaphore, #tpu.memory_space<semaphore_mem>>) src(%arg3 : memref<4096xf32, #tpu.memory_space<hbm>>) dst(%arg11 : memref<4096xf32, #tpu.memory_space<vmem>>)
      tpu.yield
    }) : () -> ()
    "tpu.region"() ({
      %run_scoped3A = tpu.sem_alloc : memref<!tpu.dma_semaphore, #tpu.memory_space<semaphore_mem>>
      tpu.enqueue_dma source(%arg4 : memref<4096xf32, #tpu.memory_space<hbm>>) target(%arg12 : memref<4096xf32, #tpu.memory_space<vmem>>) target_semaphore(%run_scoped3A : memref<!tpu.dma_semaphore, #tpu.memory_space<semaphore_mem>>)
      tpu.wait_dma2 semaphore(%run_scoped3A : memref<!tpu.dma_semaphore, #tpu.memory_space<semaphore_mem>>) src(%arg4 : memref<4096xf32, #tpu.memory_space<hbm>>) dst(%arg12 : memref<4096xf32, #tpu.memory_space<vmem>>)
      tpu.yield
    }) : () -> ()
    "tpu.region"() ({
      %run_scoped3A = tpu.sem_alloc : memref<!tpu.dma_semaphore, #tpu.memory_space<semaphore_mem>>
      tpu.enqueue_dma source(%arg5 : memref<4096xi32, #tpu.memory_space<hbm>>) target(%arg13 : memref<4096xi32, #tpu.memory_space<vmem>>) target_semaphore(%run_scoped3A : memref<!tpu.dma_semaphore, #tpu.memory_space<semaphore_mem>>)
      tpu.wait_dma2 semaphore(%run_scoped3A : memref<!tpu.dma_semaphore, #tpu.memory_space<semaphore_mem>>) src(%arg5 : memref<4096xi32, #tpu.memory_space<hbm>>) dst(%arg13 : memref<4096xi32, #tpu.memory_space<vmem>>)
      tpu.yield
    }) : () -> ()
    "tpu.region"() ({
      %run_scoped3A = tpu.sem_alloc : memref<!tpu.dma_semaphore, #tpu.memory_space<semaphore_mem>>
      %dma_start3A = tpu.memref_slice %arg2[%mul3A_2] : memref<16384xf32, #tpu.memory_space<hbm>> -> memref<512xf32, #tpu.memory_space<hbm>>
      %dma_start3A_15 = tpu.memref_slice %arg2[%mul3A_2] : memref<16384xf32, #tpu.memory_space<hbm>> -> memref<512xf32, #tpu.memory_space<hbm>>
      tpu.enqueue_dma source(%dma_start3A_15 : memref<512xf32, #tpu.memory_space<hbm>>) target(%arg14 : memref<512xf32, #tpu.memory_space<vmem>>) target_semaphore(%run_scoped3A : memref<!tpu.dma_semaphore, #tpu.memory_space<semaphore_mem>>)
      %dma_wait3A = tpu.memref_slice %arg2[%mul3A_2] : memref<16384xf32, #tpu.memory_space<hbm>> -> memref<512xf32, #tpu.memory_space<hbm>>
      %dma_wait3A_16 = tpu.memref_slice %arg2[%mul3A_2] : memref<16384xf32, #tpu.memory_space<hbm>> -> memref<512xf32, #tpu.memory_space<hbm>>
      tpu.wait_dma2 semaphore(%run_scoped3A : memref<!tpu.dma_semaphore, #tpu.memory_space<semaphore_mem>>) src(%dma_wait3A_16 : memref<512xf32, #tpu.memory_space<hbm>>) dst(%arg14 : memref<512xf32, #tpu.memory_space<vmem>>)
      tpu.yield
    }) : () -> ()
    "tpu.region"() ({
      %run_scoped3A = tpu.sem_alloc : memref<!tpu.dma_semaphore, #tpu.memory_space<semaphore_mem>>
      tpu.enqueue_dma source(%arg6 : memref<16xf32, #tpu.memory_space<hbm>>) target(%arg16 : memref<16xf32, #tpu.memory_space<vmem>>) target_semaphore(%run_scoped3A : memref<!tpu.dma_semaphore, #tpu.memory_space<semaphore_mem>>)
      tpu.wait_dma2 semaphore(%run_scoped3A : memref<!tpu.dma_semaphore, #tpu.memory_space<semaphore_mem>>) src(%arg6 : memref<16xf32, #tpu.memory_space<hbm>>) dst(%arg16 : memref<16xf32, #tpu.memory_space<vmem>>)
      tpu.yield
    }) : () -> ()
    "tpu.region"() ({
      %run_scoped3A = tpu.sem_alloc : memref<!tpu.dma_semaphore, #tpu.memory_space<semaphore_mem>>
      tpu.enqueue_dma source(%arg7 : memref<16xf32, #tpu.memory_space<hbm>>) target(%arg17 : memref<16xf32, #tpu.memory_space<vmem>>) target_semaphore(%run_scoped3A : memref<!tpu.dma_semaphore, #tpu.memory_space<semaphore_mem>>)
      tpu.wait_dma2 semaphore(%run_scoped3A : memref<!tpu.dma_semaphore, #tpu.memory_space<semaphore_mem>>) src(%arg7 : memref<16xf32, #tpu.memory_space<hbm>>) dst(%arg17 : memref<16xf32, #tpu.memory_space<vmem>>)
      tpu.yield
    }) : () -> ()
    "tpu.region"() ({
      %run_scoped3A = tpu.sem_alloc : memref<!tpu.dma_semaphore, #tpu.memory_space<semaphore_mem>>
      tpu.enqueue_dma source(%arg8 : memref<16xi32, #tpu.memory_space<hbm>>) target(%arg18 : memref<16xi32, #tpu.memory_space<vmem>>) target_semaphore(%run_scoped3A : memref<!tpu.dma_semaphore, #tpu.memory_space<semaphore_mem>>)
      tpu.wait_dma2 semaphore(%run_scoped3A : memref<!tpu.dma_semaphore, #tpu.memory_space<semaphore_mem>>) src(%arg8 : memref<16xi32, #tpu.memory_space<hbm>>) dst(%arg18 : memref<16xi32, #tpu.memory_space<vmem>>)
      tpu.yield
    }) : () -> ()
    "tpu.region"() ({
      %run_scoped3A = tpu.sem_alloc : memref<!tpu.dma_semaphore, #tpu.memory_space<semaphore_mem>>
      tpu.enqueue_dma source(%arg9 : memref<16xi32, #tpu.memory_space<hbm>>) target(%arg19 : memref<16xi32, #tpu.memory_space<vmem>>) target_semaphore(%run_scoped3A : memref<!tpu.dma_semaphore, #tpu.memory_space<semaphore_mem>>)
      tpu.wait_dma2 semaphore(%run_scoped3A : memref<!tpu.dma_semaphore, #tpu.memory_space<semaphore_mem>>) src(%arg9 : memref<16xi32, #tpu.memory_space<hbm>>) dst(%arg19 : memref<16xi32, #tpu.memory_space<vmem>>)
      tpu.yield
    }) : () -> ()
    %get3A = arith.constant 0 : index
    %get3A_3 = tpu.vector_load %arg16[%get3A] {strides = array<i32>} : memref<16xf32, #tpu.memory_space<vmem>>, vector<16xf32>,
    %get3A_4 = arith.constant 0 : index
    %get3A_5 = tpu.vector_load %arg17[%get3A_4] {strides = array<i32>} : memref<16xf32, #tpu.memory_space<vmem>>, vector<16xf32>,
    %get3A_6 = arith.constant 0 : index
    %get3A_7 = tpu.vector_load %arg18[%get3A_6] {strides = array<i32>} : memref<16xi32, #tpu.memory_space<vmem>>, vector<16xi32>,
    %get3A_8 = arith.constant 0 : index
    %get3A_9 = tpu.vector_load %arg19[%get3A_8] {strides = array<i32>} : memref<16xi32, #tpu.memory_space<vmem>>, vector<16xi32>,
    %scan3A = arith.constant 0 : i32
    %scan3A_10 = arith.constant 0 : i32
    %scan3A_11 = arith.constant 32 : i32
    %scan3A_12 = arith.addi %scan3A_10, %scan3A_11 : i32
    %scan3A_13 = arith.constant 1 : i32
    scf.for %scan3A_15 = %scan3A_10 to %scan3A_12 step %scan3A_13  : i32 {
      %mul3A_16 = arith.constant 16 : i32
      %mul3A_17 = arith.muli %scan3A_15, %mul3A_16 : i32
      %get3A_18 = arith.index_cast %mul3A_17 : i32 to index
      %get3A_19 = tpu.vector_load %arg14[%get3A_18] {strides = array<i32>} : memref<512xf32, #tpu.memory_space<vmem>>, vector<16xf32>,
      %max3A = arith.maximumf %get3A_19, %get3A_3 : vector<16xf32>
      %min3A = arith.minimumf %max3A, %get3A_5 : vector<16xf32>
      %broadcast_in_dim3A = arith.constant 0 : i32
      %broadcast_in_dim3A_20 = vector.broadcast %broadcast_in_dim3A : i32 to vector<16xi32>
      %add3A_21 = arith.constant 2048 : i32
      %add3A_22 = vector.broadcast %add3A_21 : i32 to vector<16xi32>
      %add3A_23 = arith.addi %broadcast_in_dim3A_20, %add3A_22 : vector<16xi32>
      %sub3A = arith.constant 1 : i32
      %sub3A_24 = vector.broadcast %sub3A : i32 to vector<16xi32>
      %sub3A_25 = arith.subi %add3A_23, %sub3A_24 : vector<16xi32>
      %gather3A = tpu.vector_load_idx %arg11[%sub3A_25] : memref<4096xf32, #tpu.memory_space<vmem>>[vector<16xi32>], vector<16xf32>,
      %le3A = arith.cmpf ole, %gather3A, %min3A : vector<16xf32>
      %select_n3A = arith.select %le3A, %add3A_23, %broadcast_in_dim3A_20 : vector<16xi1>, vector<16xi32>
      %add3A_26 = arith.constant 1024 : i32
      %add3A_27 = vector.broadcast %add3A_26 : i32 to vector<16xi32>
      %add3A_28 = arith.addi %select_n3A, %add3A_27 : vector<16xi32>
      %sub3A_29 = arith.constant 1 : i32
      %sub3A_30 = vector.broadcast %sub3A_29 : i32 to vector<16xi32>
      %sub3A_31 = arith.subi %add3A_28, %sub3A_30 : vector<16xi32>
      %gather3A_32 = tpu.vector_load_idx %arg11[%sub3A_31] : memref<4096xf32, #tpu.memory_space<vmem>>[vector<16xi32>], vector<16xf32>,
      %le3A_33 = arith.cmpf ole, %gather3A_32, %min3A : vector<16xf32>
      %select_n3A_34 = arith.select %le3A_33, %add3A_28, %select_n3A : vector<16xi1>, vector<16xi32>
      %add3A_35 = arith.constant 512 : i32
      %add3A_36 = vector.broadcast %add3A_35 : i32 to vector<16xi32>
      %add3A_37 = arith.addi %select_n3A_34, %add3A_36 : vector<16xi32>
      %sub3A_38 = arith.constant 1 : i32
      %sub3A_39 = vector.broadcast %sub3A_38 : i32 to vector<16xi32>
      %sub3A_40 = arith.subi %add3A_37, %sub3A_39 : vector<16xi32>
      %gather3A_41 = tpu.vector_load_idx %arg11[%sub3A_40] : memref<4096xf32, #tpu.memory_space<vmem>>[vector<16xi32>], vector<16xf32>,
      %le3A_42 = arith.cmpf ole, %gather3A_41, %min3A : vector<16xf32>
      %select_n3A_43 = arith.select %le3A_42, %add3A_37, %select_n3A_34 : vector<16xi1>, vector<16xi32>
      %add3A_44 = arith.constant 256 : i32
      %add3A_45 = vector.broadcast %add3A_44 : i32 to vector<16xi32>
      %add3A_46 = arith.addi %select_n3A_43, %add3A_45 : vector<16xi32>
      %sub3A_47 = arith.constant 1 : i32
      %sub3A_48 = vector.broadcast %sub3A_47 : i32 to vector<16xi32>
      %sub3A_49 = arith.subi %add3A_46, %sub3A_48 : vector<16xi32>
      %gather3A_50 = tpu.vector_load_idx %arg11[%sub3A_49] : memref<4096xf32, #tpu.memory_space<vmem>>[vector<16xi32>], vector<16xf32>,
      %le3A_51 = arith.cmpf ole, %gather3A_50, %min3A : vector<16xf32>
      %select_n3A_52 = arith.select %le3A_51, %add3A_46, %select_n3A_43 : vector<16xi1>, vector<16xi32>
      %add3A_53 = arith.constant 128 : i32
      %add3A_54 = vector.broadcast %add3A_53 : i32 to vector<16xi32>
      %add3A_55 = arith.addi %select_n3A_52, %add3A_54 : vector<16xi32>
      %sub3A_56 = arith.constant 1 : i32
      %sub3A_57 = vector.broadcast %sub3A_56 : i32 to vector<16xi32>
      %sub3A_58 = arith.subi %add3A_55, %sub3A_57 : vector<16xi32>
      %gather3A_59 = tpu.vector_load_idx %arg11[%sub3A_58] : memref<4096xf32, #tpu.memory_space<vmem>>[vector<16xi32>], vector<16xf32>,
      %le3A_60 = arith.cmpf ole, %gather3A_59, %min3A : vector<16xf32>
      %select_n3A_61 = arith.select %le3A_60, %add3A_55, %select_n3A_52 : vector<16xi1>, vector<16xi32>
      %add3A_62 = arith.constant 64 : i32
      %add3A_63 = vector.broadcast %add3A_62 : i32 to vector<16xi32>
      %add3A_64 = arith.addi %select_n3A_61, %add3A_63 : vector<16xi32>
      %sub3A_65 = arith.constant 1 : i32
      %sub3A_66 = vector.broadcast %sub3A_65 : i32 to vector<16xi32>
      %sub3A_67 = arith.subi %add3A_64, %sub3A_66 : vector<16xi32>
      %gather3A_68 = tpu.vector_load_idx %arg11[%sub3A_67] : memref<4096xf32, #tpu.memory_space<vmem>>[vector<16xi32>], vector<16xf32>,
      %le3A_69 = arith.cmpf ole, %gather3A_68, %min3A : vector<16xf32>
      %select_n3A_70 = arith.select %le3A_69, %add3A_64, %select_n3A_61 : vector<16xi1>, vector<16xi32>
      %add3A_71 = arith.constant 32 : i32
      %add3A_72 = vector.broadcast %add3A_71 : i32 to vector<16xi32>
      %add3A_73 = arith.addi %select_n3A_70, %add3A_72 : vector<16xi32>
      %sub3A_74 = arith.constant 1 : i32
      %sub3A_75 = vector.broadcast %sub3A_74 : i32 to vector<16xi32>
      %sub3A_76 = arith.subi %add3A_73, %sub3A_75 : vector<16xi32>
      %gather3A_77 = tpu.vector_load_idx %arg11[%sub3A_76] : memref<4096xf32, #tpu.memory_space<vmem>>[vector<16xi32>], vector<16xf32>,
      %le3A_78 = arith.cmpf ole, %gather3A_77, %min3A : vector<16xf32>
      %select_n3A_79 = arith.select %le3A_78, %add3A_73, %select_n3A_70 : vector<16xi1>, vector<16xi32>
      %add3A_80 = arith.constant 16 : i32
      %add3A_81 = vector.broadcast %add3A_80 : i32 to vector<16xi32>
      %add3A_82 = arith.addi %select_n3A_79, %add3A_81 : vector<16xi32>
      %sub3A_83 = arith.constant 1 : i32
      %sub3A_84 = vector.broadcast %sub3A_83 : i32 to vector<16xi32>
      %sub3A_85 = arith.subi %add3A_82, %sub3A_84 : vector<16xi32>
      %gather3A_86 = tpu.vector_load_idx %arg11[%sub3A_85] : memref<4096xf32, #tpu.memory_space<vmem>>[vector<16xi32>], vector<16xf32>,
      %le3A_87 = arith.cmpf ole, %gather3A_86, %min3A : vector<16xf32>
      %select_n3A_88 = arith.select %le3A_87, %add3A_82, %select_n3A_79 : vector<16xi1>, vector<16xi32>
      %add3A_89 = arith.constant 8 : i32
      %add3A_90 = vector.broadcast %add3A_89 : i32 to vector<16xi32>
      %add3A_91 = arith.addi %select_n3A_88, %add3A_90 : vector<16xi32>
      %sub3A_92 = arith.constant 1 : i32
      %sub3A_93 = vector.broadcast %sub3A_92 : i32 to vector<16xi32>
      %sub3A_94 = arith.subi %add3A_91, %sub3A_93 : vector<16xi32>
      %gather3A_95 = tpu.vector_load_idx %arg11[%sub3A_94] : memref<4096xf32, #tpu.memory_space<vmem>>[vector<16xi32>], vector<16xf32>,
      %le3A_96 = arith.cmpf ole, %gather3A_95, %min3A : vector<16xf32>
      %select_n3A_97 = arith.select %le3A_96, %add3A_91, %select_n3A_88 : vector<16xi1>, vector<16xi32>
      %add3A_98 = arith.constant 4 : i32
      %add3A_99 = vector.broadcast %add3A_98 : i32 to vector<16xi32>
      %add3A_100 = arith.addi %select_n3A_97, %add3A_99 : vector<16xi32>
      %sub3A_101 = arith.constant 1 : i32
      %sub3A_102 = vector.broadcast %sub3A_101 : i32 to vector<16xi32>
      %sub3A_103 = arith.subi %add3A_100, %sub3A_102 : vector<16xi32>
      %gather3A_104 = tpu.vector_load_idx %arg11[%sub3A_103] : memref<4096xf32, #tpu.memory_space<vmem>>[vector<16xi32>], vector<16xf32>,
      %le3A_105 = arith.cmpf ole, %gather3A_104, %min3A : vector<16xf32>
      %select_n3A_106 = arith.select %le3A_105, %add3A_100, %select_n3A_97 : vector<16xi1>, vector<16xi32>
      %add3A_107 = arith.constant 2 : i32
      %add3A_108 = vector.broadcast %add3A_107 : i32 to vector<16xi32>
      %add3A_109 = arith.addi %select_n3A_106, %add3A_108 : vector<16xi32>
      %sub3A_110 = arith.constant 1 : i32
      %sub3A_111 = vector.broadcast %sub3A_110 : i32 to vector<16xi32>
      %sub3A_112 = arith.subi %add3A_109, %sub3A_111 : vector<16xi32>
      %gather3A_113 = tpu.vector_load_idx %arg11[%sub3A_112] : memref<4096xf32, #tpu.memory_space<vmem>>[vector<16xi32>], vector<16xf32>,
      %le3A_114 = arith.cmpf ole, %gather3A_113, %min3A : vector<16xf32>
      %select_n3A_115 = arith.select %le3A_114, %add3A_109, %select_n3A_106 : vector<16xi1>, vector<16xi32>
      %add3A_116 = arith.constant 1 : i32
      %add3A_117 = vector.broadcast %add3A_116 : i32 to vector<16xi32>
      %add3A_118 = arith.addi %select_n3A_115, %add3A_117 : vector<16xi32>
      %sub3A_119 = arith.constant 1 : i32
      %sub3A_120 = vector.broadcast %sub3A_119 : i32 to vector<16xi32>
      %sub3A_121 = arith.subi %add3A_118, %sub3A_120 : vector<16xi32>
      %gather3A_122 = tpu.vector_load_idx %arg11[%sub3A_121] : memref<4096xf32, #tpu.memory_space<vmem>>[vector<16xi32>], vector<16xf32>,
      %le3A_123 = arith.cmpf ole, %gather3A_122, %min3A : vector<16xf32>
      %select_n3A_124 = arith.select %le3A_123, %add3A_118, %select_n3A_115 : vector<16xi1>, vector<16xi32>
      %sub3A_125 = arith.constant 1 : i32
      %sub3A_126 = vector.broadcast %sub3A_125 : i32 to vector<16xi32>
      %sub3A_127 = arith.subi %select_n3A_124, %sub3A_126 : vector<16xi32>
      %jit3A = arith.constant 0 : i32
      %max3A_128 = vector.broadcast %jit3A : i32 to vector<16xi32>
      %max3A_129 = arith.maxsi %max3A_128, %sub3A_127 : vector<16xi32>
      %min3A_130 = arith.minsi %get3A_7, %max3A_129 : vector<16xi32>
      %gather3A_131 = tpu.vector_load_idx %arg11[%min3A_130] : memref<4096xf32, #tpu.memory_space<vmem>>[vector<16xi32>], vector<16xf32>,
      %add3A_132 = arith.constant 1 : i32
      %add3A_133 = vector.broadcast %add3A_132 : i32 to vector<16xi32>
      %add3A_134 = arith.addi %min3A_130, %add3A_133 : vector<16xi32>
      %gather3A_135 = tpu.vector_load_idx %arg11[%add3A_134] : memref<4096xf32, #tpu.memory_space<vmem>>[vector<16xi32>], vector<16xf32>,
      %broadcast_in_dim3A_136 = arith.constant 0 : i32
      %broadcast_in_dim3A_137 = vector.broadcast %broadcast_in_dim3A_136 : i32 to vector<16xi32>
      %add3A_138 = arith.constant 2048 : i32
      %add3A_139 = vector.broadcast %add3A_138 : i32 to vector<16xi32>
      %add3A_140 = arith.addi %broadcast_in_dim3A_137, %add3A_139 : vector<16xi32>
      %sub3A_141 = arith.constant 1 : i32
      %sub3A_142 = vector.broadcast %sub3A_141 : i32 to vector<16xi32>
      %sub3A_143 = arith.subi %add3A_140, %sub3A_142 : vector<16xi32>
      %gather3A_144 = tpu.vector_load_idx %arg13[%sub3A_143] : memref<4096xi32, #tpu.memory_space<vmem>>[vector<16xi32>], vector<16xi32>,
      %le3A_145 = arith.cmpi sle, %add3A_140, %get3A_9 : vector<16xi32>
      %le3A_146 = arith.cmpi sle, %gather3A_144, %min3A_130 : vector<16xi32>
      %and3A = arith.andi %le3A_145, %le3A_146 : vector<16xi1>
      %select_n3A_147 = arith.select %and3A, %add3A_140, %broadcast_in_dim3A_137 : vector<16xi1>, vector<16xi32>
      %add3A_148 = arith.constant 1024 : i32
      %add3A_149 = vector.broadcast %add3A_148 : i32 to vector<16xi32>
      %add3A_150 = arith.addi %select_n3A_147, %add3A_149 : vector<16xi32>
      %sub3A_151 = arith.constant 1 : i32
      %sub3A_152 = vector.broadcast %sub3A_151 : i32 to vector<16xi32>
      %sub3A_153 = arith.subi %add3A_150, %sub3A_152 : vector<16xi32>
      %gather3A_154 = tpu.vector_load_idx %arg13[%sub3A_153] : memref<4096xi32, #tpu.memory_space<vmem>>[vector<16xi32>], vector<16xi32>,
      %le3A_155 = arith.cmpi sle, %add3A_150, %get3A_9 : vector<16xi32>
      %le3A_156 = arith.cmpi sle, %gather3A_154, %min3A_130 : vector<16xi32>
      %and3A_157 = arith.andi %le3A_155, %le3A_156 : vector<16xi1>
      %select_n3A_158 = arith.select %and3A_157, %add3A_150, %select_n3A_147 : vector<16xi1>, vector<16xi32>
      %add3A_159 = arith.constant 512 : i32
      %add3A_160 = vector.broadcast %add3A_159 : i32 to vector<16xi32>
      %add3A_161 = arith.addi %select_n3A_158, %add3A_160 : vector<16xi32>
      %sub3A_162 = arith.constant 1 : i32
      %sub3A_163 = vector.broadcast %sub3A_162 : i32 to vector<16xi32>
      %sub3A_164 = arith.subi %add3A_161, %sub3A_163 : vector<16xi32>
      %gather3A_165 = tpu.vector_load_idx %arg13[%sub3A_164] : memref<4096xi32, #tpu.memory_space<vmem>>[vector<16xi32>], vector<16xi32>,
      %le3A_166 = arith.cmpi sle, %add3A_161, %get3A_9 : vector<16xi32>
      %le3A_167 = arith.cmpi sle, %gather3A_165, %min3A_130 : vector<16xi32>
      %and3A_168 = arith.andi %le3A_166, %le3A_167 : vector<16xi1>
      %select_n3A_169 = arith.select %and3A_168, %add3A_161, %select_n3A_158 : vector<16xi1>, vector<16xi32>
      %add3A_170 = arith.constant 256 : i32
      %add3A_171 = vector.broadcast %add3A_170 : i32 to vector<16xi32>
      %add3A_172 = arith.addi %select_n3A_169, %add3A_171 : vector<16xi32>
      %sub3A_173 = arith.constant 1 : i32
      %sub3A_174 = vector.broadcast %sub3A_173 : i32 to vector<16xi32>
      %sub3A_175 = arith.subi %add3A_172, %sub3A_174 : vector<16xi32>
      %gather3A_176 = tpu.vector_load_idx %arg13[%sub3A_175] : memref<4096xi32, #tpu.memory_space<vmem>>[vector<16xi32>], vector<16xi32>,
      %le3A_177 = arith.cmpi sle, %add3A_172, %get3A_9 : vector<16xi32>
      %le3A_178 = arith.cmpi sle, %gather3A_176, %min3A_130 : vector<16xi32>
      %and3A_179 = arith.andi %le3A_177, %le3A_178 : vector<16xi1>
      %select_n3A_180 = arith.select %and3A_179, %add3A_172, %select_n3A_169 : vector<16xi1>, vector<16xi32>
      %add3A_181 = arith.constant 128 : i32
      %add3A_182 = vector.broadcast %add3A_181 : i32 to vector<16xi32>
      %add3A_183 = arith.addi %select_n3A_180, %add3A_182 : vector<16xi32>
      %sub3A_184 = arith.constant 1 : i32
      %sub3A_185 = vector.broadcast %sub3A_184 : i32 to vector<16xi32>
      %sub3A_186 = arith.subi %add3A_183, %sub3A_185 : vector<16xi32>
      %gather3A_187 = tpu.vector_load_idx %arg13[%sub3A_186] : memref<4096xi32, #tpu.memory_space<vmem>>[vector<16xi32>], vector<16xi32>,
      %le3A_188 = arith.cmpi sle, %add3A_183, %get3A_9 : vector<16xi32>
      %le3A_189 = arith.cmpi sle, %gather3A_187, %min3A_130 : vector<16xi32>
      %and3A_190 = arith.andi %le3A_188, %le3A_189 : vector<16xi1>
      %select_n3A_191 = arith.select %and3A_190, %add3A_183, %select_n3A_180 : vector<16xi1>, vector<16xi32>
      %add3A_192 = arith.constant 64 : i32
      %add3A_193 = vector.broadcast %add3A_192 : i32 to vector<16xi32>
      %add3A_194 = arith.addi %select_n3A_191, %add3A_193 : vector<16xi32>
      %sub3A_195 = arith.constant 1 : i32
      %sub3A_196 = vector.broadcast %sub3A_195 : i32 to vector<16xi32>
      %sub3A_197 = arith.subi %add3A_194, %sub3A_196 : vector<16xi32>
      %gather3A_198 = tpu.vector_load_idx %arg13[%sub3A_197] : memref<4096xi32, #tpu.memory_space<vmem>>[vector<16xi32>], vector<16xi32>,
      %le3A_199 = arith.cmpi sle, %add3A_194, %get3A_9 : vector<16xi32>
      %le3A_200 = arith.cmpi sle, %gather3A_198, %min3A_130 : vector<16xi32>
      %and3A_201 = arith.andi %le3A_199, %le3A_200 : vector<16xi1>
      %select_n3A_202 = arith.select %and3A_201, %add3A_194, %select_n3A_191 : vector<16xi1>, vector<16xi32>
      %add3A_203 = arith.constant 32 : i32
      %add3A_204 = vector.broadcast %add3A_203 : i32 to vector<16xi32>
      %add3A_205 = arith.addi %select_n3A_202, %add3A_204 : vector<16xi32>
      %sub3A_206 = arith.constant 1 : i32
      %sub3A_207 = vector.broadcast %sub3A_206 : i32 to vector<16xi32>
      %sub3A_208 = arith.subi %add3A_205, %sub3A_207 : vector<16xi32>
      %gather3A_209 = tpu.vector_load_idx %arg13[%sub3A_208] : memref<4096xi32, #tpu.memory_space<vmem>>[vector<16xi32>], vector<16xi32>,
      %le3A_210 = arith.cmpi sle, %add3A_205, %get3A_9 : vector<16xi32>
      %le3A_211 = arith.cmpi sle, %gather3A_209, %min3A_130 : vector<16xi32>
      %and3A_212 = arith.andi %le3A_210, %le3A_211 : vector<16xi1>
      %select_n3A_213 = arith.select %and3A_212, %add3A_205, %select_n3A_202 : vector<16xi1>, vector<16xi32>
      %add3A_214 = arith.constant 16 : i32
      %add3A_215 = vector.broadcast %add3A_214 : i32 to vector<16xi32>
      %add3A_216 = arith.addi %select_n3A_213, %add3A_215 : vector<16xi32>
      %sub3A_217 = arith.constant 1 : i32
      %sub3A_218 = vector.broadcast %sub3A_217 : i32 to vector<16xi32>
      %sub3A_219 = arith.subi %add3A_216, %sub3A_218 : vector<16xi32>
      %gather3A_220 = tpu.vector_load_idx %arg13[%sub3A_219] : memref<4096xi32, #tpu.memory_space<vmem>>[vector<16xi32>], vector<16xi32>,
      %le3A_221 = arith.cmpi sle, %add3A_216, %get3A_9 : vector<16xi32>
      %le3A_222 = arith.cmpi sle, %gather3A_220, %min3A_130 : vector<16xi32>
      %and3A_223 = arith.andi %le3A_221, %le3A_222 : vector<16xi1>
      %select_n3A_224 = arith.select %and3A_223, %add3A_216, %select_n3A_213 : vector<16xi1>, vector<16xi32>
      %add3A_225 = arith.constant 8 : i32
      %add3A_226 = vector.broadcast %add3A_225 : i32 to vector<16xi32>
      %add3A_227 = arith.addi %select_n3A_224, %add3A_226 : vector<16xi32>
      %sub3A_228 = arith.constant 1 : i32
      %sub3A_229 = vector.broadcast %sub3A_228 : i32 to vector<16xi32>
      %sub3A_230 = arith.subi %add3A_227, %sub3A_229 : vector<16xi32>
      %gather3A_231 = tpu.vector_load_idx %arg13[%sub3A_230] : memref<4096xi32, #tpu.memory_space<vmem>>[vector<16xi32>], vector<16xi32>,
      %le3A_232 = arith.cmpi sle, %add3A_227, %get3A_9 : vector<16xi32>
      %le3A_233 = arith.cmpi sle, %gather3A_231, %min3A_130 : vector<16xi32>
      %and3A_234 = arith.andi %le3A_232, %le3A_233 : vector<16xi1>
      %select_n3A_235 = arith.select %and3A_234, %add3A_227, %select_n3A_224 : vector<16xi1>, vector<16xi32>
      %add3A_236 = arith.constant 4 : i32
      %add3A_237 = vector.broadcast %add3A_236 : i32 to vector<16xi32>
      %add3A_238 = arith.addi %select_n3A_235, %add3A_237 : vector<16xi32>
      %sub3A_239 = arith.constant 1 : i32
      %sub3A_240 = vector.broadcast %sub3A_239 : i32 to vector<16xi32>
      %sub3A_241 = arith.subi %add3A_238, %sub3A_240 : vector<16xi32>
      %gather3A_242 = tpu.vector_load_idx %arg13[%sub3A_241] : memref<4096xi32, #tpu.memory_space<vmem>>[vector<16xi32>], vector<16xi32>,
      %le3A_243 = arith.cmpi sle, %add3A_238, %get3A_9 : vector<16xi32>
      %le3A_244 = arith.cmpi sle, %gather3A_242, %min3A_130 : vector<16xi32>
      %and3A_245 = arith.andi %le3A_243, %le3A_244 : vector<16xi1>
      %select_n3A_246 = arith.select %and3A_245, %add3A_238, %select_n3A_235 : vector<16xi1>, vector<16xi32>
      %add3A_247 = arith.constant 2 : i32
      %add3A_248 = vector.broadcast %add3A_247 : i32 to vector<16xi32>
      %add3A_249 = arith.addi %select_n3A_246, %add3A_248 : vector<16xi32>
      %sub3A_250 = arith.constant 1 : i32
      %sub3A_251 = vector.broadcast %sub3A_250 : i32 to vector<16xi32>
      %sub3A_252 = arith.subi %add3A_249, %sub3A_251 : vector<16xi32>
      %gather3A_253 = tpu.vector_load_idx %arg13[%sub3A_252] : memref<4096xi32, #tpu.memory_space<vmem>>[vector<16xi32>], vector<16xi32>,
      %le3A_254 = arith.cmpi sle, %add3A_249, %get3A_9 : vector<16xi32>
      %le3A_255 = arith.cmpi sle, %gather3A_253, %min3A_130 : vector<16xi32>
      %and3A_256 = arith.andi %le3A_254, %le3A_255 : vector<16xi1>
      %select_n3A_257 = arith.select %and3A_256, %add3A_249, %select_n3A_246 : vector<16xi1>, vector<16xi32>
      %add3A_258 = arith.constant 1 : i32
      %add3A_259 = vector.broadcast %add3A_258 : i32 to vector<16xi32>
      %add3A_260 = arith.addi %select_n3A_257, %add3A_259 : vector<16xi32>
      %sub3A_261 = arith.constant 1 : i32
      %sub3A_262 = vector.broadcast %sub3A_261 : i32 to vector<16xi32>
      %sub3A_263 = arith.subi %add3A_260, %sub3A_262 : vector<16xi32>
      %gather3A_264 = tpu.vector_load_idx %arg13[%sub3A_263] : memref<4096xi32, #tpu.memory_space<vmem>>[vector<16xi32>], vector<16xi32>,
      %le3A_265 = arith.cmpi sle, %add3A_260, %get3A_9 : vector<16xi32>
      %le3A_266 = arith.cmpi sle, %gather3A_264, %min3A_130 : vector<16xi32>
      %and3A_267 = arith.andi %le3A_265, %le3A_266 : vector<16xi1>
      %select_n3A_268 = arith.select %and3A_267, %add3A_260, %select_n3A_257 : vector<16xi1>, vector<16xi32>
      %sub3A_269 = arith.constant 1 : i32
      %sub3A_270 = vector.broadcast %sub3A_269 : i32 to vector<16xi32>
      %sub3A_271 = arith.subi %select_n3A_268, %sub3A_270 : vector<16xi32>
      %gather3A_272 = tpu.vector_load_idx %arg12[%sub3A_271] : memref<4096xf32, #tpu.memory_space<vmem>>[vector<16xi32>], vector<16xf32>,
      %jit3A_273 = arith.constant -2.000000e+00 : f32
      %jit3A_274 = arith.constant 2.000000e+00 : f32
      %max3A_275 = vector.broadcast %jit3A_273 : f32 to vector<16xf32>
      %max3A_276 = arith.maximumf %max3A_275, %gather3A_272 : vector<16xf32>
      %min3A_277 = vector.broadcast %jit3A_274 : f32 to vector<16xf32>
      %min3A_278 = arith.minimumf %min3A_277, %max3A_276 : vector<16xf32>
      %add3A_279 = arith.constant 1 : i32
      %add3A_280 = vector.broadcast %add3A_279 : i32 to vector<16xi32>
      %add3A_281 = arith.addi %sub3A_271, %add3A_280 : vector<16xi32>
      %sub3A_282 = arith.constant 1 : i32
      %sub3A_283 = vector.broadcast %sub3A_282 : i32 to vector<16xi32>
      %sub3A_284 = arith.subi %get3A_9, %sub3A_283 : vector<16xi32>
      %min3A_285 = arith.minsi %add3A_281, %sub3A_284 : vector<16xi32>
      %gather3A_286 = tpu.vector_load_idx %arg13[%min3A_285] : memref<4096xi32, #tpu.memory_space<vmem>>[vector<16xi32>], vector<16xi32>,
      %eq3A = arith.cmpi eq, %min3A_285, %sub3A_271 : vector<16xi32>
      %add3A_287 = arith.constant 1 : i32
      %add3A_288 = vector.broadcast %add3A_287 : i32 to vector<16xi32>
      %add3A_289 = arith.addi %min3A_130, %add3A_288 : vector<16xi32>
      %lt3A = arith.cmpi slt, %add3A_289, %gather3A_286 : vector<16xi32>
      %or3A = arith.ori %eq3A, %lt3A : vector<16xi1>
      %gather3A_290 = tpu.vector_load_idx %arg12[%min3A_285] : memref<4096xf32, #tpu.memory_space<vmem>>[vector<16xi32>], vector<16xf32>,
      %jit3A_291 = arith.constant -2.000000e+00 : f32
      %jit3A_292 = arith.constant 2.000000e+00 : f32
      %max3A_293 = vector.broadcast %jit3A_291 : f32 to vector<16xf32>
      %max3A_294 = arith.maximumf %max3A_293, %gather3A_290 : vector<16xf32>
      %min3A_295 = vector.broadcast %jit3A_292 : f32 to vector<16xf32>
      %min3A_296 = arith.minimumf %min3A_295, %max3A_294 : vector<16xf32>
      %select_n3A_297 = arith.select %or3A, %min3A_278, %min3A_296 : vector<16xi1>, vector<16xf32>
      %sub3A_298 = arith.subf %select_n3A_297, %min3A_278 : vector<16xf32>
      %sub3A_299 = arith.subf %gather3A_135, %gather3A_131 : vector<16xf32>
      %div3A = arith.divf %sub3A_298, %sub3A_299 : vector<16xf32>
      %sub3A_300 = arith.subf %min3A, %gather3A_131 : vector<16xf32>
      %mul3A_301 = arith.mulf %div3A, %sub3A_300 : vector<16xf32>
      %add3A_302 = arith.addf %min3A_278, %mul3A_301 : vector<16xf32>
      %mul3A_303 = arith.constant 16 : i32
      %mul3A_304 = arith.muli %scan3A_15, %mul3A_303 : i32
      %swap3A = arith.index_cast %mul3A_304 : i32 to index
      %swap3A_305 = tpu.vector_load %arg15[%swap3A] {strides = array<i32>} : memref<512xf32, #tpu.memory_space<vmem>>, vector<16xf32>,
      tpu.vector_store %arg15[%swap3A], %add3A_302 {strides = array<i32>} : memref<512xf32, #tpu.memory_space<vmem>>, vector<16xf32>,
    }
    %scan3A_14 = arith.constant 32 : i32
    "tpu.region"() ({
      %run_scoped3A = tpu.sem_alloc : memref<!tpu.dma_semaphore, #tpu.memory_space<semaphore_mem>>
      %dma_start3A = tpu.memref_slice %arg10[%mul3A_2] : memref<16384xf32, #tpu.memory_space<hbm>> -> memref<512xf32, #tpu.memory_space<hbm>>
      %dma_start3A_15 = tpu.memref_slice %arg10[%mul3A_2] : memref<16384xf32, #tpu.memory_space<hbm>> -> memref<512xf32, #tpu.memory_space<hbm>>
      tpu.enqueue_dma source(%arg15 : memref<512xf32, #tpu.memory_space<vmem>>) target(%dma_start3A_15 : memref<512xf32, #tpu.memory_space<hbm>>) target_semaphore(%run_scoped3A : memref<!tpu.dma_semaphore, #tpu.memory_space<semaphore_mem>>)
      %dma_wait3A = tpu.memref_slice %arg10[%mul3A_2] : memref<16384xf32, #tpu.memory_space<hbm>> -> memref<512xf32, #tpu.memory_space<hbm>>
      %dma_wait3A_16 = tpu.memref_slice %arg10[%mul3A_2] : memref<16384xf32, #tpu.memory_space<hbm>> -> memref<512xf32, #tpu.memory_space<hbm>>
      tpu.wait_dma2 semaphore(%run_scoped3A : memref<!tpu.dma_semaphore, #tpu.memory_space<semaphore_mem>>) src(%arg15 : memref<512xf32, #tpu.memory_space<vmem>>) dst(%dma_wait3A_16 : memref<512xf32, #tpu.memory_space<hbm>>)
      tpu.yield
    }) : () -> ()
    return
  }
}

module attributes {stable_mosaic.version = 14 : i64} {
  func.func @_pava_body(%arg0: memref<4096xf32, #tpu.memory_space<smem>>, %arg1: memref<1xi32, #tpu.memory_space<smem>>, %arg2: memref<4096xf32, #tpu.memory_space<smem>>, %arg3: memref<4096xi32, #tpu.memory_space<smem>>, %arg4: memref<1xi32, #tpu.memory_space<smem>>, %arg5: memref<4096xf32, #tpu.memory_space<smem>>) attributes {dimension_semantics = [], scalar_prefetch = 0 : i64, scratch_operands = 1 : i64, tpu.core_type = #tpu.core_type<tc>} {
    %get3A = arith.constant 0 : index
    %get3A_0 = memref.load %arg1[%get3A] : memref<1xi32, #tpu.memory_space<smem>>
    %while3A = arith.constant 0 : i32
    %while3A_1 = arith.constant -1 : i32
    %while3A_2 = arith.constant 0.000000e+00 : f32
    %while3A_3 = arith.constant 0.000000e+00 : f32
    %while3A_4:4 = scf.while (%while3A_7 = %while3A, %while3A_8 = %while3A_1, %while3A_9 = %while3A_2, %while3A_10 = %while3A_3) : (i32, i32, f32, f32) -> (i32, i32, f32, f32) {
      %lt3A = arith.cmpi slt, %while3A_7, %get3A_0 : i32
      scf.condition(%lt3A) %while3A_7, %while3A_8, %while3A_9, %while3A_10 : i32, i32, f32, f32
    } do {
    ^bb0(%while3A_7: i32, %while3A_8: i32, %while3A_9: f32, %while3A_10: f32):
      %get3A_11 = arith.index_cast %while3A_7 : i32 to index
      %get3A_12 = memref.load %arg0[%get3A_11] : memref<4096xf32, #tpu.memory_space<smem>>
      %while3A_13 = arith.constant 1.000000e+00 : f32
      %while3A_14:5 = scf.while (%while3A_27 = %get3A_12, %while3A_28 = %while3A_13, %while3A_29 = %while3A_8, %while3A_30 = %while3A_9, %while3A_31 = %while3A_10) : (f32, f32, i32, f32, f32) -> (f32, f32, i32, f32, f32) {
        %ge3A = arith.constant 0 : i32
        %ge3A_32 = arith.cmpi sge, %while3A_29, %ge3A : i32
        %ge3A_33 = arith.cmpf oge, %while3A_30, %while3A_27 : f32
        %and3A = arith.andi %ge3A_32, %ge3A_33 : i1
        scf.condition(%and3A) %while3A_27, %while3A_28, %while3A_29, %while3A_30, %while3A_31 : f32, f32, i32, f32, f32
      } do {
      ^bb0(%while3A_27: f32, %while3A_28: f32, %while3A_29: i32, %while3A_30: f32, %while3A_31: f32):
        %add3A_32 = arith.addf %while3A_31, %while3A_28 : f32
        %mul3A = arith.mulf %while3A_30, %while3A_31 : f32
        %mul3A_33 = arith.mulf %while3A_27, %while3A_28 : f32
        %add3A_34 = arith.addf %mul3A, %mul3A_33 : f32
        %div3A = arith.divf %add3A_34, %add3A_32 : f32
        %sub3A_35 = arith.constant 1 : i32
        %sub3A_36 = arith.subi %while3A_29, %sub3A_35 : i32
        %max3A = arith.constant 0 : i32
        %max3A_37 = arith.maxsi %sub3A_36, %max3A : i32
        %get3A_38 = arith.index_cast %max3A_37 : i32 to index
        %get3A_39 = memref.load %arg2[%get3A_38] : memref<4096xf32, #tpu.memory_space<smem>>
        %get3A_40 = arith.index_cast %max3A_37 : i32 to index
        %get3A_41 = memref.load %arg5[%get3A_40] : memref<4096xf32, #tpu.memory_space<smem>>
        scf.yield %div3A, %add3A_32, %sub3A_36, %get3A_39, %get3A_41 : f32, f32, i32, f32, f32
      }
      %add3A_15 = arith.constant 1 : i32
      %add3A_16 = arith.addi %while3A_14#2, %add3A_15 : i32
      %swap3A_17 = arith.index_cast %add3A_16 : i32 to index
      %swap3A_18 = memref.load %arg2[%swap3A_17] : memref<4096xf32, #tpu.memory_space<smem>>
      memref.store %while3A_14#0, %arg2[%swap3A_17] : memref<4096xf32, #tpu.memory_space<smem>>
      %swap3A_19 = arith.index_cast %add3A_16 : i32 to index
      %swap3A_20 = memref.load %arg5[%swap3A_19] : memref<4096xf32, #tpu.memory_space<smem>>
      memref.store %while3A_14#1, %arg5[%swap3A_19] : memref<4096xf32, #tpu.memory_space<smem>>
      %add3A_21 = arith.constant 1 : i32
      %add3A_22 = arith.addi %while3A_7, %add3A_21 : i32
      %convert_element_type3A = arith.fptosi %while3A_14#1 : f32 to i32
      %sub3A = arith.subi %add3A_22, %convert_element_type3A : i32
      %swap3A_23 = arith.index_cast %add3A_16 : i32 to index
      %swap3A_24 = memref.load %arg3[%swap3A_23] : memref<4096xi32, #tpu.memory_space<smem>>
      memref.store %sub3A, %arg3[%swap3A_23] : memref<4096xi32, #tpu.memory_space<smem>>
      %add3A_25 = arith.constant 1 : i32
      %add3A_26 = arith.addi %while3A_7, %add3A_25 : i32
      scf.yield %add3A_26, %add3A_16, %while3A_14#0, %while3A_14#1 : i32, i32, f32, f32
    }
    %add3A = arith.constant 1 : i32
    %add3A_5 = arith.addi %while3A_4#1, %add3A : i32
    %swap3A = arith.constant 0 : index
    %swap3A_6 = memref.load %arg4[%swap3A] : memref<1xi32, #tpu.memory_space<smem>>
    memref.store %add3A_5, %arg4[%swap3A] : memref<1xi32, #tpu.memory_space<smem>>
    return
  }
}

module attributes {stable_mosaic.version = 14 : i64} {
  func.func @_fit_body(%arg0: memref<32x128xf32, #tpu.memory_space<vmem>>, %arg1: memref<32x128xf32, #tpu.memory_space<vmem>>, %arg2: memref<4096x1xf32, #tpu.memory_space<vmem>>, %arg3: memref<4096x1xf32, #tpu.memory_space<vmem>>, %arg4: memref<1x1xi32, #tpu.memory_space<vmem>>, %arg5: memref<1x1xf32, #tpu.memory_space<vmem>>, %arg6: memref<1x1xf32, #tpu.memory_space<vmem>>, %arg7: memref<32x128xf32, #tpu.memory_space<vmem>>, %arg8: memref<32x128xf32, #tpu.memory_space<vmem>>, %arg9: memref<32x128xi32, #tpu.memory_space<vmem>>) attributes {dimension_semantics = [], scalar_prefetch = 0 : i64, scratch_operands = 3 : i64, tpu.core_type = #tpu.core_type<tc>} {
    %iota3A = tpu.iota {dimensions = array<i32: 0>} : vector<512x1xi32>
    %iota3A_0 = tpu.iota {dimensions = array<i32: 0>} : vector<32x1xi32>
    %iota3A_1 = tpu.iota {dimensions = array<i32: 1>} : vector<32x128xi32>
    %iota3A_2 = tpu.iota {dimensions = array<i32: 0>} : vector<32x128xi32>
    %get3A = arith.constant 0 : index
    %get3A_3 = arith.constant 0 : index
    %get3A_4 = vector.load %arg0[%get3A, %get3A_3] : memref<32x128xf32, #tpu.memory_space<vmem>>, vector<32x128xf32>
    %get3A_5 = arith.constant 0 : index
    %get3A_6 = arith.constant 0 : index
    %get3A_7 = vector.load %arg1[%get3A_5, %get3A_6] : memref<32x128xf32, #tpu.memory_space<vmem>>, vector<32x128xf32>
    %mul3A = arith.constant 128 : i32
    %mul3A_8 = vector.broadcast %mul3A : i32 to vector<32x128xi32>
    %mul3A_9 = arith.muli %iota3A_2, %mul3A_8 : vector<32x128xi32>
    %add3A = arith.addi %mul3A_9, %iota3A_1 : vector<32x128xi32>
    %shift_right_arithmetic3A = arith.constant 1 : i32
    %shift_right_arithmetic3A_10 = vector.broadcast %shift_right_arithmetic3A : i32 to vector<32x128xi32>
    %shift_right_arithmetic3A_11 = arith.shrsi %add3A, %shift_right_arithmetic3A_10 : vector<32x128xi32>
    %and3A = arith.constant 1 : i32
    %and3A_12 = vector.broadcast %and3A : i32 to vector<32x128xi32>
    %and3A_13 = arith.andi %shift_right_arithmetic3A_11, %and3A_12 : vector<32x128xi32>
    %eq3A = arith.constant 0 : i32
    %eq3A_14 = vector.broadcast %eq3A : i32 to vector<32x128xi32>
    %eq3A_15 = arith.cmpi eq, %and3A_13, %eq3A_14 : vector<32x128xi32>
    %shift_right_arithmetic3A_16 = arith.constant 0 : i32
    %shift_right_arithmetic3A_17 = vector.broadcast %shift_right_arithmetic3A_16 : i32 to vector<32x128xi32>
    %shift_right_arithmetic3A_18 = arith.shrsi %add3A, %shift_right_arithmetic3A_17 : vector<32x128xi32>
    %and3A_19 = arith.constant 1 : i32
    %and3A_20 = vector.broadcast %and3A_19 : i32 to vector<32x128xi32>
    %and3A_21 = arith.andi %shift_right_arithmetic3A_18, %and3A_20 : vector<32x128xi32>
    %eq3A_22 = arith.constant 0 : i32
    %eq3A_23 = vector.broadcast %eq3A_22 : i32 to vector<32x128xi32>
    %eq3A_24 = arith.cmpi eq, %and3A_21, %eq3A_23 : vector<32x128xi32>
    %roll3A = arith.constant 127 : i32
    %roll3A_25 = tpu.dynamic_rotate %get3A_4 by %roll3A dim 1 : vector<32x128xf32>, i32 -> vector<32x128xf32>
    %roll3A_26 = arith.constant 1 : i32
    %roll3A_27 = tpu.dynamic_rotate %get3A_4 by %roll3A_26 dim 1 : vector<32x128xf32>, i32 -> vector<32x128xf32>
    %select_n3A = arith.select %eq3A_24, %roll3A_25, %roll3A_27 : vector<32x128xi1>, vector<32x128xf32>
    %roll3A_28 = arith.constant 127 : i32
    %roll3A_29 = tpu.dynamic_rotate %get3A_7 by %roll3A_28 dim 1 : vector<32x128xf32>, i32 -> vector<32x128xf32>
    %roll3A_30 = arith.constant 1 : i32
    %roll3A_31 = tpu.dynamic_rotate %get3A_7 by %roll3A_30 dim 1 : vector<32x128xf32>, i32 -> vector<32x128xf32>
    %select_n3A_32 = arith.select %eq3A_24, %roll3A_29, %roll3A_31 : vector<32x128xi1>, vector<32x128xf32>
    %eq3A_33 = arith.xori %eq3A_24, %eq3A_15 : vector<32x128xi1>
    %eq3A_34 = arith.constant dense<true> : vector<32x128xi1>
    %eq3A_35 = arith.xori %eq3A_33, %eq3A_34 : vector<32x128xi1>
    %lt3A = arith.cmpf olt, %select_n3A, %get3A_4 : vector<32x128xf32>
    %and3A_36 = arith.andi %eq3A_35, %lt3A : vector<32x128xi1>
    %not3A = arith.constant dense<true> : vector<32x128xi1>
    %not3A_37 = arith.xori %eq3A_35, %not3A : vector<32x128xi1>
    %gt3A = arith.cmpf ogt, %select_n3A, %get3A_4 : vector<32x128xf32>
    %and3A_38 = arith.andi %not3A_37, %gt3A : vector<32x128xi1>
    %or3A = arith.ori %and3A_36, %and3A_38 : vector<32x128xi1>
    %select_n3A_39 = arith.select %or3A, %select_n3A, %get3A_4 : vector<32x128xi1>, vector<32x128xf32>
    %select_n3A_40 = arith.select %or3A, %select_n3A_32, %get3A_7 : vector<32x128xi1>, vector<32x128xf32>
    %shift_right_arithmetic3A_41 = arith.constant 2 : i32
    %shift_right_arithmetic3A_42 = vector.broadcast %shift_right_arithmetic3A_41 : i32 to vector<32x128xi32>
    %shift_right_arithmetic3A_43 = arith.shrsi %add3A, %shift_right_arithmetic3A_42 : vector<32x128xi32>
    %and3A_44 = arith.constant 1 : i32
    %and3A_45 = vector.broadcast %and3A_44 : i32 to vector<32x128xi32>
    %and3A_46 = arith.andi %shift_right_arithmetic3A_43, %and3A_45 : vector<32x128xi32>
    %eq3A_47 = arith.constant 0 : i32
    %eq3A_48 = vector.broadcast %eq3A_47 : i32 to vector<32x128xi32>
    %eq3A_49 = arith.cmpi eq, %and3A_46, %eq3A_48 : vector<32x128xi32>
    %shift_right_arithmetic3A_50 = arith.constant 1 : i32
    %shift_right_arithmetic3A_51 = vector.broadcast %shift_right_arithmetic3A_50 : i32 to vector<32x128xi32>
    %shift_right_arithmetic3A_52 = arith.shrsi %add3A, %shift_right_arithmetic3A_51 : vector<32x128xi32>
    %and3A_53 = arith.constant 1 : i32
    %and3A_54 = vector.broadcast %and3A_53 : i32 to vector<32x128xi32>
    %and3A_55 = arith.andi %shift_right_arithmetic3A_52, %and3A_54 : vector<32x128xi32>
    %eq3A_56 = arith.constant 0 : i32
    %eq3A_57 = vector.broadcast %eq3A_56 : i32 to vector<32x128xi32>
    %eq3A_58 = arith.cmpi eq, %and3A_55, %eq3A_57 : vector<32x128xi32>
    %roll3A_59 = arith.constant 126 : i32
    %roll3A_60 = tpu.dynamic_rotate %select_n3A_39 by %roll3A_59 dim 1 : vector<32x128xf32>, i32 -> vector<32x128xf32>
    %roll3A_61 = arith.constant 2 : i32
    %roll3A_62 = tpu.dynamic_rotate %select_n3A_39 by %roll3A_61 dim 1 : vector<32x128xf32>, i32 -> vector<32x128xf32>
    %select_n3A_63 = arith.select %eq3A_58, %roll3A_60, %roll3A_62 : vector<32x128xi1>, vector<32x128xf32>
    %roll3A_64 = arith.constant 126 : i32
    %roll3A_65 = tpu.dynamic_rotate %select_n3A_40 by %roll3A_64 dim 1 : vector<32x128xf32>, i32 -> vector<32x128xf32>
    %roll3A_66 = arith.constant 2 : i32
    %roll3A_67 = tpu.dynamic_rotate %select_n3A_40 by %roll3A_66 dim 1 : vector<32x128xf32>, i32 -> vector<32x128xf32>
    %select_n3A_68 = arith.select %eq3A_58, %roll3A_65, %roll3A_67 : vector<32x128xi1>, vector<32x128xf32>
    %eq3A_69 = arith.xori %eq3A_58, %eq3A_49 : vector<32x128xi1>
    %eq3A_70 = arith.constant dense<true> : vector<32x128xi1>
    %eq3A_71 = arith.xori %eq3A_69, %eq3A_70 : vector<32x128xi1>
    %lt3A_72 = arith.cmpf olt, %select_n3A_63, %select_n3A_39 : vector<32x128xf32>
    %and3A_73 = arith.andi %eq3A_71, %lt3A_72 : vector<32x128xi1>
    %not3A_74 = arith.constant dense<true> : vector<32x128xi1>
    %not3A_75 = arith.xori %eq3A_71, %not3A_74 : vector<32x128xi1>
    %gt3A_76 = arith.cmpf ogt, %select_n3A_63, %select_n3A_39 : vector<32x128xf32>
    %and3A_77 = arith.andi %not3A_75, %gt3A_76 : vector<32x128xi1>
    %or3A_78 = arith.ori %and3A_73, %and3A_77 : vector<32x128xi1>
    %select_n3A_79 = arith.select %or3A_78, %select_n3A_63, %select_n3A_39 : vector<32x128xi1>, vector<32x128xf32>
    %select_n3A_80 = arith.select %or3A_78, %select_n3A_68, %select_n3A_40 : vector<32x128xi1>, vector<32x128xf32>
    %shift_right_arithmetic3A_81 = arith.constant 0 : i32
    %shift_right_arithmetic3A_82 = vector.broadcast %shift_right_arithmetic3A_81 : i32 to vector<32x128xi32>
    %shift_right_arithmetic3A_83 = arith.shrsi %add3A, %shift_right_arithmetic3A_82 : vector<32x128xi32>
    %and3A_84 = arith.constant 1 : i32
    %and3A_85 = vector.broadcast %and3A_84 : i32 to vector<32x128xi32>
    %and3A_86 = arith.andi %shift_right_arithmetic3A_83, %and3A_85 : vector<32x128xi32>
    %eq3A_87 = arith.constant 0 : i32
    %eq3A_88 = vector.broadcast %eq3A_87 : i32 to vector<32x128xi32>
    %eq3A_89 = arith.cmpi eq, %and3A_86, %eq3A_88 : vector<32x128xi32>
    %roll3A_90 = arith.constant 127 : i32
    %roll3A_91 = tpu.dynamic_rotate %select_n3A_79 by %roll3A_90 dim 1 : vector<32x128xf32>, i32 -> vector<32x128xf32>
    %roll3A_92 = arith.constant 1 : i32
    %roll3A_93 = tpu.dynamic_rotate %select_n3A_79 by %roll3A_92 dim 1 : vector<32x128xf32>, i32 -> vector<32x128xf32>
    %select_n3A_94 = arith.select %eq3A_89, %roll3A_91, %roll3A_93 : vector<32x128xi1>, vector<32x128xf32>
    %roll3A_95 = arith.constant 127 : i32
    %roll3A_96 = tpu.dynamic_rotate %select_n3A_80 by %roll3A_95 dim 1 : vector<32x128xf32>, i32 -> vector<32x128xf32>
    %roll3A_97 = arith.constant 1 : i32
    %roll3A_98 = tpu.dynamic_rotate %select_n3A_80 by %roll3A_97 dim 1 : vector<32x128xf32>, i32 -> vector<32x128xf32>
    %select_n3A_99 = arith.select %eq3A_89, %roll3A_96, %roll3A_98 : vector<32x128xi1>, vector<32x128xf32>
    %eq3A_100 = arith.xori %eq3A_89, %eq3A_49 : vector<32x128xi1>
    %eq3A_101 = arith.constant dense<true> : vector<32x128xi1>
    %eq3A_102 = arith.xori %eq3A_100, %eq3A_101 : vector<32x128xi1>
    %lt3A_103 = arith.cmpf olt, %select_n3A_94, %select_n3A_79 : vector<32x128xf32>
    %and3A_104 = arith.andi %eq3A_102, %lt3A_103 : vector<32x128xi1>
    %not3A_105 = arith.constant dense<true> : vector<32x128xi1>
    %not3A_106 = arith.xori %eq3A_102, %not3A_105 : vector<32x128xi1>
    %gt3A_107 = arith.cmpf ogt, %select_n3A_94, %select_n3A_79 : vector<32x128xf32>
    %and3A_108 = arith.andi %not3A_106, %gt3A_107 : vector<32x128xi1>
    %or3A_109 = arith.ori %and3A_104, %and3A_108 : vector<32x128xi1>
    %select_n3A_110 = arith.select %or3A_109, %select_n3A_94, %select_n3A_79 : vector<32x128xi1>, vector<32x128xf32>
    %select_n3A_111 = arith.select %or3A_109, %select_n3A_99, %select_n3A_80 : vector<32x128xi1>, vector<32x128xf32>
    %shift_right_arithmetic3A_112 = arith.constant 3 : i32
    %shift_right_arithmetic3A_113 = vector.broadcast %shift_right_arithmetic3A_112 : i32 to vector<32x128xi32>
    %shift_right_arithmetic3A_114 = arith.shrsi %add3A, %shift_right_arithmetic3A_113 : vector<32x128xi32>
    %and3A_115 = arith.constant 1 : i32
    %and3A_116 = vector.broadcast %and3A_115 : i32 to vector<32x128xi32>
    %and3A_117 = arith.andi %shift_right_arithmetic3A_114, %and3A_116 : vector<32x128xi32>
    %eq3A_118 = arith.constant 0 : i32
    %eq3A_119 = vector.broadcast %eq3A_118 : i32 to vector<32x128xi32>
    %eq3A_120 = arith.cmpi eq, %and3A_117, %eq3A_119 : vector<32x128xi32>
    %shift_right_arithmetic3A_121 = arith.constant 2 : i32
    %shift_right_arithmetic3A_122 = vector.broadcast %shift_right_arithmetic3A_121 : i32 to vector<32x128xi32>
    %shift_right_arithmetic3A_123 = arith.shrsi %add3A, %shift_right_arithmetic3A_122 : vector<32x128xi32>
    %and3A_124 = arith.constant 1 : i32
    %and3A_125 = vector.broadcast %and3A_124 : i32 to vector<32x128xi32>
    %and3A_126 = arith.andi %shift_right_arithmetic3A_123, %and3A_125 : vector<32x128xi32>
    %eq3A_127 = arith.constant 0 : i32
    %eq3A_128 = vector.broadcast %eq3A_127 : i32 to vector<32x128xi32>
    %eq3A_129 = arith.cmpi eq, %and3A_126, %eq3A_128 : vector<32x128xi32>
    %roll3A_130 = arith.constant 124 : i32
    %roll3A_131 = tpu.dynamic_rotate %select_n3A_110 by %roll3A_130 dim 1 : vector<32x128xf32>, i32 -> vector<32x128xf32>
    %roll3A_132 = arith.constant 4 : i32
    %roll3A_133 = tpu.dynamic_rotate %select_n3A_110 by %roll3A_132 dim 1 : vector<32x128xf32>, i32 -> vector<32x128xf32>
    %select_n3A_134 = arith.select %eq3A_129, %roll3A_131, %roll3A_133 : vector<32x128xi1>, vector<32x128xf32>
    %roll3A_135 = arith.constant 124 : i32
    %roll3A_136 = tpu.dynamic_rotate %select_n3A_111 by %roll3A_135 dim 1 : vector<32x128xf32>, i32 -> vector<32x128xf32>
    %roll3A_137 = arith.constant 4 : i32
    %roll3A_138 = tpu.dynamic_rotate %select_n3A_111 by %roll3A_137 dim 1 : vector<32x128xf32>, i32 -> vector<32x128xf32>
    %select_n3A_139 = arith.select %eq3A_129, %roll3A_136, %roll3A_138 : vector<32x128xi1>, vector<32x128xf32>
    %eq3A_140 = arith.xori %eq3A_129, %eq3A_120 : vector<32x128xi1>
    %eq3A_141 = arith.constant dense<true> : vector<32x128xi1>
    %eq3A_142 = arith.xori %eq3A_140, %eq3A_141 : vector<32x128xi1>
    %lt3A_143 = arith.cmpf olt, %select_n3A_134, %select_n3A_110 : vector<32x128xf32>
    %and3A_144 = arith.andi %eq3A_142, %lt3A_143 : vector<32x128xi1>
    %not3A_145 = arith.constant dense<true> : vector<32x128xi1>
    %not3A_146 = arith.xori %eq3A_142, %not3A_145 : vector<32x128xi1>
    %gt3A_147 = arith.cmpf ogt, %select_n3A_134, %select_n3A_110 : vector<32x128xf32>
    %and3A_148 = arith.andi %not3A_146, %gt3A_147 : vector<32x128xi1>
    %or3A_149 = arith.ori %and3A_144, %and3A_148 : vector<32x128xi1>
    %select_n3A_150 = arith.select %or3A_149, %select_n3A_134, %select_n3A_110 : vector<32x128xi1>, vector<32x128xf32>
    %select_n3A_151 = arith.select %or3A_149, %select_n3A_139, %select_n3A_111 : vector<32x128xi1>, vector<32x128xf32>
    %shift_right_arithmetic3A_152 = arith.constant 1 : i32
    %shift_right_arithmetic3A_153 = vector.broadcast %shift_right_arithmetic3A_152 : i32 to vector<32x128xi32>
    %shift_right_arithmetic3A_154 = arith.shrsi %add3A, %shift_right_arithmetic3A_153 : vector<32x128xi32>
    %and3A_155 = arith.constant 1 : i32
    %and3A_156 = vector.broadcast %and3A_155 : i32 to vector<32x128xi32>
    %and3A_157 = arith.andi %shift_right_arithmetic3A_154, %and3A_156 : vector<32x128xi32>
    %eq3A_158 = arith.constant 0 : i32
    %eq3A_159 = vector.broadcast %eq3A_158 : i32 to vector<32x128xi32>
    %eq3A_160 = arith.cmpi eq, %and3A_157, %eq3A_159 : vector<32x128xi32>
    %roll3A_161 = arith.constant 126 : i32
    %roll3A_162 = tpu.dynamic_rotate %select_n3A_150 by %roll3A_161 dim 1 : vector<32x128xf32>, i32 -> vector<32x128xf32>
    %roll3A_163 = arith.constant 2 : i32
    %roll3A_164 = tpu.dynamic_rotate %select_n3A_150 by %roll3A_163 dim 1 : vector<32x128xf32>, i32 -> vector<32x128xf32>
    %select_n3A_165 = arith.select %eq3A_160, %roll3A_162, %roll3A_164 : vector<32x128xi1>, vector<32x128xf32>
    %roll3A_166 = arith.constant 126 : i32
    %roll3A_167 = tpu.dynamic_rotate %select_n3A_151 by %roll3A_166 dim 1 : vector<32x128xf32>, i32 -> vector<32x128xf32>
    %roll3A_168 = arith.constant 2 : i32
    %roll3A_169 = tpu.dynamic_rotate %select_n3A_151 by %roll3A_168 dim 1 : vector<32x128xf32>, i32 -> vector<32x128xf32>
    %select_n3A_170 = arith.select %eq3A_160, %roll3A_167, %roll3A_169 : vector<32x128xi1>, vector<32x128xf32>
    %eq3A_171 = arith.xori %eq3A_160, %eq3A_120 : vector<32x128xi1>
    %eq3A_172 = arith.constant dense<true> : vector<32x128xi1>
    %eq3A_173 = arith.xori %eq3A_171, %eq3A_172 : vector<32x128xi1>
    %lt3A_174 = arith.cmpf olt, %select_n3A_165, %select_n3A_150 : vector<32x128xf32>
    %and3A_175 = arith.andi %eq3A_173, %lt3A_174 : vector<32x128xi1>
    %not3A_176 = arith.constant dense<true> : vector<32x128xi1>
    %not3A_177 = arith.xori %eq3A_173, %not3A_176 : vector<32x128xi1>
    %gt3A_178 = arith.cmpf ogt, %select_n3A_165, %select_n3A_150 : vector<32x128xf32>
    %and3A_179 = arith.andi %not3A_177, %gt3A_178 : vector<32x128xi1>
    %or3A_180 = arith.ori %and3A_175, %and3A_179 : vector<32x128xi1>
    %select_n3A_181 = arith.select %or3A_180, %select_n3A_165, %select_n3A_150 : vector<32x128xi1>, vector<32x128xf32>
    %select_n3A_182 = arith.select %or3A_180, %select_n3A_170, %select_n3A_151 : vector<32x128xi1>, vector<32x128xf32>
    %shift_right_arithmetic3A_183 = arith.constant 0 : i32
    %shift_right_arithmetic3A_184 = vector.broadcast %shift_right_arithmetic3A_183 : i32 to vector<32x128xi32>
    %shift_right_arithmetic3A_185 = arith.shrsi %add3A, %shift_right_arithmetic3A_184 : vector<32x128xi32>
    %and3A_186 = arith.constant 1 : i32
    %and3A_187 = vector.broadcast %and3A_186 : i32 to vector<32x128xi32>
    %and3A_188 = arith.andi %shift_right_arithmetic3A_185, %and3A_187 : vector<32x128xi32>
    %eq3A_189 = arith.constant 0 : i32
    %eq3A_190 = vector.broadcast %eq3A_189 : i32 to vector<32x128xi32>
    %eq3A_191 = arith.cmpi eq, %and3A_188, %eq3A_190 : vector<32x128xi32>
    %roll3A_192 = arith.constant 127 : i32
    %roll3A_193 = tpu.dynamic_rotate %select_n3A_181 by %roll3A_192 dim 1 : vector<32x128xf32>, i32 -> vector<32x128xf32>
    %roll3A_194 = arith.constant 1 : i32
    %roll3A_195 = tpu.dynamic_rotate %select_n3A_181 by %roll3A_194 dim 1 : vector<32x128xf32>, i32 -> vector<32x128xf32>
    %select_n3A_196 = arith.select %eq3A_191, %roll3A_193, %roll3A_195 : vector<32x128xi1>, vector<32x128xf32>
    %roll3A_197 = arith.constant 127 : i32
    %roll3A_198 = tpu.dynamic_rotate %select_n3A_182 by %roll3A_197 dim 1 : vector<32x128xf32>, i32 -> vector<32x128xf32>
    %roll3A_199 = arith.constant 1 : i32
    %roll3A_200 = tpu.dynamic_rotate %select_n3A_182 by %roll3A_199 dim 1 : vector<32x128xf32>, i32 -> vector<32x128xf32>
    %select_n3A_201 = arith.select %eq3A_191, %roll3A_198, %roll3A_200 : vector<32x128xi1>, vector<32x128xf32>
    %eq3A_202 = arith.xori %eq3A_191, %eq3A_120 : vector<32x128xi1>
    %eq3A_203 = arith.constant dense<true> : vector<32x128xi1>
    %eq3A_204 = arith.xori %eq3A_202, %eq3A_203 : vector<32x128xi1>
    %lt3A_205 = arith.cmpf olt, %select_n3A_196, %select_n3A_181 : vector<32x128xf32>
    %and3A_206 = arith.andi %eq3A_204, %lt3A_205 : vector<32x128xi1>
    %not3A_207 = arith.constant dense<true> : vector<32x128xi1>
    %not3A_208 = arith.xori %eq3A_204, %not3A_207 : vector<32x128xi1>
    %gt3A_209 = arith.cmpf ogt, %select_n3A_196, %select_n3A_181 : vector<32x128xf32>
    %and3A_210 = arith.andi %not3A_208, %gt3A_209 : vector<32x128xi1>
    %or3A_211 = arith.ori %and3A_206, %and3A_210 : vector<32x128xi1>
    %select_n3A_212 = arith.select %or3A_211, %select_n3A_196, %select_n3A_181 : vector<32x128xi1>, vector<32x128xf32>
    %select_n3A_213 = arith.select %or3A_211, %select_n3A_201, %select_n3A_182 : vector<32x128xi1>, vector<32x128xf32>
    %shift_right_arithmetic3A_214 = arith.constant 4 : i32
    %shift_right_arithmetic3A_215 = vector.broadcast %shift_right_arithmetic3A_214 : i32 to vector<32x128xi32>
    %shift_right_arithmetic3A_216 = arith.shrsi %add3A, %shift_right_arithmetic3A_215 : vector<32x128xi32>
    %and3A_217 = arith.constant 1 : i32
    %and3A_218 = vector.broadcast %and3A_217 : i32 to vector<32x128xi32>
    %and3A_219 = arith.andi %shift_right_arithmetic3A_216, %and3A_218 : vector<32x128xi32>
    %eq3A_220 = arith.constant 0 : i32
    %eq3A_221 = vector.broadcast %eq3A_220 : i32 to vector<32x128xi32>
    %eq3A_222 = arith.cmpi eq, %and3A_219, %eq3A_221 : vector<32x128xi32>
    %shift_right_arithmetic3A_223 = arith.constant 3 : i32
    %shift_right_arithmetic3A_224 = vector.broadcast %shift_right_arithmetic3A_223 : i32 to vector<32x128xi32>
    %shift_right_arithmetic3A_225 = arith.shrsi %add3A, %shift_right_arithmetic3A_224 : vector<32x128xi32>
    %and3A_226 = arith.constant 1 : i32
    %and3A_227 = vector.broadcast %and3A_226 : i32 to vector<32x128xi32>
    %and3A_228 = arith.andi %shift_right_arithmetic3A_225, %and3A_227 : vector<32x128xi32>
    %eq3A_229 = arith.constant 0 : i32
    %eq3A_230 = vector.broadcast %eq3A_229 : i32 to vector<32x128xi32>
    %eq3A_231 = arith.cmpi eq, %and3A_228, %eq3A_230 : vector<32x128xi32>
    %roll3A_232 = arith.constant 120 : i32
    %roll3A_233 = tpu.dynamic_rotate %select_n3A_212 by %roll3A_232 dim 1 : vector<32x128xf32>, i32 -> vector<32x128xf32>
    %roll3A_234 = arith.constant 8 : i32
    %roll3A_235 = tpu.dynamic_rotate %select_n3A_212 by %roll3A_234 dim 1 : vector<32x128xf32>, i32 -> vector<32x128xf32>
    %select_n3A_236 = arith.select %eq3A_231, %roll3A_233, %roll3A_235 : vector<32x128xi1>, vector<32x128xf32>
    %roll3A_237 = arith.constant 120 : i32
    %roll3A_238 = tpu.dynamic_rotate %select_n3A_213 by %roll3A_237 dim 1 : vector<32x128xf32>, i32 -> vector<32x128xf32>
    %roll3A_239 = arith.constant 8 : i32
    %roll3A_240 = tpu.dynamic_rotate %select_n3A_213 by %roll3A_239 dim 1 : vector<32x128xf32>, i32 -> vector<32x128xf32>
    %select_n3A_241 = arith.select %eq3A_231, %roll3A_238, %roll3A_240 : vector<32x128xi1>, vector<32x128xf32>
    %eq3A_242 = arith.xori %eq3A_231, %eq3A_222 : vector<32x128xi1>
    %eq3A_243 = arith.constant dense<true> : vector<32x128xi1>
    %eq3A_244 = arith.xori %eq3A_242, %eq3A_243 : vector<32x128xi1>
    %lt3A_245 = arith.cmpf olt, %select_n3A_236, %select_n3A_212 : vector<32x128xf32>
    %and3A_246 = arith.andi %eq3A_244, %lt3A_245 : vector<32x128xi1>
    %not3A_247 = arith.constant dense<true> : vector<32x128xi1>
    %not3A_248 = arith.xori %eq3A_244, %not3A_247 : vector<32x128xi1>
    %gt3A_249 = arith.cmpf ogt, %select_n3A_236, %select_n3A_212 : vector<32x128xf32>
    %and3A_250 = arith.andi %not3A_248, %gt3A_249 : vector<32x128xi1>
    %or3A_251 = arith.ori %and3A_246, %and3A_250 : vector<32x128xi1>
    %select_n3A_252 = arith.select %or3A_251, %select_n3A_236, %select_n3A_212 : vector<32x128xi1>, vector<32x128xf32>
    %select_n3A_253 = arith.select %or3A_251, %select_n3A_241, %select_n3A_213 : vector<32x128xi1>, vector<32x128xf32>
    %shift_right_arithmetic3A_254 = arith.constant 2 : i32
    %shift_right_arithmetic3A_255 = vector.broadcast %shift_right_arithmetic3A_254 : i32 to vector<32x128xi32>
    %shift_right_arithmetic3A_256 = arith.shrsi %add3A, %shift_right_arithmetic3A_255 : vector<32x128xi32>
    %and3A_257 = arith.constant 1 : i32
    %and3A_258 = vector.broadcast %and3A_257 : i32 to vector<32x128xi32>
    %and3A_259 = arith.andi %shift_right_arithmetic3A_256, %and3A_258 : vector<32x128xi32>
    %eq3A_260 = arith.constant 0 : i32
    %eq3A_261 = vector.broadcast %eq3A_260 : i32 to vector<32x128xi32>
    %eq3A_262 = arith.cmpi eq, %and3A_259, %eq3A_261 : vector<32x128xi32>
    %roll3A_263 = arith.constant 124 : i32
    %roll3A_264 = tpu.dynamic_rotate %select_n3A_252 by %roll3A_263 dim 1 : vector<32x128xf32>, i32 -> vector<32x128xf32>
    %roll3A_265 = arith.constant 4 : i32
    %roll3A_266 = tpu.dynamic_rotate %select_n3A_252 by %roll3A_265 dim 1 : vector<32x128xf32>, i32 -> vector<32x128xf32>
    %select_n3A_267 = arith.select %eq3A_262, %roll3A_264, %roll3A_266 : vector<32x128xi1>, vector<32x128xf32>
    %roll3A_268 = arith.constant 124 : i32
    %roll3A_269 = tpu.dynamic_rotate %select_n3A_253 by %roll3A_268 dim 1 : vector<32x128xf32>, i32 -> vector<32x128xf32>
    %roll3A_270 = arith.constant 4 : i32
    %roll3A_271 = tpu.dynamic_rotate %select_n3A_253 by %roll3A_270 dim 1 : vector<32x128xf32>, i32 -> vector<32x128xf32>
    %select_n3A_272 = arith.select %eq3A_262, %roll3A_269, %roll3A_271 : vector<32x128xi1>, vector<32x128xf32>
    %eq3A_273 = arith.xori %eq3A_262, %eq3A_222 : vector<32x128xi1>
    %eq3A_274 = arith.constant dense<true> : vector<32x128xi1>
    %eq3A_275 = arith.xori %eq3A_273, %eq3A_274 : vector<32x128xi1>
    %lt3A_276 = arith.cmpf olt, %select_n3A_267, %select_n3A_252 : vector<32x128xf32>
    %and3A_277 = arith.andi %eq3A_275, %lt3A_276 : vector<32x128xi1>
    %not3A_278 = arith.constant dense<true> : vector<32x128xi1>
    %not3A_279 = arith.xori %eq3A_275, %not3A_278 : vector<32x128xi1>
    %gt3A_280 = arith.cmpf ogt, %select_n3A_267, %select_n3A_252 : vector<32x128xf32>
    %and3A_281 = arith.andi %not3A_279, %gt3A_280 : vector<32x128xi1>
    %or3A_282 = arith.ori %and3A_277, %and3A_281 : vector<32x128xi1>
    %select_n3A_283 = arith.select %or3A_282, %select_n3A_267, %select_n3A_252 : vector<32x128xi1>, vector<32x128xf32>
    %select_n3A_284 = arith.select %or3A_282, %select_n3A_272, %select_n3A_253 : vector<32x128xi1>, vector<32x128xf32>
    %shift_right_arithmetic3A_285 = arith.constant 1 : i32
    %shift_right_arithmetic3A_286 = vector.broadcast %shift_right_arithmetic3A_285 : i32 to vector<32x128xi32>
    %shift_right_arithmetic3A_287 = arith.shrsi %add3A, %shift_right_arithmetic3A_286 : vector<32x128xi32>
    %and3A_288 = arith.constant 1 : i32
    %and3A_289 = vector.broadcast %and3A_288 : i32 to vector<32x128xi32>
    %and3A_290 = arith.andi %shift_right_arithmetic3A_287, %and3A_289 : vector<32x128xi32>
    %eq3A_291 = arith.constant 0 : i32
    %eq3A_292 = vector.broadcast %eq3A_291 : i32 to vector<32x128xi32>
    %eq3A_293 = arith.cmpi eq, %and3A_290, %eq3A_292 : vector<32x128xi32>
    %roll3A_294 = arith.constant 126 : i32
    %roll3A_295 = tpu.dynamic_rotate %select_n3A_283 by %roll3A_294 dim 1 : vector<32x128xf32>, i32 -> vector<32x128xf32>
    %roll3A_296 = arith.constant 2 : i32
    %roll3A_297 = tpu.dynamic_rotate %select_n3A_283 by %roll3A_296 dim 1 : vector<32x128xf32>, i32 -> vector<32x128xf32>
    %select_n3A_298 = arith.select %eq3A_293, %roll3A_295, %roll3A_297 : vector<32x128xi1>, vector<32x128xf32>
    %roll3A_299 = arith.constant 126 : i32
    %roll3A_300 = tpu.dynamic_rotate %select_n3A_284 by %roll3A_299 dim 1 : vector<32x128xf32>, i32 -> vector<32x128xf32>
    %roll3A_301 = arith.constant 2 : i32
    %roll3A_302 = tpu.dynamic_rotate %select_n3A_284 by %roll3A_301 dim 1 : vector<32x128xf32>, i32 -> vector<32x128xf32>
    %select_n3A_303 = arith.select %eq3A_293, %roll3A_300, %roll3A_302 : vector<32x128xi1>, vector<32x128xf32>
    %eq3A_304 = arith.xori %eq3A_293, %eq3A_222 : vector<32x128xi1>
    %eq3A_305 = arith.constant dense<true> : vector<32x128xi1>
    %eq3A_306 = arith.xori %eq3A_304, %eq3A_305 : vector<32x128xi1>
    %lt3A_307 = arith.cmpf olt, %select_n3A_298, %select_n3A_283 : vector<32x128xf32>
    %and3A_308 = arith.andi %eq3A_306, %lt3A_307 : vector<32x128xi1>
    %not3A_309 = arith.constant dense<true> : vector<32x128xi1>
    %not3A_310 = arith.xori %eq3A_306, %not3A_309 : vector<32x128xi1>
    %gt3A_311 = arith.cmpf ogt, %select_n3A_298, %select_n3A_283 : vector<32x128xf32>
    %and3A_312 = arith.andi %not3A_310, %gt3A_311 : vector<32x128xi1>
    %or3A_313 = arith.ori %and3A_308, %and3A_312 : vector<32x128xi1>
    %select_n3A_314 = arith.select %or3A_313, %select_n3A_298, %select_n3A_283 : vector<32x128xi1>, vector<32x128xf32>
    %select_n3A_315 = arith.select %or3A_313, %select_n3A_303, %select_n3A_284 : vector<32x128xi1>, vector<32x128xf32>
    %shift_right_arithmetic3A_316 = arith.constant 0 : i32
    %shift_right_arithmetic3A_317 = vector.broadcast %shift_right_arithmetic3A_316 : i32 to vector<32x128xi32>
    %shift_right_arithmetic3A_318 = arith.shrsi %add3A, %shift_right_arithmetic3A_317 : vector<32x128xi32>
    %and3A_319 = arith.constant 1 : i32
    %and3A_320 = vector.broadcast %and3A_319 : i32 to vector<32x128xi32>
    %and3A_321 = arith.andi %shift_right_arithmetic3A_318, %and3A_320 : vector<32x128xi32>
    %eq3A_322 = arith.constant 0 : i32
    %eq3A_323 = vector.broadcast %eq3A_322 : i32 to vector<32x128xi32>
    %eq3A_324 = arith.cmpi eq, %and3A_321, %eq3A_323 : vector<32x128xi32>
    %roll3A_325 = arith.constant 127 : i32
    %roll3A_326 = tpu.dynamic_rotate %select_n3A_314 by %roll3A_325 dim 1 : vector<32x128xf32>, i32 -> vector<32x128xf32>
    %roll3A_327 = arith.constant 1 : i32
    %roll3A_328 = tpu.dynamic_rotate %select_n3A_314 by %roll3A_327 dim 1 : vector<32x128xf32>, i32 -> vector<32x128xf32>
    %select_n3A_329 = arith.select %eq3A_324, %roll3A_326, %roll3A_328 : vector<32x128xi1>, vector<32x128xf32>
    %roll3A_330 = arith.constant 127 : i32
    %roll3A_331 = tpu.dynamic_rotate %select_n3A_315 by %roll3A_330 dim 1 : vector<32x128xf32>, i32 -> vector<32x128xf32>
    %roll3A_332 = arith.constant 1 : i32
    %roll3A_333 = tpu.dynamic_rotate %select_n3A_315 by %roll3A_332 dim 1 : vector<32x128xf32>, i32 -> vector<32x128xf32>
    %select_n3A_334 = arith.select %eq3A_324, %roll3A_331, %roll3A_333 : vector<32x128xi1>, vector<32x128xf32>
    %eq3A_335 = arith.xori %eq3A_324, %eq3A_222 : vector<32x128xi1>
    %eq3A_336 = arith.constant dense<true> : vector<32x128xi1>
    %eq3A_337 = arith.xori %eq3A_335, %eq3A_336 : vector<32x128xi1>
    %lt3A_338 = arith.cmpf olt, %select_n3A_329, %select_n3A_314 : vector<32x128xf32>
    %and3A_339 = arith.andi %eq3A_337, %lt3A_338 : vector<32x128xi1>
    %not3A_340 = arith.constant dense<true> : vector<32x128xi1>
    %not3A_341 = arith.xori %eq3A_337, %not3A_340 : vector<32x128xi1>
    %gt3A_342 = arith.cmpf ogt, %select_n3A_329, %select_n3A_314 : vector<32x128xf32>
    %and3A_343 = arith.andi %not3A_341, %gt3A_342 : vector<32x128xi1>
    %or3A_344 = arith.ori %and3A_339, %and3A_343 : vector<32x128xi1>
    %select_n3A_345 = arith.select %or3A_344, %select_n3A_329, %select_n3A_314 : vector<32x128xi1>, vector<32x128xf32>
    %select_n3A_346 = arith.select %or3A_344, %select_n3A_334, %select_n3A_315 : vector<32x128xi1>, vector<32x128xf32>
    %shift_right_arithmetic3A_347 = arith.constant 5 : i32
    %shift_right_arithmetic3A_348 = vector.broadcast %shift_right_arithmetic3A_347 : i32 to vector<32x128xi32>
    %shift_right_arithmetic3A_349 = arith.shrsi %add3A, %shift_right_arithmetic3A_348 : vector<32x128xi32>
    %and3A_350 = arith.constant 1 : i32
    %and3A_351 = vector.broadcast %and3A_350 : i32 to vector<32x128xi32>
    %and3A_352 = arith.andi %shift_right_arithmetic3A_349, %and3A_351 : vector<32x128xi32>
    %eq3A_353 = arith.constant 0 : i32
    %eq3A_354 = vector.broadcast %eq3A_353 : i32 to vector<32x128xi32>
    %eq3A_355 = arith.cmpi eq, %and3A_352, %eq3A_354 : vector<32x128xi32>
    %shift_right_arithmetic3A_356 = arith.constant 4 : i32
    %shift_right_arithmetic3A_357 = vector.broadcast %shift_right_arithmetic3A_356 : i32 to vector<32x128xi32>
    %shift_right_arithmetic3A_358 = arith.shrsi %add3A, %shift_right_arithmetic3A_357 : vector<32x128xi32>
    %and3A_359 = arith.constant 1 : i32
    %and3A_360 = vector.broadcast %and3A_359 : i32 to vector<32x128xi32>
    %and3A_361 = arith.andi %shift_right_arithmetic3A_358, %and3A_360 : vector<32x128xi32>
    %eq3A_362 = arith.constant 0 : i32
    %eq3A_363 = vector.broadcast %eq3A_362 : i32 to vector<32x128xi32>
    %eq3A_364 = arith.cmpi eq, %and3A_361, %eq3A_363 : vector<32x128xi32>
    %roll3A_365 = arith.constant 112 : i32
    %roll3A_366 = tpu.dynamic_rotate %select_n3A_345 by %roll3A_365 dim 1 : vector<32x128xf32>, i32 -> vector<32x128xf32>
    %roll3A_367 = arith.constant 16 : i32
    %roll3A_368 = tpu.dynamic_rotate %select_n3A_345 by %roll3A_367 dim 1 : vector<32x128xf32>, i32 -> vector<32x128xf32>
    %select_n3A_369 = arith.select %eq3A_364, %roll3A_366, %roll3A_368 : vector<32x128xi1>, vector<32x128xf32>
    %roll3A_370 = arith.constant 112 : i32
    %roll3A_371 = tpu.dynamic_rotate %select_n3A_346 by %roll3A_370 dim 1 : vector<32x128xf32>, i32 -> vector<32x128xf32>
    %roll3A_372 = arith.constant 16 : i32
    %roll3A_373 = tpu.dynamic_rotate %select_n3A_346 by %roll3A_372 dim 1 : vector<32x128xf32>, i32 -> vector<32x128xf32>
    %select_n3A_374 = arith.select %eq3A_364, %roll3A_371, %roll3A_373 : vector<32x128xi1>, vector<32x128xf32>
    %eq3A_375 = arith.xori %eq3A_364, %eq3A_355 : vector<32x128xi1>
    %eq3A_376 = arith.constant dense<true> : vector<32x128xi1>
    %eq3A_377 = arith.xori %eq3A_375, %eq3A_376 : vector<32x128xi1>
    %lt3A_378 = arith.cmpf olt, %select_n3A_369, %select_n3A_345 : vector<32x128xf32>
    %and3A_379 = arith.andi %eq3A_377, %lt3A_378 : vector<32x128xi1>
    %not3A_380 = arith.constant dense<true> : vector<32x128xi1>
    %not3A_381 = arith.xori %eq3A_377, %not3A_380 : vector<32x128xi1>
    %gt3A_382 = arith.cmpf ogt, %select_n3A_369, %select_n3A_345 : vector<32x128xf32>
    %and3A_383 = arith.andi %not3A_381, %gt3A_382 : vector<32x128xi1>
    %or3A_384 = arith.ori %and3A_379, %and3A_383 : vector<32x128xi1>
    %select_n3A_385 = arith.select %or3A_384, %select_n3A_369, %select_n3A_345 : vector<32x128xi1>, vector<32x128xf32>
    %select_n3A_386 = arith.select %or3A_384, %select_n3A_374, %select_n3A_346 : vector<32x128xi1>, vector<32x128xf32>
    %shift_right_arithmetic3A_387 = arith.constant 3 : i32
    %shift_right_arithmetic3A_388 = vector.broadcast %shift_right_arithmetic3A_387 : i32 to vector<32x128xi32>
    %shift_right_arithmetic3A_389 = arith.shrsi %add3A, %shift_right_arithmetic3A_388 : vector<32x128xi32>
    %and3A_390 = arith.constant 1 : i32
    %and3A_391 = vector.broadcast %and3A_390 : i32 to vector<32x128xi32>
    %and3A_392 = arith.andi %shift_right_arithmetic3A_389, %and3A_391 : vector<32x128xi32>
    %eq3A_393 = arith.constant 0 : i32
    %eq3A_394 = vector.broadcast %eq3A_393 : i32 to vector<32x128xi32>
    %eq3A_395 = arith.cmpi eq, %and3A_392, %eq3A_394 : vector<32x128xi32>
    %roll3A_396 = arith.constant 120 : i32
    %roll3A_397 = tpu.dynamic_rotate %select_n3A_385 by %roll3A_396 dim 1 : vector<32x128xf32>, i32 -> vector<32x128xf32>
    %roll3A_398 = arith.constant 8 : i32
    %roll3A_399 = tpu.dynamic_rotate %select_n3A_385 by %roll3A_398 dim 1 : vector<32x128xf32>, i32 -> vector<32x128xf32>
    %select_n3A_400 = arith.select %eq3A_395, %roll3A_397, %roll3A_399 : vector<32x128xi1>, vector<32x128xf32>
    %roll3A_401 = arith.constant 120 : i32
    %roll3A_402 = tpu.dynamic_rotate %select_n3A_386 by %roll3A_401 dim 1 : vector<32x128xf32>, i32 -> vector<32x128xf32>
    %roll3A_403 = arith.constant 8 : i32
    %roll3A_404 = tpu.dynamic_rotate %select_n3A_386 by %roll3A_403 dim 1 : vector<32x128xf32>, i32 -> vector<32x128xf32>
    %select_n3A_405 = arith.select %eq3A_395, %roll3A_402, %roll3A_404 : vector<32x128xi1>, vector<32x128xf32>
    %eq3A_406 = arith.xori %eq3A_395, %eq3A_355 : vector<32x128xi1>
    %eq3A_407 = arith.constant dense<true> : vector<32x128xi1>
    %eq3A_408 = arith.xori %eq3A_406, %eq3A_407 : vector<32x128xi1>
    %lt3A_409 = arith.cmpf olt, %select_n3A_400, %select_n3A_385 : vector<32x128xf32>
    %and3A_410 = arith.andi %eq3A_408, %lt3A_409 : vector<32x128xi1>
    %not3A_411 = arith.constant dense<true> : vector<32x128xi1>
    %not3A_412 = arith.xori %eq3A_408, %not3A_411 : vector<32x128xi1>
    %gt3A_413 = arith.cmpf ogt, %select_n3A_400, %select_n3A_385 : vector<32x128xf32>
    %and3A_414 = arith.andi %not3A_412, %gt3A_413 : vector<32x128xi1>
    %or3A_415 = arith.ori %and3A_410, %and3A_414 : vector<32x128xi1>
    %select_n3A_416 = arith.select %or3A_415, %select_n3A_400, %select_n3A_385 : vector<32x128xi1>, vector<32x128xf32>
    %select_n3A_417 = arith.select %or3A_415, %select_n3A_405, %select_n3A_386 : vector<32x128xi1>, vector<32x128xf32>
    %shift_right_arithmetic3A_418 = arith.constant 2 : i32
    %shift_right_arithmetic3A_419 = vector.broadcast %shift_right_arithmetic3A_418 : i32 to vector<32x128xi32>
    %shift_right_arithmetic3A_420 = arith.shrsi %add3A, %shift_right_arithmetic3A_419 : vector<32x128xi32>
    %and3A_421 = arith.constant 1 : i32
    %and3A_422 = vector.broadcast %and3A_421 : i32 to vector<32x128xi32>
    %and3A_423 = arith.andi %shift_right_arithmetic3A_420, %and3A_422 : vector<32x128xi32>
    %eq3A_424 = arith.constant 0 : i32
    %eq3A_425 = vector.broadcast %eq3A_424 : i32 to vector<32x128xi32>
    %eq3A_426 = arith.cmpi eq, %and3A_423, %eq3A_425 : vector<32x128xi32>
    %roll3A_427 = arith.constant 124 : i32
    %roll3A_428 = tpu.dynamic_rotate %select_n3A_416 by %roll3A_427 dim 1 : vector<32x128xf32>, i32 -> vector<32x128xf32>
    %roll3A_429 = arith.constant 4 : i32
    %roll3A_430 = tpu.dynamic_rotate %select_n3A_416 by %roll3A_429 dim 1 : vector<32x128xf32>, i32 -> vector<32x128xf32>
    %select_n3A_431 = arith.select %eq3A_426, %roll3A_428, %roll3A_430 : vector<32x128xi1>, vector<32x128xf32>
    %roll3A_432 = arith.constant 124 : i32
    %roll3A_433 = tpu.dynamic_rotate %select_n3A_417 by %roll3A_432 dim 1 : vector<32x128xf32>, i32 -> vector<32x128xf32>
    %roll3A_434 = arith.constant 4 : i32
    %roll3A_435 = tpu.dynamic_rotate %select_n3A_417 by %roll3A_434 dim 1 : vector<32x128xf32>, i32 -> vector<32x128xf32>
    %select_n3A_436 = arith.select %eq3A_426, %roll3A_433, %roll3A_435 : vector<32x128xi1>, vector<32x128xf32>
    %eq3A_437 = arith.xori %eq3A_426, %eq3A_355 : vector<32x128xi1>
    %eq3A_438 = arith.constant dense<true> : vector<32x128xi1>
    %eq3A_439 = arith.xori %eq3A_437, %eq3A_438 : vector<32x128xi1>
    %lt3A_440 = arith.cmpf olt, %select_n3A_431, %select_n3A_416 : vector<32x128xf32>
    %and3A_441 = arith.andi %eq3A_439, %lt3A_440 : vector<32x128xi1>
    %not3A_442 = arith.constant dense<true> : vector<32x128xi1>
    %not3A_443 = arith.xori %eq3A_439, %not3A_442 : vector<32x128xi1>
    %gt3A_444 = arith.cmpf ogt, %select_n3A_431, %select_n3A_416 : vector<32x128xf32>
    %and3A_445 = arith.andi %not3A_443, %gt3A_444 : vector<32x128xi1>
    %or3A_446 = arith.ori %and3A_441, %and3A_445 : vector<32x128xi1>
    %select_n3A_447 = arith.select %or3A_446, %select_n3A_431, %select_n3A_416 : vector<32x128xi1>, vector<32x128xf32>
    %select_n3A_448 = arith.select %or3A_446, %select_n3A_436, %select_n3A_417 : vector<32x128xi1>, vector<32x128xf32>
    %shift_right_arithmetic3A_449 = arith.constant 1 : i32
    %shift_right_arithmetic3A_450 = vector.broadcast %shift_right_arithmetic3A_449 : i32 to vector<32x128xi32>
    %shift_right_arithmetic3A_451 = arith.shrsi %add3A, %shift_right_arithmetic3A_450 : vector<32x128xi32>
    %and3A_452 = arith.constant 1 : i32
    %and3A_453 = vector.broadcast %and3A_452 : i32 to vector<32x128xi32>
    %and3A_454 = arith.andi %shift_right_arithmetic3A_451, %and3A_453 : vector<32x128xi32>
    %eq3A_455 = arith.constant 0 : i32
    %eq3A_456 = vector.broadcast %eq3A_455 : i32 to vector<32x128xi32>
    %eq3A_457 = arith.cmpi eq, %and3A_454, %eq3A_456 : vector<32x128xi32>
    %roll3A_458 = arith.constant 126 : i32
    %roll3A_459 = tpu.dynamic_rotate %select_n3A_447 by %roll3A_458 dim 1 : vector<32x128xf32>, i32 -> vector<32x128xf32>
    %roll3A_460 = arith.constant 2 : i32
    %roll3A_461 = tpu.dynamic_rotate %select_n3A_447 by %roll3A_460 dim 1 : vector<32x128xf32>, i32 -> vector<32x128xf32>
    %select_n3A_462 = arith.select %eq3A_457, %roll3A_459, %roll3A_461 : vector<32x128xi1>, vector<32x128xf32>
    %roll3A_463 = arith.constant 126 : i32
    %roll3A_464 = tpu.dynamic_rotate %select_n3A_448 by %roll3A_463 dim 1 : vector<32x128xf32>, i32 -> vector<32x128xf32>
    %roll3A_465 = arith.constant 2 : i32
    %roll3A_466 = tpu.dynamic_rotate %select_n3A_448 by %roll3A_465 dim 1 : vector<32x128xf32>, i32 -> vector<32x128xf32>
    %select_n3A_467 = arith.select %eq3A_457, %roll3A_464, %roll3A_466 : vector<32x128xi1>, vector<32x128xf32>
    %eq3A_468 = arith.xori %eq3A_457, %eq3A_355 : vector<32x128xi1>
    %eq3A_469 = arith.constant dense<true> : vector<32x128xi1>
    %eq3A_470 = arith.xori %eq3A_468, %eq3A_469 : vector<32x128xi1>
    %lt3A_471 = arith.cmpf olt, %select_n3A_462, %select_n3A_447 : vector<32x128xf32>
    %and3A_472 = arith.andi %eq3A_470, %lt3A_471 : vector<32x128xi1>
    %not3A_473 = arith.constant dense<true> : vector<32x128xi1>
    %not3A_474 = arith.xori %eq3A_470, %not3A_473 : vector<32x128xi1>
    %gt3A_475 = arith.cmpf ogt, %select_n3A_462, %select_n3A_447 : vector<32x128xf32>
    %and3A_476 = arith.andi %not3A_474, %gt3A_475 : vector<32x128xi1>
    %or3A_477 = arith.ori %and3A_472, %and3A_476 : vector<32x128xi1>
    %select_n3A_478 = arith.select %or3A_477, %select_n3A_462, %select_n3A_447 : vector<32x128xi1>, vector<32x128xf32>
    %select_n3A_479 = arith.select %or3A_477, %select_n3A_467, %select_n3A_448 : vector<32x128xi1>, vector<32x128xf32>
    %shift_right_arithmetic3A_480 = arith.constant 0 : i32
    %shift_right_arithmetic3A_481 = vector.broadcast %shift_right_arithmetic3A_480 : i32 to vector<32x128xi32>
    %shift_right_arithmetic3A_482 = arith.shrsi %add3A, %shift_right_arithmetic3A_481 : vector<32x128xi32>
    %and3A_483 = arith.constant 1 : i32
    %and3A_484 = vector.broadcast %and3A_483 : i32 to vector<32x128xi32>
    %and3A_485 = arith.andi %shift_right_arithmetic3A_482, %and3A_484 : vector<32x128xi32>
    %eq3A_486 = arith.constant 0 : i32
    %eq3A_487 = vector.broadcast %eq3A_486 : i32 to vector<32x128xi32>
    %eq3A_488 = arith.cmpi eq, %and3A_485, %eq3A_487 : vector<32x128xi32>
    %roll3A_489 = arith.constant 127 : i32
    %roll3A_490 = tpu.dynamic_rotate %select_n3A_478 by %roll3A_489 dim 1 : vector<32x128xf32>, i32 -> vector<32x128xf32>
    %roll3A_491 = arith.constant 1 : i32
    %roll3A_492 = tpu.dynamic_rotate %select_n3A_478 by %roll3A_491 dim 1 : vector<32x128xf32>, i32 -> vector<32x128xf32>
    %select_n3A_493 = arith.select %eq3A_488, %roll3A_490, %roll3A_492 : vector<32x128xi1>, vector<32x128xf32>
    %roll3A_494 = arith.constant 127 : i32
    %roll3A_495 = tpu.dynamic_rotate %select_n3A_479 by %roll3A_494 dim 1 : vector<32x128xf32>, i32 -> vector<32x128xf32>
    %roll3A_496 = arith.constant 1 : i32
    %roll3A_497 = tpu.dynamic_rotate %select_n3A_479 by %roll3A_496 dim 1 : vector<32x128xf32>, i32 -> vector<32x128xf32>
    %select_n3A_498 = arith.select %eq3A_488, %roll3A_495, %roll3A_497 : vector<32x128xi1>, vector<32x128xf32>
    %eq3A_499 = arith.xori %eq3A_488, %eq3A_355 : vector<32x128xi1>
    %eq3A_500 = arith.constant dense<true> : vector<32x128xi1>
    %eq3A_501 = arith.xori %eq3A_499, %eq3A_500 : vector<32x128xi1>
    %lt3A_502 = arith.cmpf olt, %select_n3A_493, %select_n3A_478 : vector<32x128xf32>
    %and3A_503 = arith.andi %eq3A_501, %lt3A_502 : vector<32x128xi1>
    %not3A_504 = arith.constant dense<true> : vector<32x128xi1>
    %not3A_505 = arith.xori %eq3A_501, %not3A_504 : vector<32x128xi1>
    %gt3A_506 = arith.cmpf ogt, %select_n3A_493, %select_n3A_478 : vector<32x128xf32>
    %and3A_507 = arith.andi %not3A_505, %gt3A_506 : vector<32x128xi1>
    %or3A_508 = arith.ori %and3A_503, %and3A_507 : vector<32x128xi1>
    %select_n3A_509 = arith.select %or3A_508, %select_n3A_493, %select_n3A_478 : vector<32x128xi1>, vector<32x128xf32>
    %select_n3A_510 = arith.select %or3A_508, %select_n3A_498, %select_n3A_479 : vector<32x128xi1>, vector<32x128xf32>
    %shift_right_arithmetic3A_511 = arith.constant 6 : i32
    %shift_right_arithmetic3A_512 = vector.broadcast %shift_right_arithmetic3A_511 : i32 to vector<32x128xi32>
    %shift_right_arithmetic3A_513 = arith.shrsi %add3A, %shift_right_arithmetic3A_512 : vector<32x128xi32>
    %and3A_514 = arith.constant 1 : i32
    %and3A_515 = vector.broadcast %and3A_514 : i32 to vector<32x128xi32>
    %and3A_516 = arith.andi %shift_right_arithmetic3A_513, %and3A_515 : vector<32x128xi32>
    %eq3A_517 = arith.constant 0 : i32
    %eq3A_518 = vector.broadcast %eq3A_517 : i32 to vector<32x128xi32>
    %eq3A_519 = arith.cmpi eq, %and3A_516, %eq3A_518 : vector<32x128xi32>
    %shift_right_arithmetic3A_520 = arith.constant 5 : i32
    %shift_right_arithmetic3A_521 = vector.broadcast %shift_right_arithmetic3A_520 : i32 to vector<32x128xi32>
    %shift_right_arithmetic3A_522 = arith.shrsi %add3A, %shift_right_arithmetic3A_521 : vector<32x128xi32>
    %and3A_523 = arith.constant 1 : i32
    %and3A_524 = vector.broadcast %and3A_523 : i32 to vector<32x128xi32>
    %and3A_525 = arith.andi %shift_right_arithmetic3A_522, %and3A_524 : vector<32x128xi32>
    %eq3A_526 = arith.constant 0 : i32
    %eq3A_527 = vector.broadcast %eq3A_526 : i32 to vector<32x128xi32>
    %eq3A_528 = arith.cmpi eq, %and3A_525, %eq3A_527 : vector<32x128xi32>
    %roll3A_529 = arith.constant 96 : i32
    %roll3A_530 = tpu.dynamic_rotate %select_n3A_509 by %roll3A_529 dim 1 : vector<32x128xf32>, i32 -> vector<32x128xf32>
    %roll3A_531 = arith.constant 32 : i32
    %roll3A_532 = tpu.dynamic_rotate %select_n3A_509 by %roll3A_531 dim 1 : vector<32x128xf32>, i32 -> vector<32x128xf32>
    %select_n3A_533 = arith.select %eq3A_528, %roll3A_530, %roll3A_532 : vector<32x128xi1>, vector<32x128xf32>
    %roll3A_534 = arith.constant 96 : i32
    %roll3A_535 = tpu.dynamic_rotate %select_n3A_510 by %roll3A_534 dim 1 : vector<32x128xf32>, i32 -> vector<32x128xf32>
    %roll3A_536 = arith.constant 32 : i32
    %roll3A_537 = tpu.dynamic_rotate %select_n3A_510 by %roll3A_536 dim 1 : vector<32x128xf32>, i32 -> vector<32x128xf32>
    %select_n3A_538 = arith.select %eq3A_528, %roll3A_535, %roll3A_537 : vector<32x128xi1>, vector<32x128xf32>
    %eq3A_539 = arith.xori %eq3A_528, %eq3A_519 : vector<32x128xi1>
    %eq3A_540 = arith.constant dense<true> : vector<32x128xi1>
    %eq3A_541 = arith.xori %eq3A_539, %eq3A_540 : vector<32x128xi1>
    %lt3A_542 = arith.cmpf olt, %select_n3A_533, %select_n3A_509 : vector<32x128xf32>
    %and3A_543 = arith.andi %eq3A_541, %lt3A_542 : vector<32x128xi1>
    %not3A_544 = arith.constant dense<true> : vector<32x128xi1>
    %not3A_545 = arith.xori %eq3A_541, %not3A_544 : vector<32x128xi1>
    %gt3A_546 = arith.cmpf ogt, %select_n3A_533, %select_n3A_509 : vector<32x128xf32>
    %and3A_547 = arith.andi %not3A_545, %gt3A_546 : vector<32x128xi1>
    %or3A_548 = arith.ori %and3A_543, %and3A_547 : vector<32x128xi1>
    %select_n3A_549 = arith.select %or3A_548, %select_n3A_533, %select_n3A_509 : vector<32x128xi1>, vector<32x128xf32>
    %select_n3A_550 = arith.select %or3A_548, %select_n3A_538, %select_n3A_510 : vector<32x128xi1>, vector<32x128xf32>
    %shift_right_arithmetic3A_551 = arith.constant 4 : i32
    %shift_right_arithmetic3A_552 = vector.broadcast %shift_right_arithmetic3A_551 : i32 to vector<32x128xi32>
    %shift_right_arithmetic3A_553 = arith.shrsi %add3A, %shift_right_arithmetic3A_552 : vector<32x128xi32>
    %and3A_554 = arith.constant 1 : i32
    %and3A_555 = vector.broadcast %and3A_554 : i32 to vector<32x128xi32>
    %and3A_556 = arith.andi %shift_right_arithmetic3A_553, %and3A_555 : vector<32x128xi32>
    %eq3A_557 = arith.constant 0 : i32
    %eq3A_558 = vector.broadcast %eq3A_557 : i32 to vector<32x128xi32>
    %eq3A_559 = arith.cmpi eq, %and3A_556, %eq3A_558 : vector<32x128xi32>
    %roll3A_560 = arith.constant 112 : i32
    %roll3A_561 = tpu.dynamic_rotate %select_n3A_549 by %roll3A_560 dim 1 : vector<32x128xf32>, i32 -> vector<32x128xf32>
    %roll3A_562 = arith.constant 16 : i32
    %roll3A_563 = tpu.dynamic_rotate %select_n3A_549 by %roll3A_562 dim 1 : vector<32x128xf32>, i32 -> vector<32x128xf32>
    %select_n3A_564 = arith.select %eq3A_559, %roll3A_561, %roll3A_563 : vector<32x128xi1>, vector<32x128xf32>
    %roll3A_565 = arith.constant 112 : i32
    %roll3A_566 = tpu.dynamic_rotate %select_n3A_550 by %roll3A_565 dim 1 : vector<32x128xf32>, i32 -> vector<32x128xf32>
    %roll3A_567 = arith.constant 16 : i32
    %roll3A_568 = tpu.dynamic_rotate %select_n3A_550 by %roll3A_567 dim 1 : vector<32x128xf32>, i32 -> vector<32x128xf32>
    %select_n3A_569 = arith.select %eq3A_559, %roll3A_566, %roll3A_568 : vector<32x128xi1>, vector<32x128xf32>
    %eq3A_570 = arith.xori %eq3A_559, %eq3A_519 : vector<32x128xi1>
    %eq3A_571 = arith.constant dense<true> : vector<32x128xi1>
    %eq3A_572 = arith.xori %eq3A_570, %eq3A_571 : vector<32x128xi1>
    %lt3A_573 = arith.cmpf olt, %select_n3A_564, %select_n3A_549 : vector<32x128xf32>
    %and3A_574 = arith.andi %eq3A_572, %lt3A_573 : vector<32x128xi1>
    %not3A_575 = arith.constant dense<true> : vector<32x128xi1>
    %not3A_576 = arith.xori %eq3A_572, %not3A_575 : vector<32x128xi1>
    %gt3A_577 = arith.cmpf ogt, %select_n3A_564, %select_n3A_549 : vector<32x128xf32>
    %and3A_578 = arith.andi %not3A_576, %gt3A_577 : vector<32x128xi1>
    %or3A_579 = arith.ori %and3A_574, %and3A_578 : vector<32x128xi1>
    %select_n3A_580 = arith.select %or3A_579, %select_n3A_564, %select_n3A_549 : vector<32x128xi1>, vector<32x128xf32>
    %select_n3A_581 = arith.select %or3A_579, %select_n3A_569, %select_n3A_550 : vector<32x128xi1>, vector<32x128xf32>
    %shift_right_arithmetic3A_582 = arith.constant 3 : i32
    %shift_right_arithmetic3A_583 = vector.broadcast %shift_right_arithmetic3A_582 : i32 to vector<32x128xi32>
    %shift_right_arithmetic3A_584 = arith.shrsi %add3A, %shift_right_arithmetic3A_583 : vector<32x128xi32>
    %and3A_585 = arith.constant 1 : i32
    %and3A_586 = vector.broadcast %and3A_585 : i32 to vector<32x128xi32>
    %and3A_587 = arith.andi %shift_right_arithmetic3A_584, %and3A_586 : vector<32x128xi32>
    %eq3A_588 = arith.constant 0 : i32
    %eq3A_589 = vector.broadcast %eq3A_588 : i32 to vector<32x128xi32>
    %eq3A_590 = arith.cmpi eq, %and3A_587, %eq3A_589 : vector<32x128xi32>
    %roll3A_591 = arith.constant 120 : i32
    %roll3A_592 = tpu.dynamic_rotate %select_n3A_580 by %roll3A_591 dim 1 : vector<32x128xf32>, i32 -> vector<32x128xf32>
    %roll3A_593 = arith.constant 8 : i32
    %roll3A_594 = tpu.dynamic_rotate %select_n3A_580 by %roll3A_593 dim 1 : vector<32x128xf32>, i32 -> vector<32x128xf32>
    %select_n3A_595 = arith.select %eq3A_590, %roll3A_592, %roll3A_594 : vector<32x128xi1>, vector<32x128xf32>
    %roll3A_596 = arith.constant 120 : i32
    %roll3A_597 = tpu.dynamic_rotate %select_n3A_581 by %roll3A_596 dim 1 : vector<32x128xf32>, i32 -> vector<32x128xf32>
    %roll3A_598 = arith.constant 8 : i32
    %roll3A_599 = tpu.dynamic_rotate %select_n3A_581 by %roll3A_598 dim 1 : vector<32x128xf32>, i32 -> vector<32x128xf32>
    %select_n3A_600 = arith.select %eq3A_590, %roll3A_597, %roll3A_599 : vector<32x128xi1>, vector<32x128xf32>
    %eq3A_601 = arith.xori %eq3A_590, %eq3A_519 : vector<32x128xi1>
    %eq3A_602 = arith.constant dense<true> : vector<32x128xi1>
    %eq3A_603 = arith.xori %eq3A_601, %eq3A_602 : vector<32x128xi1>
    %lt3A_604 = arith.cmpf olt, %select_n3A_595, %select_n3A_580 : vector<32x128xf32>
    %and3A_605 = arith.andi %eq3A_603, %lt3A_604 : vector<32x128xi1>
    %not3A_606 = arith.constant dense<true> : vector<32x128xi1>
    %not3A_607 = arith.xori %eq3A_603, %not3A_606 : vector<32x128xi1>
    %gt3A_608 = arith.cmpf ogt, %select_n3A_595, %select_n3A_580 : vector<32x128xf32>
    %and3A_609 = arith.andi %not3A_607, %gt3A_608 : vector<32x128xi1>
    %or3A_610 = arith.ori %and3A_605, %and3A_609 : vector<32x128xi1>
    %select_n3A_611 = arith.select %or3A_610, %select_n3A_595, %select_n3A_580 : vector<32x128xi1>, vector<32x128xf32>
    %select_n3A_612 = arith.select %or3A_610, %select_n3A_600, %select_n3A_581 : vector<32x128xi1>, vector<32x128xf32>
    %shift_right_arithmetic3A_613 = arith.constant 2 : i32
    %shift_right_arithmetic3A_614 = vector.broadcast %shift_right_arithmetic3A_613 : i32 to vector<32x128xi32>
    %shift_right_arithmetic3A_615 = arith.shrsi %add3A, %shift_right_arithmetic3A_614 : vector<32x128xi32>
    %and3A_616 = arith.constant 1 : i32
    %and3A_617 = vector.broadcast %and3A_616 : i32 to vector<32x128xi32>
    %and3A_618 = arith.andi %shift_right_arithmetic3A_615, %and3A_617 : vector<32x128xi32>
    %eq3A_619 = arith.constant 0 : i32
    %eq3A_620 = vector.broadcast %eq3A_619 : i32 to vector<32x128xi32>
    %eq3A_621 = arith.cmpi eq, %and3A_618, %eq3A_620 : vector<32x128xi32>
    %roll3A_622 = arith.constant 124 : i32
    %roll3A_623 = tpu.dynamic_rotate %select_n3A_611 by %roll3A_622 dim 1 : vector<32x128xf32>, i32 -> vector<32x128xf32>
    %roll3A_624 = arith.constant 4 : i32
    %roll3A_625 = tpu.dynamic_rotate %select_n3A_611 by %roll3A_624 dim 1 : vector<32x128xf32>, i32 -> vector<32x128xf32>
    %select_n3A_626 = arith.select %eq3A_621, %roll3A_623, %roll3A_625 : vector<32x128xi1>, vector<32x128xf32>
    %roll3A_627 = arith.constant 124 : i32
    %roll3A_628 = tpu.dynamic_rotate %select_n3A_612 by %roll3A_627 dim 1 : vector<32x128xf32>, i32 -> vector<32x128xf32>
    %roll3A_629 = arith.constant 4 : i32
    %roll3A_630 = tpu.dynamic_rotate %select_n3A_612 by %roll3A_629 dim 1 : vector<32x128xf32>, i32 -> vector<32x128xf32>
    %select_n3A_631 = arith.select %eq3A_621, %roll3A_628, %roll3A_630 : vector<32x128xi1>, vector<32x128xf32>
    %eq3A_632 = arith.xori %eq3A_621, %eq3A_519 : vector<32x128xi1>
    %eq3A_633 = arith.constant dense<true> : vector<32x128xi1>
    %eq3A_634 = arith.xori %eq3A_632, %eq3A_633 : vector<32x128xi1>
    %lt3A_635 = arith.cmpf olt, %select_n3A_626, %select_n3A_611 : vector<32x128xf32>
    %and3A_636 = arith.andi %eq3A_634, %lt3A_635 : vector<32x128xi1>
    %not3A_637 = arith.constant dense<true> : vector<32x128xi1>
    %not3A_638 = arith.xori %eq3A_634, %not3A_637 : vector<32x128xi1>
    %gt3A_639 = arith.cmpf ogt, %select_n3A_626, %select_n3A_611 : vector<32x128xf32>
    %and3A_640 = arith.andi %not3A_638, %gt3A_639 : vector<32x128xi1>
    %or3A_641 = arith.ori %and3A_636, %and3A_640 : vector<32x128xi1>
    %select_n3A_642 = arith.select %or3A_641, %select_n3A_626, %select_n3A_611 : vector<32x128xi1>, vector<32x128xf32>
    %select_n3A_643 = arith.select %or3A_641, %select_n3A_631, %select_n3A_612 : vector<32x128xi1>, vector<32x128xf32>
    %shift_right_arithmetic3A_644 = arith.constant 1 : i32
    %shift_right_arithmetic3A_645 = vector.broadcast %shift_right_arithmetic3A_644 : i32 to vector<32x128xi32>
    %shift_right_arithmetic3A_646 = arith.shrsi %add3A, %shift_right_arithmetic3A_645 : vector<32x128xi32>
    %and3A_647 = arith.constant 1 : i32
    %and3A_648 = vector.broadcast %and3A_647 : i32 to vector<32x128xi32>
    %and3A_649 = arith.andi %shift_right_arithmetic3A_646, %and3A_648 : vector<32x128xi32>
    %eq3A_650 = arith.constant 0 : i32
    %eq3A_651 = vector.broadcast %eq3A_650 : i32 to vector<32x128xi32>
    %eq3A_652 = arith.cmpi eq, %and3A_649, %eq3A_651 : vector<32x128xi32>
    %roll3A_653 = arith.constant 126 : i32
    %roll3A_654 = tpu.dynamic_rotate %select_n3A_642 by %roll3A_653 dim 1 : vector<32x128xf32>, i32 -> vector<32x128xf32>
    %roll3A_655 = arith.constant 2 : i32
    %roll3A_656 = tpu.dynamic_rotate %select_n3A_642 by %roll3A_655 dim 1 : vector<32x128xf32>, i32 -> vector<32x128xf32>
    %select_n3A_657 = arith.select %eq3A_652, %roll3A_654, %roll3A_656 : vector<32x128xi1>, vector<32x128xf32>
    %roll3A_658 = arith.constant 126 : i32
    %roll3A_659 = tpu.dynamic_rotate %select_n3A_643 by %roll3A_658 dim 1 : vector<32x128xf32>, i32 -> vector<32x128xf32>
    %roll3A_660 = arith.constant 2 : i32
    %roll3A_661 = tpu.dynamic_rotate %select_n3A_643 by %roll3A_660 dim 1 : vector<32x128xf32>, i32 -> vector<32x128xf32>
    %select_n3A_662 = arith.select %eq3A_652, %roll3A_659, %roll3A_661 : vector<32x128xi1>, vector<32x128xf32>
    %eq3A_663 = arith.xori %eq3A_652, %eq3A_519 : vector<32x128xi1>
    %eq3A_664 = arith.constant dense<true> : vector<32x128xi1>
    %eq3A_665 = arith.xori %eq3A_663, %eq3A_664 : vector<32x128xi1>
    %lt3A_666 = arith.cmpf olt, %select_n3A_657, %select_n3A_642 : vector<32x128xf32>
    %and3A_667 = arith.andi %eq3A_665, %lt3A_666 : vector<32x128xi1>
    %not3A_668 = arith.constant dense<true> : vector<32x128xi1>
    %not3A_669 = arith.xori %eq3A_665, %not3A_668 : vector<32x128xi1>
    %gt3A_670 = arith.cmpf ogt, %select_n3A_657, %select_n3A_642 : vector<32x128xf32>
    %and3A_671 = arith.andi %not3A_669, %gt3A_670 : vector<32x128xi1>
    %or3A_672 = arith.ori %and3A_667, %and3A_671 : vector<32x128xi1>
    %select_n3A_673 = arith.select %or3A_672, %select_n3A_657, %select_n3A_642 : vector<32x128xi1>, vector<32x128xf32>
    %select_n3A_674 = arith.select %or3A_672, %select_n3A_662, %select_n3A_643 : vector<32x128xi1>, vector<32x128xf32>
    %shift_right_arithmetic3A_675 = arith.constant 0 : i32
    %shift_right_arithmetic3A_676 = vector.broadcast %shift_right_arithmetic3A_675 : i32 to vector<32x128xi32>
    %shift_right_arithmetic3A_677 = arith.shrsi %add3A, %shift_right_arithmetic3A_676 : vector<32x128xi32>
    %and3A_678 = arith.constant 1 : i32
    %and3A_679 = vector.broadcast %and3A_678 : i32 to vector<32x128xi32>
    %and3A_680 = arith.andi %shift_right_arithmetic3A_677, %and3A_679 : vector<32x128xi32>
    %eq3A_681 = arith.constant 0 : i32
    %eq3A_682 = vector.broadcast %eq3A_681 : i32 to vector<32x128xi32>
    %eq3A_683 = arith.cmpi eq, %and3A_680, %eq3A_682 : vector<32x128xi32>
    %roll3A_684 = arith.constant 127 : i32
    %roll3A_685 = tpu.dynamic_rotate %select_n3A_673 by %roll3A_684 dim 1 : vector<32x128xf32>, i32 -> vector<32x128xf32>
    %roll3A_686 = arith.constant 1 : i32
    %roll3A_687 = tpu.dynamic_rotate %select_n3A_673 by %roll3A_686 dim 1 : vector<32x128xf32>, i32 -> vector<32x128xf32>
    %select_n3A_688 = arith.select %eq3A_683, %roll3A_685, %roll3A_687 : vector<32x128xi1>, vector<32x128xf32>
    %roll3A_689 = arith.constant 127 : i32
    %roll3A_690 = tpu.dynamic_rotate %select_n3A_674 by %roll3A_689 dim 1 : vector<32x128xf32>, i32 -> vector<32x128xf32>
    %roll3A_691 = arith.constant 1 : i32
    %roll3A_692 = tpu.dynamic_rotate %select_n3A_674 by %roll3A_691 dim 1 : vector<32x128xf32>, i32 -> vector<32x128xf32>
    %select_n3A_693 = arith.select %eq3A_683, %roll3A_690, %roll3A_692 : vector<32x128xi1>, vector<32x128xf32>
    %eq3A_694 = arith.xori %eq3A_683, %eq3A_519 : vector<32x128xi1>
    %eq3A_695 = arith.constant dense<true> : vector<32x128xi1>
    %eq3A_696 = arith.xori %eq3A_694, %eq3A_695 : vector<32x128xi1>
    %lt3A_697 = arith.cmpf olt, %select_n3A_688, %select_n3A_673 : vector<32x128xf32>
    %and3A_698 = arith.andi %eq3A_696, %lt3A_697 : vector<32x128xi1>
    %not3A_699 = arith.constant dense<true> : vector<32x128xi1>
    %not3A_700 = arith.xori %eq3A_696, %not3A_699 : vector<32x128xi1>
    %gt3A_701 = arith.cmpf ogt, %select_n3A_688, %select_n3A_673 : vector<32x128xf32>
    %and3A_702 = arith.andi %not3A_700, %gt3A_701 : vector<32x128xi1>
    %or3A_703 = arith.ori %and3A_698, %and3A_702 : vector<32x128xi1>
    %select_n3A_704 = arith.select %or3A_703, %select_n3A_688, %select_n3A_673 : vector<32x128xi1>, vector<32x128xf32>
    %select_n3A_705 = arith.select %or3A_703, %select_n3A_693, %select_n3A_674 : vector<32x128xi1>, vector<32x128xf32>
    %shift_right_arithmetic3A_706 = arith.constant 7 : i32
    %shift_right_arithmetic3A_707 = vector.broadcast %shift_right_arithmetic3A_706 : i32 to vector<32x128xi32>
    %shift_right_arithmetic3A_708 = arith.shrsi %add3A, %shift_right_arithmetic3A_707 : vector<32x128xi32>
    %and3A_709 = arith.constant 1 : i32
    %and3A_710 = vector.broadcast %and3A_709 : i32 to vector<32x128xi32>
    %and3A_711 = arith.andi %shift_right_arithmetic3A_708, %and3A_710 : vector<32x128xi32>
    %eq3A_712 = arith.constant 0 : i32
    %eq3A_713 = vector.broadcast %eq3A_712 : i32 to vector<32x128xi32>
    %eq3A_714 = arith.cmpi eq, %and3A_711, %eq3A_713 : vector<32x128xi32>
    %shift_right_arithmetic3A_715 = arith.constant 6 : i32
    %shift_right_arithmetic3A_716 = vector.broadcast %shift_right_arithmetic3A_715 : i32 to vector<32x128xi32>
    %shift_right_arithmetic3A_717 = arith.shrsi %add3A, %shift_right_arithmetic3A_716 : vector<32x128xi32>
    %and3A_718 = arith.constant 1 : i32
    %and3A_719 = vector.broadcast %and3A_718 : i32 to vector<32x128xi32>
    %and3A_720 = arith.andi %shift_right_arithmetic3A_717, %and3A_719 : vector<32x128xi32>
    %eq3A_721 = arith.constant 0 : i32
    %eq3A_722 = vector.broadcast %eq3A_721 : i32 to vector<32x128xi32>
    %eq3A_723 = arith.cmpi eq, %and3A_720, %eq3A_722 : vector<32x128xi32>
    %roll3A_724 = arith.constant 64 : i32
    %roll3A_725 = tpu.dynamic_rotate %select_n3A_704 by %roll3A_724 dim 1 : vector<32x128xf32>, i32 -> vector<32x128xf32>
    %roll3A_726 = arith.constant 64 : i32
    %roll3A_727 = tpu.dynamic_rotate %select_n3A_704 by %roll3A_726 dim 1 : vector<32x128xf32>, i32 -> vector<32x128xf32>
    %select_n3A_728 = arith.select %eq3A_723, %roll3A_725, %roll3A_727 : vector<32x128xi1>, vector<32x128xf32>
    %roll3A_729 = arith.constant 64 : i32
    %roll3A_730 = tpu.dynamic_rotate %select_n3A_705 by %roll3A_729 dim 1 : vector<32x128xf32>, i32 -> vector<32x128xf32>
    %roll3A_731 = arith.constant 64 : i32
    %roll3A_732 = tpu.dynamic_rotate %select_n3A_705 by %roll3A_731 dim 1 : vector<32x128xf32>, i32 -> vector<32x128xf32>
    %select_n3A_733 = arith.select %eq3A_723, %roll3A_730, %roll3A_732 : vector<32x128xi1>, vector<32x128xf32>
    %eq3A_734 = arith.xori %eq3A_723, %eq3A_714 : vector<32x128xi1>
    %eq3A_735 = arith.constant dense<true> : vector<32x128xi1>
    %eq3A_736 = arith.xori %eq3A_734, %eq3A_735 : vector<32x128xi1>
    %lt3A_737 = arith.cmpf olt, %select_n3A_728, %select_n3A_704 : vector<32x128xf32>
    %and3A_738 = arith.andi %eq3A_736, %lt3A_737 : vector<32x128xi1>
    %not3A_739 = arith.constant dense<true> : vector<32x128xi1>
    %not3A_740 = arith.xori %eq3A_736, %not3A_739 : vector<32x128xi1>
    %gt3A_741 = arith.cmpf ogt, %select_n3A_728, %select_n3A_704 : vector<32x128xf32>
    %and3A_742 = arith.andi %not3A_740, %gt3A_741 : vector<32x128xi1>
    %or3A_743 = arith.ori %and3A_738, %and3A_742 : vector<32x128xi1>
    %select_n3A_744 = arith.select %or3A_743, %select_n3A_728, %select_n3A_704 : vector<32x128xi1>, vector<32x128xf32>
    %select_n3A_745 = arith.select %or3A_743, %select_n3A_733, %select_n3A_705 : vector<32x128xi1>, vector<32x128xf32>
    %shift_right_arithmetic3A_746 = arith.constant 5 : i32
    %shift_right_arithmetic3A_747 = vector.broadcast %shift_right_arithmetic3A_746 : i32 to vector<32x128xi32>
    %shift_right_arithmetic3A_748 = arith.shrsi %add3A, %shift_right_arithmetic3A_747 : vector<32x128xi32>
    %and3A_749 = arith.constant 1 : i32
    %and3A_750 = vector.broadcast %and3A_749 : i32 to vector<32x128xi32>
    %and3A_751 = arith.andi %shift_right_arithmetic3A_748, %and3A_750 : vector<32x128xi32>
    %eq3A_752 = arith.constant 0 : i32
    %eq3A_753 = vector.broadcast %eq3A_752 : i32 to vector<32x128xi32>
    %eq3A_754 = arith.cmpi eq, %and3A_751, %eq3A_753 : vector<32x128xi32>
    %roll3A_755 = arith.constant 96 : i32
    %roll3A_756 = tpu.dynamic_rotate %select_n3A_744 by %roll3A_755 dim 1 : vector<32x128xf32>, i32 -> vector<32x128xf32>
    %roll3A_757 = arith.constant 32 : i32
    %roll3A_758 = tpu.dynamic_rotate %select_n3A_744 by %roll3A_757 dim 1 : vector<32x128xf32>, i32 -> vector<32x128xf32>
    %select_n3A_759 = arith.select %eq3A_754, %roll3A_756, %roll3A_758 : vector<32x128xi1>, vector<32x128xf32>
    %roll3A_760 = arith.constant 96 : i32
    %roll3A_761 = tpu.dynamic_rotate %select_n3A_745 by %roll3A_760 dim 1 : vector<32x128xf32>, i32 -> vector<32x128xf32>
    %roll3A_762 = arith.constant 32 : i32
    %roll3A_763 = tpu.dynamic_rotate %select_n3A_745 by %roll3A_762 dim 1 : vector<32x128xf32>, i32 -> vector<32x128xf32>
    %select_n3A_764 = arith.select %eq3A_754, %roll3A_761, %roll3A_763 : vector<32x128xi1>, vector<32x128xf32>
    %eq3A_765 = arith.xori %eq3A_754, %eq3A_714 : vector<32x128xi1>
    %eq3A_766 = arith.constant dense<true> : vector<32x128xi1>
    %eq3A_767 = arith.xori %eq3A_765, %eq3A_766 : vector<32x128xi1>
    %lt3A_768 = arith.cmpf olt, %select_n3A_759, %select_n3A_744 : vector<32x128xf32>
    %and3A_769 = arith.andi %eq3A_767, %lt3A_768 : vector<32x128xi1>
    %not3A_770 = arith.constant dense<true> : vector<32x128xi1>
    %not3A_771 = arith.xori %eq3A_767, %not3A_770 : vector<32x128xi1>
    %gt3A_772 = arith.cmpf ogt, %select_n3A_759, %select_n3A_744 : vector<32x128xf32>
    %and3A_773 = arith.andi %not3A_771, %gt3A_772 : vector<32x128xi1>
    %or3A_774 = arith.ori %and3A_769, %and3A_773 : vector<32x128xi1>
    %select_n3A_775 = arith.select %or3A_774, %select_n3A_759, %select_n3A_744 : vector<32x128xi1>, vector<32x128xf32>
    %select_n3A_776 = arith.select %or3A_774, %select_n3A_764, %select_n3A_745 : vector<32x128xi1>, vector<32x128xf32>
    %shift_right_arithmetic3A_777 = arith.constant 4 : i32
    %shift_right_arithmetic3A_778 = vector.broadcast %shift_right_arithmetic3A_777 : i32 to vector<32x128xi32>
    %shift_right_arithmetic3A_779 = arith.shrsi %add3A, %shift_right_arithmetic3A_778 : vector<32x128xi32>
    %and3A_780 = arith.constant 1 : i32
    %and3A_781 = vector.broadcast %and3A_780 : i32 to vector<32x128xi32>
    %and3A_782 = arith.andi %shift_right_arithmetic3A_779, %and3A_781 : vector<32x128xi32>
    %eq3A_783 = arith.constant 0 : i32
    %eq3A_784 = vector.broadcast %eq3A_783 : i32 to vector<32x128xi32>
    %eq3A_785 = arith.cmpi eq, %and3A_782, %eq3A_784 : vector<32x128xi32>
    %roll3A_786 = arith.constant 112 : i32
    %roll3A_787 = tpu.dynamic_rotate %select_n3A_775 by %roll3A_786 dim 1 : vector<32x128xf32>, i32 -> vector<32x128xf32>
    %roll3A_788 = arith.constant 16 : i32
    %roll3A_789 = tpu.dynamic_rotate %select_n3A_775 by %roll3A_788 dim 1 : vector<32x128xf32>, i32 -> vector<32x128xf32>
    %select_n3A_790 = arith.select %eq3A_785, %roll3A_787, %roll3A_789 : vector<32x128xi1>, vector<32x128xf32>
    %roll3A_791 = arith.constant 112 : i32
    %roll3A_792 = tpu.dynamic_rotate %select_n3A_776 by %roll3A_791 dim 1 : vector<32x128xf32>, i32 -> vector<32x128xf32>
    %roll3A_793 = arith.constant 16 : i32
    %roll3A_794 = tpu.dynamic_rotate %select_n3A_776 by %roll3A_793 dim 1 : vector<32x128xf32>, i32 -> vector<32x128xf32>
    %select_n3A_795 = arith.select %eq3A_785, %roll3A_792, %roll3A_794 : vector<32x128xi1>, vector<32x128xf32>
    %eq3A_796 = arith.xori %eq3A_785, %eq3A_714 : vector<32x128xi1>
    %eq3A_797 = arith.constant dense<true> : vector<32x128xi1>
    %eq3A_798 = arith.xori %eq3A_796, %eq3A_797 : vector<32x128xi1>
    %lt3A_799 = arith.cmpf olt, %select_n3A_790, %select_n3A_775 : vector<32x128xf32>
    %and3A_800 = arith.andi %eq3A_798, %lt3A_799 : vector<32x128xi1>
    %not3A_801 = arith.constant dense<true> : vector<32x128xi1>
    %not3A_802 = arith.xori %eq3A_798, %not3A_801 : vector<32x128xi1>
    %gt3A_803 = arith.cmpf ogt, %select_n3A_790, %select_n3A_775 : vector<32x128xf32>
    %and3A_804 = arith.andi %not3A_802, %gt3A_803 : vector<32x128xi1>
    %or3A_805 = arith.ori %and3A_800, %and3A_804 : vector<32x128xi1>
    %select_n3A_806 = arith.select %or3A_805, %select_n3A_790, %select_n3A_775 : vector<32x128xi1>, vector<32x128xf32>
    %select_n3A_807 = arith.select %or3A_805, %select_n3A_795, %select_n3A_776 : vector<32x128xi1>, vector<32x128xf32>
    %shift_right_arithmetic3A_808 = arith.constant 3 : i32
    %shift_right_arithmetic3A_809 = vector.broadcast %shift_right_arithmetic3A_808 : i32 to vector<32x128xi32>
    %shift_right_arithmetic3A_810 = arith.shrsi %add3A, %shift_right_arithmetic3A_809 : vector<32x128xi32>
    %and3A_811 = arith.constant 1 : i32
    %and3A_812 = vector.broadcast %and3A_811 : i32 to vector<32x128xi32>
    %and3A_813 = arith.andi %shift_right_arithmetic3A_810, %and3A_812 : vector<32x128xi32>
    %eq3A_814 = arith.constant 0 : i32
    %eq3A_815 = vector.broadcast %eq3A_814 : i32 to vector<32x128xi32>
    %eq3A_816 = arith.cmpi eq, %and3A_813, %eq3A_815 : vector<32x128xi32>
    %roll3A_817 = arith.constant 120 : i32
    %roll3A_818 = tpu.dynamic_rotate %select_n3A_806 by %roll3A_817 dim 1 : vector<32x128xf32>, i32 -> vector<32x128xf32>
    %roll3A_819 = arith.constant 8 : i32
    %roll3A_820 = tpu.dynamic_rotate %select_n3A_806 by %roll3A_819 dim 1 : vector<32x128xf32>, i32 -> vector<32x128xf32>
    %select_n3A_821 = arith.select %eq3A_816, %roll3A_818, %roll3A_820 : vector<32x128xi1>, vector<32x128xf32>
    %roll3A_822 = arith.constant 120 : i32
    %roll3A_823 = tpu.dynamic_rotate %select_n3A_807 by %roll3A_822 dim 1 : vector<32x128xf32>, i32 -> vector<32x128xf32>
    %roll3A_824 = arith.constant 8 : i32
    %roll3A_825 = tpu.dynamic_rotate %select_n3A_807 by %roll3A_824 dim 1 : vector<32x128xf32>, i32 -> vector<32x128xf32>
    %select_n3A_826 = arith.select %eq3A_816, %roll3A_823, %roll3A_825 : vector<32x128xi1>, vector<32x128xf32>
    %eq3A_827 = arith.xori %eq3A_816, %eq3A_714 : vector<32x128xi1>
    %eq3A_828 = arith.constant dense<true> : vector<32x128xi1>
    %eq3A_829 = arith.xori %eq3A_827, %eq3A_828 : vector<32x128xi1>
    %lt3A_830 = arith.cmpf olt, %select_n3A_821, %select_n3A_806 : vector<32x128xf32>
    %and3A_831 = arith.andi %eq3A_829, %lt3A_830 : vector<32x128xi1>
    %not3A_832 = arith.constant dense<true> : vector<32x128xi1>
    %not3A_833 = arith.xori %eq3A_829, %not3A_832 : vector<32x128xi1>
    %gt3A_834 = arith.cmpf ogt, %select_n3A_821, %select_n3A_806 : vector<32x128xf32>
    %and3A_835 = arith.andi %not3A_833, %gt3A_834 : vector<32x128xi1>
    %or3A_836 = arith.ori %and3A_831, %and3A_835 : vector<32x128xi1>
    %select_n3A_837 = arith.select %or3A_836, %select_n3A_821, %select_n3A_806 : vector<32x128xi1>, vector<32x128xf32>
    %select_n3A_838 = arith.select %or3A_836, %select_n3A_826, %select_n3A_807 : vector<32x128xi1>, vector<32x128xf32>
    %shift_right_arithmetic3A_839 = arith.constant 2 : i32
    %shift_right_arithmetic3A_840 = vector.broadcast %shift_right_arithmetic3A_839 : i32 to vector<32x128xi32>
    %shift_right_arithmetic3A_841 = arith.shrsi %add3A, %shift_right_arithmetic3A_840 : vector<32x128xi32>
    %and3A_842 = arith.constant 1 : i32
    %and3A_843 = vector.broadcast %and3A_842 : i32 to vector<32x128xi32>
    %and3A_844 = arith.andi %shift_right_arithmetic3A_841, %and3A_843 : vector<32x128xi32>
    %eq3A_845 = arith.constant 0 : i32
    %eq3A_846 = vector.broadcast %eq3A_845 : i32 to vector<32x128xi32>
    %eq3A_847 = arith.cmpi eq, %and3A_844, %eq3A_846 : vector<32x128xi32>
    %roll3A_848 = arith.constant 124 : i32
    %roll3A_849 = tpu.dynamic_rotate %select_n3A_837 by %roll3A_848 dim 1 : vector<32x128xf32>, i32 -> vector<32x128xf32>
    %roll3A_850 = arith.constant 4 : i32
    %roll3A_851 = tpu.dynamic_rotate %select_n3A_837 by %roll3A_850 dim 1 : vector<32x128xf32>, i32 -> vector<32x128xf32>
    %select_n3A_852 = arith.select %eq3A_847, %roll3A_849, %roll3A_851 : vector<32x128xi1>, vector<32x128xf32>
    %roll3A_853 = arith.constant 124 : i32
    %roll3A_854 = tpu.dynamic_rotate %select_n3A_838 by %roll3A_853 dim 1 : vector<32x128xf32>, i32 -> vector<32x128xf32>
    %roll3A_855 = arith.constant 4 : i32
    %roll3A_856 = tpu.dynamic_rotate %select_n3A_838 by %roll3A_855 dim 1 : vector<32x128xf32>, i32 -> vector<32x128xf32>
    %select_n3A_857 = arith.select %eq3A_847, %roll3A_854, %roll3A_856 : vector<32x128xi1>, vector<32x128xf32>
    %eq3A_858 = arith.xori %eq3A_847, %eq3A_714 : vector<32x128xi1>
    %eq3A_859 = arith.constant dense<true> : vector<32x128xi1>
    %eq3A_860 = arith.xori %eq3A_858, %eq3A_859 : vector<32x128xi1>
    %lt3A_861 = arith.cmpf olt, %select_n3A_852, %select_n3A_837 : vector<32x128xf32>
    %and3A_862 = arith.andi %eq3A_860, %lt3A_861 : vector<32x128xi1>
    %not3A_863 = arith.constant dense<true> : vector<32x128xi1>
    %not3A_864 = arith.xori %eq3A_860, %not3A_863 : vector<32x128xi1>
    %gt3A_865 = arith.cmpf ogt, %select_n3A_852, %select_n3A_837 : vector<32x128xf32>
    %and3A_866 = arith.andi %not3A_864, %gt3A_865 : vector<32x128xi1>
    %or3A_867 = arith.ori %and3A_862, %and3A_866 : vector<32x128xi1>
    %select_n3A_868 = arith.select %or3A_867, %select_n3A_852, %select_n3A_837 : vector<32x128xi1>, vector<32x128xf32>
    %select_n3A_869 = arith.select %or3A_867, %select_n3A_857, %select_n3A_838 : vector<32x128xi1>, vector<32x128xf32>
    %shift_right_arithmetic3A_870 = arith.constant 1 : i32
    %shift_right_arithmetic3A_871 = vector.broadcast %shift_right_arithmetic3A_870 : i32 to vector<32x128xi32>
    %shift_right_arithmetic3A_872 = arith.shrsi %add3A, %shift_right_arithmetic3A_871 : vector<32x128xi32>
    %and3A_873 = arith.constant 1 : i32
    %and3A_874 = vector.broadcast %and3A_873 : i32 to vector<32x128xi32>
    %and3A_875 = arith.andi %shift_right_arithmetic3A_872, %and3A_874 : vector<32x128xi32>
    %eq3A_876 = arith.constant 0 : i32
    %eq3A_877 = vector.broadcast %eq3A_876 : i32 to vector<32x128xi32>
    %eq3A_878 = arith.cmpi eq, %and3A_875, %eq3A_877 : vector<32x128xi32>
    %roll3A_879 = arith.constant 126 : i32
    %roll3A_880 = tpu.dynamic_rotate %select_n3A_868 by %roll3A_879 dim 1 : vector<32x128xf32>, i32 -> vector<32x128xf32>
    %roll3A_881 = arith.constant 2 : i32
    %roll3A_882 = tpu.dynamic_rotate %select_n3A_868 by %roll3A_881 dim 1 : vector<32x128xf32>, i32 -> vector<32x128xf32>
    %select_n3A_883 = arith.select %eq3A_878, %roll3A_880, %roll3A_882 : vector<32x128xi1>, vector<32x128xf32>
    %roll3A_884 = arith.constant 126 : i32
    %roll3A_885 = tpu.dynamic_rotate %select_n3A_869 by %roll3A_884 dim 1 : vector<32x128xf32>, i32 -> vector<32x128xf32>
    %roll3A_886 = arith.constant 2 : i32
    %roll3A_887 = tpu.dynamic_rotate %select_n3A_869 by %roll3A_886 dim 1 : vector<32x128xf32>, i32 -> vector<32x128xf32>
    %select_n3A_888 = arith.select %eq3A_878, %roll3A_885, %roll3A_887 : vector<32x128xi1>, vector<32x128xf32>
    %eq3A_889 = arith.xori %eq3A_878, %eq3A_714 : vector<32x128xi1>
    %eq3A_890 = arith.constant dense<true> : vector<32x128xi1>
    %eq3A_891 = arith.xori %eq3A_889, %eq3A_890 : vector<32x128xi1>
    %lt3A_892 = arith.cmpf olt, %select_n3A_883, %select_n3A_868 : vector<32x128xf32>
    %and3A_893 = arith.andi %eq3A_891, %lt3A_892 : vector<32x128xi1>
    %not3A_894 = arith.constant dense<true> : vector<32x128xi1>
    %not3A_895 = arith.xori %eq3A_891, %not3A_894 : vector<32x128xi1>
    %gt3A_896 = arith.cmpf ogt, %select_n3A_883, %select_n3A_868 : vector<32x128xf32>
    %and3A_897 = arith.andi %not3A_895, %gt3A_896 : vector<32x128xi1>
    %or3A_898 = arith.ori %and3A_893, %and3A_897 : vector<32x128xi1>
    %select_n3A_899 = arith.select %or3A_898, %select_n3A_883, %select_n3A_868 : vector<32x128xi1>, vector<32x128xf32>
    %select_n3A_900 = arith.select %or3A_898, %select_n3A_888, %select_n3A_869 : vector<32x128xi1>, vector<32x128xf32>
    %shift_right_arithmetic3A_901 = arith.constant 0 : i32
    %shift_right_arithmetic3A_902 = vector.broadcast %shift_right_arithmetic3A_901 : i32 to vector<32x128xi32>
    %shift_right_arithmetic3A_903 = arith.shrsi %add3A, %shift_right_arithmetic3A_902 : vector<32x128xi32>
    %and3A_904 = arith.constant 1 : i32
    %and3A_905 = vector.broadcast %and3A_904 : i32 to vector<32x128xi32>
    %and3A_906 = arith.andi %shift_right_arithmetic3A_903, %and3A_905 : vector<32x128xi32>
    %eq3A_907 = arith.constant 0 : i32
    %eq3A_908 = vector.broadcast %eq3A_907 : i32 to vector<32x128xi32>
    %eq3A_909 = arith.cmpi eq, %and3A_906, %eq3A_908 : vector<32x128xi32>
    %roll3A_910 = arith.constant 127 : i32
    %roll3A_911 = tpu.dynamic_rotate %select_n3A_899 by %roll3A_910 dim 1 : vector<32x128xf32>, i32 -> vector<32x128xf32>
    %roll3A_912 = arith.constant 1 : i32
    %roll3A_913 = tpu.dynamic_rotate %select_n3A_899 by %roll3A_912 dim 1 : vector<32x128xf32>, i32 -> vector<32x128xf32>
    %select_n3A_914 = arith.select %eq3A_909, %roll3A_911, %roll3A_913 : vector<32x128xi1>, vector<32x128xf32>
    %roll3A_915 = arith.constant 127 : i32
    %roll3A_916 = tpu.dynamic_rotate %select_n3A_900 by %roll3A_915 dim 1 : vector<32x128xf32>, i32 -> vector<32x128xf32>
    %roll3A_917 = arith.constant 1 : i32
    %roll3A_918 = tpu.dynamic_rotate %select_n3A_900 by %roll3A_917 dim 1 : vector<32x128xf32>, i32 -> vector<32x128xf32>
    %select_n3A_919 = arith.select %eq3A_909, %roll3A_916, %roll3A_918 : vector<32x128xi1>, vector<32x128xf32>
    %eq3A_920 = arith.xori %eq3A_909, %eq3A_714 : vector<32x128xi1>
    %eq3A_921 = arith.constant dense<true> : vector<32x128xi1>
    %eq3A_922 = arith.xori %eq3A_920, %eq3A_921 : vector<32x128xi1>
    %lt3A_923 = arith.cmpf olt, %select_n3A_914, %select_n3A_899 : vector<32x128xf32>
    %and3A_924 = arith.andi %eq3A_922, %lt3A_923 : vector<32x128xi1>
    %not3A_925 = arith.constant dense<true> : vector<32x128xi1>
    %not3A_926 = arith.xori %eq3A_922, %not3A_925 : vector<32x128xi1>
    %gt3A_927 = arith.cmpf ogt, %select_n3A_914, %select_n3A_899 : vector<32x128xf32>
    %and3A_928 = arith.andi %not3A_926, %gt3A_927 : vector<32x128xi1>
    %or3A_929 = arith.ori %and3A_924, %and3A_928 : vector<32x128xi1>
    %select_n3A_930 = arith.select %or3A_929, %select_n3A_914, %select_n3A_899 : vector<32x128xi1>, vector<32x128xf32>
    %select_n3A_931 = arith.select %or3A_929, %select_n3A_919, %select_n3A_900 : vector<32x128xi1>, vector<32x128xf32>
    %shift_right_arithmetic3A_932 = arith.constant 8 : i32
    %shift_right_arithmetic3A_933 = vector.broadcast %shift_right_arithmetic3A_932 : i32 to vector<32x128xi32>
    %shift_right_arithmetic3A_934 = arith.shrsi %add3A, %shift_right_arithmetic3A_933 : vector<32x128xi32>
    %and3A_935 = arith.constant 1 : i32
    %and3A_936 = vector.broadcast %and3A_935 : i32 to vector<32x128xi32>
    %and3A_937 = arith.andi %shift_right_arithmetic3A_934, %and3A_936 : vector<32x128xi32>
    %eq3A_938 = arith.constant 0 : i32
    %eq3A_939 = vector.broadcast %eq3A_938 : i32 to vector<32x128xi32>
    %eq3A_940 = arith.cmpi eq, %and3A_937, %eq3A_939 : vector<32x128xi32>
    %shift_right_arithmetic3A_941 = arith.constant 7 : i32
    %shift_right_arithmetic3A_942 = vector.broadcast %shift_right_arithmetic3A_941 : i32 to vector<32x128xi32>
    %shift_right_arithmetic3A_943 = arith.shrsi %add3A, %shift_right_arithmetic3A_942 : vector<32x128xi32>
    %and3A_944 = arith.constant 1 : i32
    %and3A_945 = vector.broadcast %and3A_944 : i32 to vector<32x128xi32>
    %and3A_946 = arith.andi %shift_right_arithmetic3A_943, %and3A_945 : vector<32x128xi32>
    %eq3A_947 = arith.constant 0 : i32
    %eq3A_948 = vector.broadcast %eq3A_947 : i32 to vector<32x128xi32>
    %eq3A_949 = arith.cmpi eq, %and3A_946, %eq3A_948 : vector<32x128xi32>
    %roll3A_950 = arith.constant 31 : i32
    %roll3A_951 = tpu.dynamic_rotate %select_n3A_930 by %roll3A_950 dim 0 : vector<32x128xf32>, i32 -> vector<32x128xf32>
    %roll3A_952 = arith.constant 1 : i32
    %roll3A_953 = tpu.dynamic_rotate %select_n3A_930 by %roll3A_952 dim 0 : vector<32x128xf32>, i32 -> vector<32x128xf32>
    %select_n3A_954 = arith.select %eq3A_949, %roll3A_951, %roll3A_953 : vector<32x128xi1>, vector<32x128xf32>
    %roll3A_955 = arith.constant 31 : i32
    %roll3A_956 = tpu.dynamic_rotate %select_n3A_931 by %roll3A_955 dim 0 : vector<32x128xf32>, i32 -> vector<32x128xf32>
    %roll3A_957 = arith.constant 1 : i32
    %roll3A_958 = tpu.dynamic_rotate %select_n3A_931 by %roll3A_957 dim 0 : vector<32x128xf32>, i32 -> vector<32x128xf32>
    %select_n3A_959 = arith.select %eq3A_949, %roll3A_956, %roll3A_958 : vector<32x128xi1>, vector<32x128xf32>
    %eq3A_960 = arith.xori %eq3A_949, %eq3A_940 : vector<32x128xi1>
    %eq3A_961 = arith.constant dense<true> : vector<32x128xi1>
    %eq3A_962 = arith.xori %eq3A_960, %eq3A_961 : vector<32x128xi1>
    %lt3A_963 = arith.cmpf olt, %select_n3A_954, %select_n3A_930 : vector<32x128xf32>
    %and3A_964 = arith.andi %eq3A_962, %lt3A_963 : vector<32x128xi1>
    %not3A_965 = arith.constant dense<true> : vector<32x128xi1>
    %not3A_966 = arith.xori %eq3A_962, %not3A_965 : vector<32x128xi1>
    %gt3A_967 = arith.cmpf ogt, %select_n3A_954, %select_n3A_930 : vector<32x128xf32>
    %and3A_968 = arith.andi %not3A_966, %gt3A_967 : vector<32x128xi1>
    %or3A_969 = arith.ori %and3A_964, %and3A_968 : vector<32x128xi1>
    %select_n3A_970 = arith.select %or3A_969, %select_n3A_954, %select_n3A_930 : vector<32x128xi1>, vector<32x128xf32>
    %select_n3A_971 = arith.select %or3A_969, %select_n3A_959, %select_n3A_931 : vector<32x128xi1>, vector<32x128xf32>
    %shift_right_arithmetic3A_972 = arith.constant 6 : i32
    %shift_right_arithmetic3A_973 = vector.broadcast %shift_right_arithmetic3A_972 : i32 to vector<32x128xi32>
    %shift_right_arithmetic3A_974 = arith.shrsi %add3A, %shift_right_arithmetic3A_973 : vector<32x128xi32>
    %and3A_975 = arith.constant 1 : i32
    %and3A_976 = vector.broadcast %and3A_975 : i32 to vector<32x128xi32>
    %and3A_977 = arith.andi %shift_right_arithmetic3A_974, %and3A_976 : vector<32x128xi32>
    %eq3A_978 = arith.constant 0 : i32
    %eq3A_979 = vector.broadcast %eq3A_978 : i32 to vector<32x128xi32>
    %eq3A_980 = arith.cmpi eq, %and3A_977, %eq3A_979 : vector<32x128xi32>
    %roll3A_981 = arith.constant 64 : i32
    %roll3A_982 = tpu.dynamic_rotate %select_n3A_970 by %roll3A_981 dim 1 : vector<32x128xf32>, i32 -> vector<32x128xf32>
    %roll3A_983 = arith.constant 64 : i32
    %roll3A_984 = tpu.dynamic_rotate %select_n3A_970 by %roll3A_983 dim 1 : vector<32x128xf32>, i32 -> vector<32x128xf32>
    %select_n3A_985 = arith.select %eq3A_980, %roll3A_982, %roll3A_984 : vector<32x128xi1>, vector<32x128xf32>
    %roll3A_986 = arith.constant 64 : i32
    %roll3A_987 = tpu.dynamic_rotate %select_n3A_971 by %roll3A_986 dim 1 : vector<32x128xf32>, i32 -> vector<32x128xf32>
    %roll3A_988 = arith.constant 64 : i32
    %roll3A_989 = tpu.dynamic_rotate %select_n3A_971 by %roll3A_988 dim 1 : vector<32x128xf32>, i32 -> vector<32x128xf32>
    %select_n3A_990 = arith.select %eq3A_980, %roll3A_987, %roll3A_989 : vector<32x128xi1>, vector<32x128xf32>
    %eq3A_991 = arith.xori %eq3A_980, %eq3A_940 : vector<32x128xi1>
    %eq3A_992 = arith.constant dense<true> : vector<32x128xi1>
    %eq3A_993 = arith.xori %eq3A_991, %eq3A_992 : vector<32x128xi1>
    %lt3A_994 = arith.cmpf olt, %select_n3A_985, %select_n3A_970 : vector<32x128xf32>
    %and3A_995 = arith.andi %eq3A_993, %lt3A_994 : vector<32x128xi1>
    %not3A_996 = arith.constant dense<true> : vector<32x128xi1>
    %not3A_997 = arith.xori %eq3A_993, %not3A_996 : vector<32x128xi1>
    %gt3A_998 = arith.cmpf ogt, %select_n3A_985, %select_n3A_970 : vector<32x128xf32>
    %and3A_999 = arith.andi %not3A_997, %gt3A_998 : vector<32x128xi1>
    %or3A_1000 = arith.ori %and3A_995, %and3A_999 : vector<32x128xi1>
    %select_n3A_1001 = arith.select %or3A_1000, %select_n3A_985, %select_n3A_970 : vector<32x128xi1>, vector<32x128xf32>
    %select_n3A_1002 = arith.select %or3A_1000, %select_n3A_990, %select_n3A_971 : vector<32x128xi1>, vector<32x128xf32>
    %shift_right_arithmetic3A_1003 = arith.constant 5 : i32
    %shift_right_arithmetic3A_1004 = vector.broadcast %shift_right_arithmetic3A_1003 : i32 to vector<32x128xi32>
    %shift_right_arithmetic3A_1005 = arith.shrsi %add3A, %shift_right_arithmetic3A_1004 : vector<32x128xi32>
    %and3A_1006 = arith.constant 1 : i32
    %and3A_1007 = vector.broadcast %and3A_1006 : i32 to vector<32x128xi32>
    %and3A_1008 = arith.andi %shift_right_arithmetic3A_1005, %and3A_1007 : vector<32x128xi32>
    %eq3A_1009 = arith.constant 0 : i32
    %eq3A_1010 = vector.broadcast %eq3A_1009 : i32 to vector<32x128xi32>
    %eq3A_1011 = arith.cmpi eq, %and3A_1008, %eq3A_1010 : vector<32x128xi32>
    %roll3A_1012 = arith.constant 96 : i32
    %roll3A_1013 = tpu.dynamic_rotate %select_n3A_1001 by %roll3A_1012 dim 1 : vector<32x128xf32>, i32 -> vector<32x128xf32>
    %roll3A_1014 = arith.constant 32 : i32
    %roll3A_1015 = tpu.dynamic_rotate %select_n3A_1001 by %roll3A_1014 dim 1 : vector<32x128xf32>, i32 -> vector<32x128xf32>
    %select_n3A_1016 = arith.select %eq3A_1011, %roll3A_1013, %roll3A_1015 : vector<32x128xi1>, vector<32x128xf32>
    %roll3A_1017 = arith.constant 96 : i32
    %roll3A_1018 = tpu.dynamic_rotate %select_n3A_1002 by %roll3A_1017 dim 1 : vector<32x128xf32>, i32 -> vector<32x128xf32>
    %roll3A_1019 = arith.constant 32 : i32
    %roll3A_1020 = tpu.dynamic_rotate %select_n3A_1002 by %roll3A_1019 dim 1 : vector<32x128xf32>, i32 -> vector<32x128xf32>
    %select_n3A_1021 = arith.select %eq3A_1011, %roll3A_1018, %roll3A_1020 : vector<32x128xi1>, vector<32x128xf32>
    %eq3A_1022 = arith.xori %eq3A_1011, %eq3A_940 : vector<32x128xi1>
    %eq3A_1023 = arith.constant dense<true> : vector<32x128xi1>
    %eq3A_1024 = arith.xori %eq3A_1022, %eq3A_1023 : vector<32x128xi1>
    %lt3A_1025 = arith.cmpf olt, %select_n3A_1016, %select_n3A_1001 : vector<32x128xf32>
    %and3A_1026 = arith.andi %eq3A_1024, %lt3A_1025 : vector<32x128xi1>
    %not3A_1027 = arith.constant dense<true> : vector<32x128xi1>
    %not3A_1028 = arith.xori %eq3A_1024, %not3A_1027 : vector<32x128xi1>
    %gt3A_1029 = arith.cmpf ogt, %select_n3A_1016, %select_n3A_1001 : vector<32x128xf32>
    %and3A_1030 = arith.andi %not3A_1028, %gt3A_1029 : vector<32x128xi1>
    %or3A_1031 = arith.ori %and3A_1026, %and3A_1030 : vector<32x128xi1>
    %select_n3A_1032 = arith.select %or3A_1031, %select_n3A_1016, %select_n3A_1001 : vector<32x128xi1>, vector<32x128xf32>
    %select_n3A_1033 = arith.select %or3A_1031, %select_n3A_1021, %select_n3A_1002 : vector<32x128xi1>, vector<32x128xf32>
    %shift_right_arithmetic3A_1034 = arith.constant 4 : i32
    %shift_right_arithmetic3A_1035 = vector.broadcast %shift_right_arithmetic3A_1034 : i32 to vector<32x128xi32>
    %shift_right_arithmetic3A_1036 = arith.shrsi %add3A, %shift_right_arithmetic3A_1035 : vector<32x128xi32>
    %and3A_1037 = arith.constant 1 : i32
    %and3A_1038 = vector.broadcast %and3A_1037 : i32 to vector<32x128xi32>
    %and3A_1039 = arith.andi %shift_right_arithmetic3A_1036, %and3A_1038 : vector<32x128xi32>
    %eq3A_1040 = arith.constant 0 : i32
    %eq3A_1041 = vector.broadcast %eq3A_1040 : i32 to vector<32x128xi32>
    %eq3A_1042 = arith.cmpi eq, %and3A_1039, %eq3A_1041 : vector<32x128xi32>
    %roll3A_1043 = arith.constant 112 : i32
    %roll3A_1044 = tpu.dynamic_rotate %select_n3A_1032 by %roll3A_1043 dim 1 : vector<32x128xf32>, i32 -> vector<32x128xf32>
    %roll3A_1045 = arith.constant 16 : i32
    %roll3A_1046 = tpu.dynamic_rotate %select_n3A_1032 by %roll3A_1045 dim 1 : vector<32x128xf32>, i32 -> vector<32x128xf32>
    %select_n3A_1047 = arith.select %eq3A_1042, %roll3A_1044, %roll3A_1046 : vector<32x128xi1>, vector<32x128xf32>
    %roll3A_1048 = arith.constant 112 : i32
    %roll3A_1049 = tpu.dynamic_rotate %select_n3A_1033 by %roll3A_1048 dim 1 : vector<32x128xf32>, i32 -> vector<32x128xf32>
    %roll3A_1050 = arith.constant 16 : i32
    %roll3A_1051 = tpu.dynamic_rotate %select_n3A_1033 by %roll3A_1050 dim 1 : vector<32x128xf32>, i32 -> vector<32x128xf32>
    %select_n3A_1052 = arith.select %eq3A_1042, %roll3A_1049, %roll3A_1051 : vector<32x128xi1>, vector<32x128xf32>
    %eq3A_1053 = arith.xori %eq3A_1042, %eq3A_940 : vector<32x128xi1>
    %eq3A_1054 = arith.constant dense<true> : vector<32x128xi1>
    %eq3A_1055 = arith.xori %eq3A_1053, %eq3A_1054 : vector<32x128xi1>
    %lt3A_1056 = arith.cmpf olt, %select_n3A_1047, %select_n3A_1032 : vector<32x128xf32>
    %and3A_1057 = arith.andi %eq3A_1055, %lt3A_1056 : vector<32x128xi1>
    %not3A_1058 = arith.constant dense<true> : vector<32x128xi1>
    %not3A_1059 = arith.xori %eq3A_1055, %not3A_1058 : vector<32x128xi1>
    %gt3A_1060 = arith.cmpf ogt, %select_n3A_1047, %select_n3A_1032 : vector<32x128xf32>
    %and3A_1061 = arith.andi %not3A_1059, %gt3A_1060 : vector<32x128xi1>
    %or3A_1062 = arith.ori %and3A_1057, %and3A_1061 : vector<32x128xi1>
    %select_n3A_1063 = arith.select %or3A_1062, %select_n3A_1047, %select_n3A_1032 : vector<32x128xi1>, vector<32x128xf32>
    %select_n3A_1064 = arith.select %or3A_1062, %select_n3A_1052, %select_n3A_1033 : vector<32x128xi1>, vector<32x128xf32>
    %shift_right_arithmetic3A_1065 = arith.constant 3 : i32
    %shift_right_arithmetic3A_1066 = vector.broadcast %shift_right_arithmetic3A_1065 : i32 to vector<32x128xi32>
    %shift_right_arithmetic3A_1067 = arith.shrsi %add3A, %shift_right_arithmetic3A_1066 : vector<32x128xi32>
    %and3A_1068 = arith.constant 1 : i32
    %and3A_1069 = vector.broadcast %and3A_1068 : i32 to vector<32x128xi32>
    %and3A_1070 = arith.andi %shift_right_arithmetic3A_1067, %and3A_1069 : vector<32x128xi32>
    %eq3A_1071 = arith.constant 0 : i32
    %eq3A_1072 = vector.broadcast %eq3A_1071 : i32 to vector<32x128xi32>
    %eq3A_1073 = arith.cmpi eq, %and3A_1070, %eq3A_1072 : vector<32x128xi32>
    %roll3A_1074 = arith.constant 120 : i32
    %roll3A_1075 = tpu.dynamic_rotate %select_n3A_1063 by %roll3A_1074 dim 1 : vector<32x128xf32>, i32 -> vector<32x128xf32>
    %roll3A_1076 = arith.constant 8 : i32
    %roll3A_1077 = tpu.dynamic_rotate %select_n3A_1063 by %roll3A_1076 dim 1 : vector<32x128xf32>, i32 -> vector<32x128xf32>
    %select_n3A_1078 = arith.select %eq3A_1073, %roll3A_1075, %roll3A_1077 : vector<32x128xi1>, vector<32x128xf32>
    %roll3A_1079 = arith.constant 120 : i32
    %roll3A_1080 = tpu.dynamic_rotate %select_n3A_1064 by %roll3A_1079 dim 1 : vector<32x128xf32>, i32 -> vector<32x128xf32>
    %roll3A_1081 = arith.constant 8 : i32
    %roll3A_1082 = tpu.dynamic_rotate %select_n3A_1064 by %roll3A_1081 dim 1 : vector<32x128xf32>, i32 -> vector<32x128xf32>
    %select_n3A_1083 = arith.select %eq3A_1073, %roll3A_1080, %roll3A_1082 : vector<32x128xi1>, vector<32x128xf32>
    %eq3A_1084 = arith.xori %eq3A_1073, %eq3A_940 : vector<32x128xi1>
    %eq3A_1085 = arith.constant dense<true> : vector<32x128xi1>
    %eq3A_1086 = arith.xori %eq3A_1084, %eq3A_1085 : vector<32x128xi1>
    %lt3A_1087 = arith.cmpf olt, %select_n3A_1078, %select_n3A_1063 : vector<32x128xf32>
    %and3A_1088 = arith.andi %eq3A_1086, %lt3A_1087 : vector<32x128xi1>
    %not3A_1089 = arith.constant dense<true> : vector<32x128xi1>
    %not3A_1090 = arith.xori %eq3A_1086, %not3A_1089 : vector<32x128xi1>
    %gt3A_1091 = arith.cmpf ogt, %select_n3A_1078, %select_n3A_1063 : vector<32x128xf32>
    %and3A_1092 = arith.andi %not3A_1090, %gt3A_1091 : vector<32x128xi1>
    %or3A_1093 = arith.ori %and3A_1088, %and3A_1092 : vector<32x128xi1>
    %select_n3A_1094 = arith.select %or3A_1093, %select_n3A_1078, %select_n3A_1063 : vector<32x128xi1>, vector<32x128xf32>
    %select_n3A_1095 = arith.select %or3A_1093, %select_n3A_1083, %select_n3A_1064 : vector<32x128xi1>, vector<32x128xf32>
    %shift_right_arithmetic3A_1096 = arith.constant 2 : i32
    %shift_right_arithmetic3A_1097 = vector.broadcast %shift_right_arithmetic3A_1096 : i32 to vector<32x128xi32>
    %shift_right_arithmetic3A_1098 = arith.shrsi %add3A, %shift_right_arithmetic3A_1097 : vector<32x128xi32>
    %and3A_1099 = arith.constant 1 : i32
    %and3A_1100 = vector.broadcast %and3A_1099 : i32 to vector<32x128xi32>
    %and3A_1101 = arith.andi %shift_right_arithmetic3A_1098, %and3A_1100 : vector<32x128xi32>
    %eq3A_1102 = arith.constant 0 : i32
    %eq3A_1103 = vector.broadcast %eq3A_1102 : i32 to vector<32x128xi32>
    %eq3A_1104 = arith.cmpi eq, %and3A_1101, %eq3A_1103 : vector<32x128xi32>
    %roll3A_1105 = arith.constant 124 : i32
    %roll3A_1106 = tpu.dynamic_rotate %select_n3A_1094 by %roll3A_1105 dim 1 : vector<32x128xf32>, i32 -> vector<32x128xf32>
    %roll3A_1107 = arith.constant 4 : i32
    %roll3A_1108 = tpu.dynamic_rotate %select_n3A_1094 by %roll3A_1107 dim 1 : vector<32x128xf32>, i32 -> vector<32x128xf32>
    %select_n3A_1109 = arith.select %eq3A_1104, %roll3A_1106, %roll3A_1108 : vector<32x128xi1>, vector<32x128xf32>
    %roll3A_1110 = arith.constant 124 : i32
    %roll3A_1111 = tpu.dynamic_rotate %select_n3A_1095 by %roll3A_1110 dim 1 : vector<32x128xf32>, i32 -> vector<32x128xf32>
    %roll3A_1112 = arith.constant 4 : i32
    %roll3A_1113 = tpu.dynamic_rotate %select_n3A_1095 by %roll3A_1112 dim 1 : vector<32x128xf32>, i32 -> vector<32x128xf32>
    %select_n3A_1114 = arith.select %eq3A_1104, %roll3A_1111, %roll3A_1113 : vector<32x128xi1>, vector<32x128xf32>
    %eq3A_1115 = arith.xori %eq3A_1104, %eq3A_940 : vector<32x128xi1>
    %eq3A_1116 = arith.constant dense<true> : vector<32x128xi1>
    %eq3A_1117 = arith.xori %eq3A_1115, %eq3A_1116 : vector<32x128xi1>
    %lt3A_1118 = arith.cmpf olt, %select_n3A_1109, %select_n3A_1094 : vector<32x128xf32>
    %and3A_1119 = arith.andi %eq3A_1117, %lt3A_1118 : vector<32x128xi1>
    %not3A_1120 = arith.constant dense<true> : vector<32x128xi1>
    %not3A_1121 = arith.xori %eq3A_1117, %not3A_1120 : vector<32x128xi1>
    %gt3A_1122 = arith.cmpf ogt, %select_n3A_1109, %select_n3A_1094 : vector<32x128xf32>
    %and3A_1123 = arith.andi %not3A_1121, %gt3A_1122 : vector<32x128xi1>
    %or3A_1124 = arith.ori %and3A_1119, %and3A_1123 : vector<32x128xi1>
    %select_n3A_1125 = arith.select %or3A_1124, %select_n3A_1109, %select_n3A_1094 : vector<32x128xi1>, vector<32x128xf32>
    %select_n3A_1126 = arith.select %or3A_1124, %select_n3A_1114, %select_n3A_1095 : vector<32x128xi1>, vector<32x128xf32>
    %shift_right_arithmetic3A_1127 = arith.constant 1 : i32
    %shift_right_arithmetic3A_1128 = vector.broadcast %shift_right_arithmetic3A_1127 : i32 to vector<32x128xi32>
    %shift_right_arithmetic3A_1129 = arith.shrsi %add3A, %shift_right_arithmetic3A_1128 : vector<32x128xi32>
    %and3A_1130 = arith.constant 1 : i32
    %and3A_1131 = vector.broadcast %and3A_1130 : i32 to vector<32x128xi32>
    %and3A_1132 = arith.andi %shift_right_arithmetic3A_1129, %and3A_1131 : vector<32x128xi32>
    %eq3A_1133 = arith.constant 0 : i32
    %eq3A_1134 = vector.broadcast %eq3A_1133 : i32 to vector<32x128xi32>
    %eq3A_1135 = arith.cmpi eq, %and3A_1132, %eq3A_1134 : vector<32x128xi32>
    %roll3A_1136 = arith.constant 126 : i32
    %roll3A_1137 = tpu.dynamic_rotate %select_n3A_1125 by %roll3A_1136 dim 1 : vector<32x128xf32>, i32 -> vector<32x128xf32>
    %roll3A_1138 = arith.constant 2 : i32
    %roll3A_1139 = tpu.dynamic_rotate %select_n3A_1125 by %roll3A_1138 dim 1 : vector<32x128xf32>, i32 -> vector<32x128xf32>
    %select_n3A_1140 = arith.select %eq3A_1135, %roll3A_1137, %roll3A_1139 : vector<32x128xi1>, vector<32x128xf32>
    %roll3A_1141 = arith.constant 126 : i32
    %roll3A_1142 = tpu.dynamic_rotate %select_n3A_1126 by %roll3A_1141 dim 1 : vector<32x128xf32>, i32 -> vector<32x128xf32>
    %roll3A_1143 = arith.constant 2 : i32
    %roll3A_1144 = tpu.dynamic_rotate %select_n3A_1126 by %roll3A_1143 dim 1 : vector<32x128xf32>, i32 -> vector<32x128xf32>
    %select_n3A_1145 = arith.select %eq3A_1135, %roll3A_1142, %roll3A_1144 : vector<32x128xi1>, vector<32x128xf32>
    %eq3A_1146 = arith.xori %eq3A_1135, %eq3A_940 : vector<32x128xi1>
    %eq3A_1147 = arith.constant dense<true> : vector<32x128xi1>
    %eq3A_1148 = arith.xori %eq3A_1146, %eq3A_1147 : vector<32x128xi1>
    %lt3A_1149 = arith.cmpf olt, %select_n3A_1140, %select_n3A_1125 : vector<32x128xf32>
    %and3A_1150 = arith.andi %eq3A_1148, %lt3A_1149 : vector<32x128xi1>
    %not3A_1151 = arith.constant dense<true> : vector<32x128xi1>
    %not3A_1152 = arith.xori %eq3A_1148, %not3A_1151 : vector<32x128xi1>
    %gt3A_1153 = arith.cmpf ogt, %select_n3A_1140, %select_n3A_1125 : vector<32x128xf32>
    %and3A_1154 = arith.andi %not3A_1152, %gt3A_1153 : vector<32x128xi1>
    %or3A_1155 = arith.ori %and3A_1150, %and3A_1154 : vector<32x128xi1>
    %select_n3A_1156 = arith.select %or3A_1155, %select_n3A_1140, %select_n3A_1125 : vector<32x128xi1>, vector<32x128xf32>
    %select_n3A_1157 = arith.select %or3A_1155, %select_n3A_1145, %select_n3A_1126 : vector<32x128xi1>, vector<32x128xf32>
    %shift_right_arithmetic3A_1158 = arith.constant 0 : i32
    %shift_right_arithmetic3A_1159 = vector.broadcast %shift_right_arithmetic3A_1158 : i32 to vector<32x128xi32>
    %shift_right_arithmetic3A_1160 = arith.shrsi %add3A, %shift_right_arithmetic3A_1159 : vector<32x128xi32>
    %and3A_1161 = arith.constant 1 : i32
    %and3A_1162 = vector.broadcast %and3A_1161 : i32 to vector<32x128xi32>
    %and3A_1163 = arith.andi %shift_right_arithmetic3A_1160, %and3A_1162 : vector<32x128xi32>
    %eq3A_1164 = arith.constant 0 : i32
    %eq3A_1165 = vector.broadcast %eq3A_1164 : i32 to vector<32x128xi32>
    %eq3A_1166 = arith.cmpi eq, %and3A_1163, %eq3A_1165 : vector<32x128xi32>
    %roll3A_1167 = arith.constant 127 : i32
    %roll3A_1168 = tpu.dynamic_rotate %select_n3A_1156 by %roll3A_1167 dim 1 : vector<32x128xf32>, i32 -> vector<32x128xf32>
    %roll3A_1169 = arith.constant 1 : i32
    %roll3A_1170 = tpu.dynamic_rotate %select_n3A_1156 by %roll3A_1169 dim 1 : vector<32x128xf32>, i32 -> vector<32x128xf32>
    %select_n3A_1171 = arith.select %eq3A_1166, %roll3A_1168, %roll3A_1170 : vector<32x128xi1>, vector<32x128xf32>
    %roll3A_1172 = arith.constant 127 : i32
    %roll3A_1173 = tpu.dynamic_rotate %select_n3A_1157 by %roll3A_1172 dim 1 : vector<32x128xf32>, i32 -> vector<32x128xf32>
    %roll3A_1174 = arith.constant 1 : i32
    %roll3A_1175 = tpu.dynamic_rotate %select_n3A_1157 by %roll3A_1174 dim 1 : vector<32x128xf32>, i32 -> vector<32x128xf32>
    %select_n3A_1176 = arith.select %eq3A_1166, %roll3A_1173, %roll3A_1175 : vector<32x128xi1>, vector<32x128xf32>
    %eq3A_1177 = arith.xori %eq3A_1166, %eq3A_940 : vector<32x128xi1>
    %eq3A_1178 = arith.constant dense<true> : vector<32x128xi1>
    %eq3A_1179 = arith.xori %eq3A_1177, %eq3A_1178 : vector<32x128xi1>
    %lt3A_1180 = arith.cmpf olt, %select_n3A_1171, %select_n3A_1156 : vector<32x128xf32>
    %and3A_1181 = arith.andi %eq3A_1179, %lt3A_1180 : vector<32x128xi1>
    %not3A_1182 = arith.constant dense<true> : vector<32x128xi1>
    %not3A_1183 = arith.xori %eq3A_1179, %not3A_1182 : vector<32x128xi1>
    %gt3A_1184 = arith.cmpf ogt, %select_n3A_1171, %select_n3A_1156 : vector<32x128xf32>
    %and3A_1185 = arith.andi %not3A_1183, %gt3A_1184 : vector<32x128xi1>
    %or3A_1186 = arith.ori %and3A_1181, %and3A_1185 : vector<32x128xi1>
    %select_n3A_1187 = arith.select %or3A_1186, %select_n3A_1171, %select_n3A_1156 : vector<32x128xi1>, vector<32x128xf32>
    %select_n3A_1188 = arith.select %or3A_1186, %select_n3A_1176, %select_n3A_1157 : vector<32x128xi1>, vector<32x128xf32>
    %shift_right_arithmetic3A_1189 = arith.constant 9 : i32
    %shift_right_arithmetic3A_1190 = vector.broadcast %shift_right_arithmetic3A_1189 : i32 to vector<32x128xi32>
    %shift_right_arithmetic3A_1191 = arith.shrsi %add3A, %shift_right_arithmetic3A_1190 : vector<32x128xi32>
    %and3A_1192 = arith.constant 1 : i32
    %and3A_1193 = vector.broadcast %and3A_1192 : i32 to vector<32x128xi32>
    %and3A_1194 = arith.andi %shift_right_arithmetic3A_1191, %and3A_1193 : vector<32x128xi32>
    %eq3A_1195 = arith.constant 0 : i32
    %eq3A_1196 = vector.broadcast %eq3A_1195 : i32 to vector<32x128xi32>
    %eq3A_1197 = arith.cmpi eq, %and3A_1194, %eq3A_1196 : vector<32x128xi32>
    %shift_right_arithmetic3A_1198 = arith.constant 8 : i32
    %shift_right_arithmetic3A_1199 = vector.broadcast %shift_right_arithmetic3A_1198 : i32 to vector<32x128xi32>
    %shift_right_arithmetic3A_1200 = arith.shrsi %add3A, %shift_right_arithmetic3A_1199 : vector<32x128xi32>
    %and3A_1201 = arith.constant 1 : i32
    %and3A_1202 = vector.broadcast %and3A_1201 : i32 to vector<32x128xi32>
    %and3A_1203 = arith.andi %shift_right_arithmetic3A_1200, %and3A_1202 : vector<32x128xi32>
    %eq3A_1204 = arith.constant 0 : i32
    %eq3A_1205 = vector.broadcast %eq3A_1204 : i32 to vector<32x128xi32>
    %eq3A_1206 = arith.cmpi eq, %and3A_1203, %eq3A_1205 : vector<32x128xi32>
    %roll3A_1207 = arith.constant 30 : i32
    %roll3A_1208 = tpu.dynamic_rotate %select_n3A_1187 by %roll3A_1207 dim 0 : vector<32x128xf32>, i32 -> vector<32x128xf32>
    %roll3A_1209 = arith.constant 2 : i32
    %roll3A_1210 = tpu.dynamic_rotate %select_n3A_1187 by %roll3A_1209 dim 0 : vector<32x128xf32>, i32 -> vector<32x128xf32>
    %select_n3A_1211 = arith.select %eq3A_1206, %roll3A_1208, %roll3A_1210 : vector<32x128xi1>, vector<32x128xf32>
    %roll3A_1212 = arith.constant 30 : i32
    %roll3A_1213 = tpu.dynamic_rotate %select_n3A_1188 by %roll3A_1212 dim 0 : vector<32x128xf32>, i32 -> vector<32x128xf32>
    %roll3A_1214 = arith.constant 2 : i32
    %roll3A_1215 = tpu.dynamic_rotate %select_n3A_1188 by %roll3A_1214 dim 0 : vector<32x128xf32>, i32 -> vector<32x128xf32>
    %select_n3A_1216 = arith.select %eq3A_1206, %roll3A_1213, %roll3A_1215 : vector<32x128xi1>, vector<32x128xf32>
    %eq3A_1217 = arith.xori %eq3A_1206, %eq3A_1197 : vector<32x128xi1>
    %eq3A_1218 = arith.constant dense<true> : vector<32x128xi1>
    %eq3A_1219 = arith.xori %eq3A_1217, %eq3A_1218 : vector<32x128xi1>
    %lt3A_1220 = arith.cmpf olt, %select_n3A_1211, %select_n3A_1187 : vector<32x128xf32>
    %and3A_1221 = arith.andi %eq3A_1219, %lt3A_1220 : vector<32x128xi1>
    %not3A_1222 = arith.constant dense<true> : vector<32x128xi1>
    %not3A_1223 = arith.xori %eq3A_1219, %not3A_1222 : vector<32x128xi1>
    %gt3A_1224 = arith.cmpf ogt, %select_n3A_1211, %select_n3A_1187 : vector<32x128xf32>
    %and3A_1225 = arith.andi %not3A_1223, %gt3A_1224 : vector<32x128xi1>
    %or3A_1226 = arith.ori %and3A_1221, %and3A_1225 : vector<32x128xi1>
    %select_n3A_1227 = arith.select %or3A_1226, %select_n3A_1211, %select_n3A_1187 : vector<32x128xi1>, vector<32x128xf32>
    %select_n3A_1228 = arith.select %or3A_1226, %select_n3A_1216, %select_n3A_1188 : vector<32x128xi1>, vector<32x128xf32>
    %shift_right_arithmetic3A_1229 = arith.constant 7 : i32
    %shift_right_arithmetic3A_1230 = vector.broadcast %shift_right_arithmetic3A_1229 : i32 to vector<32x128xi32>
    %shift_right_arithmetic3A_1231 = arith.shrsi %add3A, %shift_right_arithmetic3A_1230 : vector<32x128xi32>
    %and3A_1232 = arith.constant 1 : i32
    %and3A_1233 = vector.broadcast %and3A_1232 : i32 to vector<32x128xi32>
    %and3A_1234 = arith.andi %shift_right_arithmetic3A_1231, %and3A_1233 : vector<32x128xi32>
    %eq3A_1235 = arith.constant 0 : i32
    %eq3A_1236 = vector.broadcast %eq3A_1235 : i32 to vector<32x128xi32>
    %eq3A_1237 = arith.cmpi eq, %and3A_1234, %eq3A_1236 : vector<32x128xi32>
    %roll3A_1238 = arith.constant 31 : i32
    %roll3A_1239 = tpu.dynamic_rotate %select_n3A_1227 by %roll3A_1238 dim 0 : vector<32x128xf32>, i32 -> vector<32x128xf32>
    %roll3A_1240 = arith.constant 1 : i32
    %roll3A_1241 = tpu.dynamic_rotate %select_n3A_1227 by %roll3A_1240 dim 0 : vector<32x128xf32>, i32 -> vector<32x128xf32>
    %select_n3A_1242 = arith.select %eq3A_1237, %roll3A_1239, %roll3A_1241 : vector<32x128xi1>, vector<32x128xf32>
    %roll3A_1243 = arith.constant 31 : i32
    %roll3A_1244 = tpu.dynamic_rotate %select_n3A_1228 by %roll3A_1243 dim 0 : vector<32x128xf32>, i32 -> vector<32x128xf32>
    %roll3A_1245 = arith.constant 1 : i32
    %roll3A_1246 = tpu.dynamic_rotate %select_n3A_1228 by %roll3A_1245 dim 0 : vector<32x128xf32>, i32 -> vector<32x128xf32>
    %select_n3A_1247 = arith.select %eq3A_1237, %roll3A_1244, %roll3A_1246 : vector<32x128xi1>, vector<32x128xf32>
    %eq3A_1248 = arith.xori %eq3A_1237, %eq3A_1197 : vector<32x128xi1>
    %eq3A_1249 = arith.constant dense<true> : vector<32x128xi1>
    %eq3A_1250 = arith.xori %eq3A_1248, %eq3A_1249 : vector<32x128xi1>
    %lt3A_1251 = arith.cmpf olt, %select_n3A_1242, %select_n3A_1227 : vector<32x128xf32>
    %and3A_1252 = arith.andi %eq3A_1250, %lt3A_1251 : vector<32x128xi1>
    %not3A_1253 = arith.constant dense<true> : vector<32x128xi1>
    %not3A_1254 = arith.xori %eq3A_1250, %not3A_1253 : vector<32x128xi1>
    %gt3A_1255 = arith.cmpf ogt, %select_n3A_1242, %select_n3A_1227 : vector<32x128xf32>
    %and3A_1256 = arith.andi %not3A_1254, %gt3A_1255 : vector<32x128xi1>
    %or3A_1257 = arith.ori %and3A_1252, %and3A_1256 : vector<32x128xi1>
    %select_n3A_1258 = arith.select %or3A_1257, %select_n3A_1242, %select_n3A_1227 : vector<32x128xi1>, vector<32x128xf32>
    %select_n3A_1259 = arith.select %or3A_1257, %select_n3A_1247, %select_n3A_1228 : vector<32x128xi1>, vector<32x128xf32>
    %shift_right_arithmetic3A_1260 = arith.constant 6 : i32
    %shift_right_arithmetic3A_1261 = vector.broadcast %shift_right_arithmetic3A_1260 : i32 to vector<32x128xi32>
    %shift_right_arithmetic3A_1262 = arith.shrsi %add3A, %shift_right_arithmetic3A_1261 : vector<32x128xi32>
    %and3A_1263 = arith.constant 1 : i32
    %and3A_1264 = vector.broadcast %and3A_1263 : i32 to vector<32x128xi32>
    %and3A_1265 = arith.andi %shift_right_arithmetic3A_1262, %and3A_1264 : vector<32x128xi32>
    %eq3A_1266 = arith.constant 0 : i32
    %eq3A_1267 = vector.broadcast %eq3A_1266 : i32 to vector<32x128xi32>
    %eq3A_1268 = arith.cmpi eq, %and3A_1265, %eq3A_1267 : vector<32x128xi32>
    %roll3A_1269 = arith.constant 64 : i32
    %roll3A_1270 = tpu.dynamic_rotate %select_n3A_1258 by %roll3A_1269 dim 1 : vector<32x128xf32>, i32 -> vector<32x128xf32>
    %roll3A_1271 = arith.constant 64 : i32
    %roll3A_1272 = tpu.dynamic_rotate %select_n3A_1258 by %roll3A_1271 dim 1 : vector<32x128xf32>, i32 -> vector<32x128xf32>
    %select_n3A_1273 = arith.select %eq3A_1268, %roll3A_1270, %roll3A_1272 : vector<32x128xi1>, vector<32x128xf32>
    %roll3A_1274 = arith.constant 64 : i32
    %roll3A_1275 = tpu.dynamic_rotate %select_n3A_1259 by %roll3A_1274 dim 1 : vector<32x128xf32>, i32 -> vector<32x128xf32>
    %roll3A_1276 = arith.constant 64 : i32
    %roll3A_1277 = tpu.dynamic_rotate %select_n3A_1259 by %roll3A_1276 dim 1 : vector<32x128xf32>, i32 -> vector<32x128xf32>
    %select_n3A_1278 = arith.select %eq3A_1268, %roll3A_1275, %roll3A_1277 : vector<32x128xi1>, vector<32x128xf32>
    %eq3A_1279 = arith.xori %eq3A_1268, %eq3A_1197 : vector<32x128xi1>
    %eq3A_1280 = arith.constant dense<true> : vector<32x128xi1>
    %eq3A_1281 = arith.xori %eq3A_1279, %eq3A_1280 : vector<32x128xi1>
    %lt3A_1282 = arith.cmpf olt, %select_n3A_1273, %select_n3A_1258 : vector<32x128xf32>
    %and3A_1283 = arith.andi %eq3A_1281, %lt3A_1282 : vector<32x128xi1>
    %not3A_1284 = arith.constant dense<true> : vector<32x128xi1>
    %not3A_1285 = arith.xori %eq3A_1281, %not3A_1284 : vector<32x128xi1>
    %gt3A_1286 = arith.cmpf ogt, %select_n3A_1273, %select_n3A_1258 : vector<32x128xf32>
    %and3A_1287 = arith.andi %not3A_1285, %gt3A_1286 : vector<32x128xi1>
    %or3A_1288 = arith.ori %and3A_1283, %and3A_1287 : vector<32x128xi1>
    %select_n3A_1289 = arith.select %or3A_1288, %select_n3A_1273, %select_n3A_1258 : vector<32x128xi1>, vector<32x128xf32>
    %select_n3A_1290 = arith.select %or3A_1288, %select_n3A_1278, %select_n3A_1259 : vector<32x128xi1>, vector<32x128xf32>
    %shift_right_arithmetic3A_1291 = arith.constant 5 : i32
    %shift_right_arithmetic3A_1292 = vector.broadcast %shift_right_arithmetic3A_1291 : i32 to vector<32x128xi32>
    %shift_right_arithmetic3A_1293 = arith.shrsi %add3A, %shift_right_arithmetic3A_1292 : vector<32x128xi32>
    %and3A_1294 = arith.constant 1 : i32
    %and3A_1295 = vector.broadcast %and3A_1294 : i32 to vector<32x128xi32>
    %and3A_1296 = arith.andi %shift_right_arithmetic3A_1293, %and3A_1295 : vector<32x128xi32>
    %eq3A_1297 = arith.constant 0 : i32
    %eq3A_1298 = vector.broadcast %eq3A_1297 : i32 to vector<32x128xi32>
    %eq3A_1299 = arith.cmpi eq, %and3A_1296, %eq3A_1298 : vector<32x128xi32>
    %roll3A_1300 = arith.constant 96 : i32
    %roll3A_1301 = tpu.dynamic_rotate %select_n3A_1289 by %roll3A_1300 dim 1 : vector<32x128xf32>, i32 -> vector<32x128xf32>
    %roll3A_1302 = arith.constant 32 : i32
    %roll3A_1303 = tpu.dynamic_rotate %select_n3A_1289 by %roll3A_1302 dim 1 : vector<32x128xf32>, i32 -> vector<32x128xf32>
    %select_n3A_1304 = arith.select %eq3A_1299, %roll3A_1301, %roll3A_1303 : vector<32x128xi1>, vector<32x128xf32>
    %roll3A_1305 = arith.constant 96 : i32
    %roll3A_1306 = tpu.dynamic_rotate %select_n3A_1290 by %roll3A_1305 dim 1 : vector<32x128xf32>, i32 -> vector<32x128xf32>
    %roll3A_1307 = arith.constant 32 : i32
    %roll3A_1308 = tpu.dynamic_rotate %select_n3A_1290 by %roll3A_1307 dim 1 : vector<32x128xf32>, i32 -> vector<32x128xf32>
    %select_n3A_1309 = arith.select %eq3A_1299, %roll3A_1306, %roll3A_1308 : vector<32x128xi1>, vector<32x128xf32>
    %eq3A_1310 = arith.xori %eq3A_1299, %eq3A_1197 : vector<32x128xi1>
    %eq3A_1311 = arith.constant dense<true> : vector<32x128xi1>
    %eq3A_1312 = arith.xori %eq3A_1310, %eq3A_1311 : vector<32x128xi1>
    %lt3A_1313 = arith.cmpf olt, %select_n3A_1304, %select_n3A_1289 : vector<32x128xf32>
    %and3A_1314 = arith.andi %eq3A_1312, %lt3A_1313 : vector<32x128xi1>
    %not3A_1315 = arith.constant dense<true> : vector<32x128xi1>
    %not3A_1316 = arith.xori %eq3A_1312, %not3A_1315 : vector<32x128xi1>
    %gt3A_1317 = arith.cmpf ogt, %select_n3A_1304, %select_n3A_1289 : vector<32x128xf32>
    %and3A_1318 = arith.andi %not3A_1316, %gt3A_1317 : vector<32x128xi1>
    %or3A_1319 = arith.ori %and3A_1314, %and3A_1318 : vector<32x128xi1>
    %select_n3A_1320 = arith.select %or3A_1319, %select_n3A_1304, %select_n3A_1289 : vector<32x128xi1>, vector<32x128xf32>
    %select_n3A_1321 = arith.select %or3A_1319, %select_n3A_1309, %select_n3A_1290 : vector<32x128xi1>, vector<32x128xf32>
    %shift_right_arithmetic3A_1322 = arith.constant 4 : i32
    %shift_right_arithmetic3A_1323 = vector.broadcast %shift_right_arithmetic3A_1322 : i32 to vector<32x128xi32>
    %shift_right_arithmetic3A_1324 = arith.shrsi %add3A, %shift_right_arithmetic3A_1323 : vector<32x128xi32>
    %and3A_1325 = arith.constant 1 : i32
    %and3A_1326 = vector.broadcast %and3A_1325 : i32 to vector<32x128xi32>
    %and3A_1327 = arith.andi %shift_right_arithmetic3A_1324, %and3A_1326 : vector<32x128xi32>
    %eq3A_1328 = arith.constant 0 : i32
    %eq3A_1329 = vector.broadcast %eq3A_1328 : i32 to vector<32x128xi32>
    %eq3A_1330 = arith.cmpi eq, %and3A_1327, %eq3A_1329 : vector<32x128xi32>
    %roll3A_1331 = arith.constant 112 : i32
    %roll3A_1332 = tpu.dynamic_rotate %select_n3A_1320 by %roll3A_1331 dim 1 : vector<32x128xf32>, i32 -> vector<32x128xf32>
    %roll3A_1333 = arith.constant 16 : i32
    %roll3A_1334 = tpu.dynamic_rotate %select_n3A_1320 by %roll3A_1333 dim 1 : vector<32x128xf32>, i32 -> vector<32x128xf32>
    %select_n3A_1335 = arith.select %eq3A_1330, %roll3A_1332, %roll3A_1334 : vector<32x128xi1>, vector<32x128xf32>
    %roll3A_1336 = arith.constant 112 : i32
    %roll3A_1337 = tpu.dynamic_rotate %select_n3A_1321 by %roll3A_1336 dim 1 : vector<32x128xf32>, i32 -> vector<32x128xf32>
    %roll3A_1338 = arith.constant 16 : i32
    %roll3A_1339 = tpu.dynamic_rotate %select_n3A_1321 by %roll3A_1338 dim 1 : vector<32x128xf32>, i32 -> vector<32x128xf32>
    %select_n3A_1340 = arith.select %eq3A_1330, %roll3A_1337, %roll3A_1339 : vector<32x128xi1>, vector<32x128xf32>
    %eq3A_1341 = arith.xori %eq3A_1330, %eq3A_1197 : vector<32x128xi1>
    %eq3A_1342 = arith.constant dense<true> : vector<32x128xi1>
    %eq3A_1343 = arith.xori %eq3A_1341, %eq3A_1342 : vector<32x128xi1>
    %lt3A_1344 = arith.cmpf olt, %select_n3A_1335, %select_n3A_1320 : vector<32x128xf32>
    %and3A_1345 = arith.andi %eq3A_1343, %lt3A_1344 : vector<32x128xi1>
    %not3A_1346 = arith.constant dense<true> : vector<32x128xi1>
    %not3A_1347 = arith.xori %eq3A_1343, %not3A_1346 : vector<32x128xi1>
    %gt3A_1348 = arith.cmpf ogt, %select_n3A_1335, %select_n3A_1320 : vector<32x128xf32>
    %and3A_1349 = arith.andi %not3A_1347, %gt3A_1348 : vector<32x128xi1>
    %or3A_1350 = arith.ori %and3A_1345, %and3A_1349 : vector<32x128xi1>
    %select_n3A_1351 = arith.select %or3A_1350, %select_n3A_1335, %select_n3A_1320 : vector<32x128xi1>, vector<32x128xf32>
    %select_n3A_1352 = arith.select %or3A_1350, %select_n3A_1340, %select_n3A_1321 : vector<32x128xi1>, vector<32x128xf32>
    %shift_right_arithmetic3A_1353 = arith.constant 3 : i32
    %shift_right_arithmetic3A_1354 = vector.broadcast %shift_right_arithmetic3A_1353 : i32 to vector<32x128xi32>
    %shift_right_arithmetic3A_1355 = arith.shrsi %add3A, %shift_right_arithmetic3A_1354 : vector<32x128xi32>
    %and3A_1356 = arith.constant 1 : i32
    %and3A_1357 = vector.broadcast %and3A_1356 : i32 to vector<32x128xi32>
    %and3A_1358 = arith.andi %shift_right_arithmetic3A_1355, %and3A_1357 : vector<32x128xi32>
    %eq3A_1359 = arith.constant 0 : i32
    %eq3A_1360 = vector.broadcast %eq3A_1359 : i32 to vector<32x128xi32>
    %eq3A_1361 = arith.cmpi eq, %and3A_1358, %eq3A_1360 : vector<32x128xi32>
    %roll3A_1362 = arith.constant 120 : i32
    %roll3A_1363 = tpu.dynamic_rotate %select_n3A_1351 by %roll3A_1362 dim 1 : vector<32x128xf32>, i32 -> vector<32x128xf32>
    %roll3A_1364 = arith.constant 8 : i32
    %roll3A_1365 = tpu.dynamic_rotate %select_n3A_1351 by %roll3A_1364 dim 1 : vector<32x128xf32>, i32 -> vector<32x128xf32>
    %select_n3A_1366 = arith.select %eq3A_1361, %roll3A_1363, %roll3A_1365 : vector<32x128xi1>, vector<32x128xf32>
    %roll3A_1367 = arith.constant 120 : i32
    %roll3A_1368 = tpu.dynamic_rotate %select_n3A_1352 by %roll3A_1367 dim 1 : vector<32x128xf32>, i32 -> vector<32x128xf32>
    %roll3A_1369 = arith.constant 8 : i32
    %roll3A_1370 = tpu.dynamic_rotate %select_n3A_1352 by %roll3A_1369 dim 1 : vector<32x128xf32>, i32 -> vector<32x128xf32>
    %select_n3A_1371 = arith.select %eq3A_1361, %roll3A_1368, %roll3A_1370 : vector<32x128xi1>, vector<32x128xf32>
    %eq3A_1372 = arith.xori %eq3A_1361, %eq3A_1197 : vector<32x128xi1>
    %eq3A_1373 = arith.constant dense<true> : vector<32x128xi1>
    %eq3A_1374 = arith.xori %eq3A_1372, %eq3A_1373 : vector<32x128xi1>
    %lt3A_1375 = arith.cmpf olt, %select_n3A_1366, %select_n3A_1351 : vector<32x128xf32>
    %and3A_1376 = arith.andi %eq3A_1374, %lt3A_1375 : vector<32x128xi1>
    %not3A_1377 = arith.constant dense<true> : vector<32x128xi1>
    %not3A_1378 = arith.xori %eq3A_1374, %not3A_1377 : vector<32x128xi1>
    %gt3A_1379 = arith.cmpf ogt, %select_n3A_1366, %select_n3A_1351 : vector<32x128xf32>
    %and3A_1380 = arith.andi %not3A_1378, %gt3A_1379 : vector<32x128xi1>
    %or3A_1381 = arith.ori %and3A_1376, %and3A_1380 : vector<32x128xi1>
    %select_n3A_1382 = arith.select %or3A_1381, %select_n3A_1366, %select_n3A_1351 : vector<32x128xi1>, vector<32x128xf32>
    %select_n3A_1383 = arith.select %or3A_1381, %select_n3A_1371, %select_n3A_1352 : vector<32x128xi1>, vector<32x128xf32>
    %shift_right_arithmetic3A_1384 = arith.constant 2 : i32
    %shift_right_arithmetic3A_1385 = vector.broadcast %shift_right_arithmetic3A_1384 : i32 to vector<32x128xi32>
    %shift_right_arithmetic3A_1386 = arith.shrsi %add3A, %shift_right_arithmetic3A_1385 : vector<32x128xi32>
    %and3A_1387 = arith.constant 1 : i32
    %and3A_1388 = vector.broadcast %and3A_1387 : i32 to vector<32x128xi32>
    %and3A_1389 = arith.andi %shift_right_arithmetic3A_1386, %and3A_1388 : vector<32x128xi32>
    %eq3A_1390 = arith.constant 0 : i32
    %eq3A_1391 = vector.broadcast %eq3A_1390 : i32 to vector<32x128xi32>
    %eq3A_1392 = arith.cmpi eq, %and3A_1389, %eq3A_1391 : vector<32x128xi32>
    %roll3A_1393 = arith.constant 124 : i32
    %roll3A_1394 = tpu.dynamic_rotate %select_n3A_1382 by %roll3A_1393 dim 1 : vector<32x128xf32>, i32 -> vector<32x128xf32>
    %roll3A_1395 = arith.constant 4 : i32
    %roll3A_1396 = tpu.dynamic_rotate %select_n3A_1382 by %roll3A_1395 dim 1 : vector<32x128xf32>, i32 -> vector<32x128xf32>
    %select_n3A_1397 = arith.select %eq3A_1392, %roll3A_1394, %roll3A_1396 : vector<32x128xi1>, vector<32x128xf32>
    %roll3A_1398 = arith.constant 124 : i32
    %roll3A_1399 = tpu.dynamic_rotate %select_n3A_1383 by %roll3A_1398 dim 1 : vector<32x128xf32>, i32 -> vector<32x128xf32>
    %roll3A_1400 = arith.constant 4 : i32
    %roll3A_1401 = tpu.dynamic_rotate %select_n3A_1383 by %roll3A_1400 dim 1 : vector<32x128xf32>, i32 -> vector<32x128xf32>
    %select_n3A_1402 = arith.select %eq3A_1392, %roll3A_1399, %roll3A_1401 : vector<32x128xi1>, vector<32x128xf32>
    %eq3A_1403 = arith.xori %eq3A_1392, %eq3A_1197 : vector<32x128xi1>
    %eq3A_1404 = arith.constant dense<true> : vector<32x128xi1>
    %eq3A_1405 = arith.xori %eq3A_1403, %eq3A_1404 : vector<32x128xi1>
    %lt3A_1406 = arith.cmpf olt, %select_n3A_1397, %select_n3A_1382 : vector<32x128xf32>
    %and3A_1407 = arith.andi %eq3A_1405, %lt3A_1406 : vector<32x128xi1>
    %not3A_1408 = arith.constant dense<true> : vector<32x128xi1>
    %not3A_1409 = arith.xori %eq3A_1405, %not3A_1408 : vector<32x128xi1>
    %gt3A_1410 = arith.cmpf ogt, %select_n3A_1397, %select_n3A_1382 : vector<32x128xf32>
    %and3A_1411 = arith.andi %not3A_1409, %gt3A_1410 : vector<32x128xi1>
    %or3A_1412 = arith.ori %and3A_1407, %and3A_1411 : vector<32x128xi1>
    %select_n3A_1413 = arith.select %or3A_1412, %select_n3A_1397, %select_n3A_1382 : vector<32x128xi1>, vector<32x128xf32>
    %select_n3A_1414 = arith.select %or3A_1412, %select_n3A_1402, %select_n3A_1383 : vector<32x128xi1>, vector<32x128xf32>
    %shift_right_arithmetic3A_1415 = arith.constant 1 : i32
    %shift_right_arithmetic3A_1416 = vector.broadcast %shift_right_arithmetic3A_1415 : i32 to vector<32x128xi32>
    %shift_right_arithmetic3A_1417 = arith.shrsi %add3A, %shift_right_arithmetic3A_1416 : vector<32x128xi32>
    %and3A_1418 = arith.constant 1 : i32
    %and3A_1419 = vector.broadcast %and3A_1418 : i32 to vector<32x128xi32>
    %and3A_1420 = arith.andi %shift_right_arithmetic3A_1417, %and3A_1419 : vector<32x128xi32>
    %eq3A_1421 = arith.constant 0 : i32
    %eq3A_1422 = vector.broadcast %eq3A_1421 : i32 to vector<32x128xi32>
    %eq3A_1423 = arith.cmpi eq, %and3A_1420, %eq3A_1422 : vector<32x128xi32>
    %roll3A_1424 = arith.constant 126 : i32
    %roll3A_1425 = tpu.dynamic_rotate %select_n3A_1413 by %roll3A_1424 dim 1 : vector<32x128xf32>, i32 -> vector<32x128xf32>
    %roll3A_1426 = arith.constant 2 : i32
    %roll3A_1427 = tpu.dynamic_rotate %select_n3A_1413 by %roll3A_1426 dim 1 : vector<32x128xf32>, i32 -> vector<32x128xf32>
    %select_n3A_1428 = arith.select %eq3A_1423, %roll3A_1425, %roll3A_1427 : vector<32x128xi1>, vector<32x128xf32>
    %roll3A_1429 = arith.constant 126 : i32
    %roll3A_1430 = tpu.dynamic_rotate %select_n3A_1414 by %roll3A_1429 dim 1 : vector<32x128xf32>, i32 -> vector<32x128xf32>
    %roll3A_1431 = arith.constant 2 : i32
    %roll3A_1432 = tpu.dynamic_rotate %select_n3A_1414 by %roll3A_1431 dim 1 : vector<32x128xf32>, i32 -> vector<32x128xf32>
    %select_n3A_1433 = arith.select %eq3A_1423, %roll3A_1430, %roll3A_1432 : vector<32x128xi1>, vector<32x128xf32>
    %eq3A_1434 = arith.xori %eq3A_1423, %eq3A_1197 : vector<32x128xi1>
    %eq3A_1435 = arith.constant dense<true> : vector<32x128xi1>
    %eq3A_1436 = arith.xori %eq3A_1434, %eq3A_1435 : vector<32x128xi1>
    %lt3A_1437 = arith.cmpf olt, %select_n3A_1428, %select_n3A_1413 : vector<32x128xf32>
    %and3A_1438 = arith.andi %eq3A_1436, %lt3A_1437 : vector<32x128xi1>
    %not3A_1439 = arith.constant dense<true> : vector<32x128xi1>
    %not3A_1440 = arith.xori %eq3A_1436, %not3A_1439 : vector<32x128xi1>
    %gt3A_1441 = arith.cmpf ogt, %select_n3A_1428, %select_n3A_1413 : vector<32x128xf32>
    %and3A_1442 = arith.andi %not3A_1440, %gt3A_1441 : vector<32x128xi1>
    %or3A_1443 = arith.ori %and3A_1438, %and3A_1442 : vector<32x128xi1>
    %select_n3A_1444 = arith.select %or3A_1443, %select_n3A_1428, %select_n3A_1413 : vector<32x128xi1>, vector<32x128xf32>
    %select_n3A_1445 = arith.select %or3A_1443, %select_n3A_1433, %select_n3A_1414 : vector<32x128xi1>, vector<32x128xf32>
    %shift_right_arithmetic3A_1446 = arith.constant 0 : i32
    %shift_right_arithmetic3A_1447 = vector.broadcast %shift_right_arithmetic3A_1446 : i32 to vector<32x128xi32>
    %shift_right_arithmetic3A_1448 = arith.shrsi %add3A, %shift_right_arithmetic3A_1447 : vector<32x128xi32>
    %and3A_1449 = arith.constant 1 : i32
    %and3A_1450 = vector.broadcast %and3A_1449 : i32 to vector<32x128xi32>
    %and3A_1451 = arith.andi %shift_right_arithmetic3A_1448, %and3A_1450 : vector<32x128xi32>
    %eq3A_1452 = arith.constant 0 : i32
    %eq3A_1453 = vector.broadcast %eq3A_1452 : i32 to vector<32x128xi32>
    %eq3A_1454 = arith.cmpi eq, %and3A_1451, %eq3A_1453 : vector<32x128xi32>
    %roll3A_1455 = arith.constant 127 : i32
    %roll3A_1456 = tpu.dynamic_rotate %select_n3A_1444 by %roll3A_1455 dim 1 : vector<32x128xf32>, i32 -> vector<32x128xf32>
    %roll3A_1457 = arith.constant 1 : i32
    %roll3A_1458 = tpu.dynamic_rotate %select_n3A_1444 by %roll3A_1457 dim 1 : vector<32x128xf32>, i32 -> vector<32x128xf32>
    %select_n3A_1459 = arith.select %eq3A_1454, %roll3A_1456, %roll3A_1458 : vector<32x128xi1>, vector<32x128xf32>
    %roll3A_1460 = arith.constant 127 : i32
    %roll3A_1461 = tpu.dynamic_rotate %select_n3A_1445 by %roll3A_1460 dim 1 : vector<32x128xf32>, i32 -> vector<32x128xf32>
    %roll3A_1462 = arith.constant 1 : i32
    %roll3A_1463 = tpu.dynamic_rotate %select_n3A_1445 by %roll3A_1462 dim 1 : vector<32x128xf32>, i32 -> vector<32x128xf32>
    %select_n3A_1464 = arith.select %eq3A_1454, %roll3A_1461, %roll3A_1463 : vector<32x128xi1>, vector<32x128xf32>
    %eq3A_1465 = arith.xori %eq3A_1454, %eq3A_1197 : vector<32x128xi1>
    %eq3A_1466 = arith.constant dense<true> : vector<32x128xi1>
    %eq3A_1467 = arith.xori %eq3A_1465, %eq3A_1466 : vector<32x128xi1>
    %lt3A_1468 = arith.cmpf olt, %select_n3A_1459, %select_n3A_1444 : vector<32x128xf32>
    %and3A_1469 = arith.andi %eq3A_1467, %lt3A_1468 : vector<32x128xi1>
    %not3A_1470 = arith.constant dense<true> : vector<32x128xi1>
    %not3A_1471 = arith.xori %eq3A_1467, %not3A_1470 : vector<32x128xi1>
    %gt3A_1472 = arith.cmpf ogt, %select_n3A_1459, %select_n3A_1444 : vector<32x128xf32>
    %and3A_1473 = arith.andi %not3A_1471, %gt3A_1472 : vector<32x128xi1>
    %or3A_1474 = arith.ori %and3A_1469, %and3A_1473 : vector<32x128xi1>
    %select_n3A_1475 = arith.select %or3A_1474, %select_n3A_1459, %select_n3A_1444 : vector<32x128xi1>, vector<32x128xf32>
    %select_n3A_1476 = arith.select %or3A_1474, %select_n3A_1464, %select_n3A_1445 : vector<32x128xi1>, vector<32x128xf32>
    %shift_right_arithmetic3A_1477 = arith.constant 10 : i32
    %shift_right_arithmetic3A_1478 = vector.broadcast %shift_right_arithmetic3A_1477 : i32 to vector<32x128xi32>
    %shift_right_arithmetic3A_1479 = arith.shrsi %add3A, %shift_right_arithmetic3A_1478 : vector<32x128xi32>
    %and3A_1480 = arith.constant 1 : i32
    %and3A_1481 = vector.broadcast %and3A_1480 : i32 to vector<32x128xi32>
    %and3A_1482 = arith.andi %shift_right_arithmetic3A_1479, %and3A_1481 : vector<32x128xi32>
    %eq3A_1483 = arith.constant 0 : i32
    %eq3A_1484 = vector.broadcast %eq3A_1483 : i32 to vector<32x128xi32>
    %eq3A_1485 = arith.cmpi eq, %and3A_1482, %eq3A_1484 : vector<32x128xi32>
    %shift_right_arithmetic3A_1486 = arith.constant 9 : i32
    %shift_right_arithmetic3A_1487 = vector.broadcast %shift_right_arithmetic3A_1486 : i32 to vector<32x128xi32>
    %shift_right_arithmetic3A_1488 = arith.shrsi %add3A, %shift_right_arithmetic3A_1487 : vector<32x128xi32>
    %and3A_1489 = arith.constant 1 : i32
    %and3A_1490 = vector.broadcast %and3A_1489 : i32 to vector<32x128xi32>
    %and3A_1491 = arith.andi %shift_right_arithmetic3A_1488, %and3A_1490 : vector<32x128xi32>
    %eq3A_1492 = arith.constant 0 : i32
    %eq3A_1493 = vector.broadcast %eq3A_1492 : i32 to vector<32x128xi32>
    %eq3A_1494 = arith.cmpi eq, %and3A_1491, %eq3A_1493 : vector<32x128xi32>
    %roll3A_1495 = arith.constant 28 : i32
    %roll3A_1496 = tpu.dynamic_rotate %select_n3A_1475 by %roll3A_1495 dim 0 : vector<32x128xf32>, i32 -> vector<32x128xf32>
    %roll3A_1497 = arith.constant 4 : i32
    %roll3A_1498 = tpu.dynamic_rotate %select_n3A_1475 by %roll3A_1497 dim 0 : vector<32x128xf32>, i32 -> vector<32x128xf32>
    %select_n3A_1499 = arith.select %eq3A_1494, %roll3A_1496, %roll3A_1498 : vector<32x128xi1>, vector<32x128xf32>
    %roll3A_1500 = arith.constant 28 : i32
    %roll3A_1501 = tpu.dynamic_rotate %select_n3A_1476 by %roll3A_1500 dim 0 : vector<32x128xf32>, i32 -> vector<32x128xf32>
    %roll3A_1502 = arith.constant 4 : i32
    %roll3A_1503 = tpu.dynamic_rotate %select_n3A_1476 by %roll3A_1502 dim 0 : vector<32x128xf32>, i32 -> vector<32x128xf32>
    %select_n3A_1504 = arith.select %eq3A_1494, %roll3A_1501, %roll3A_1503 : vector<32x128xi1>, vector<32x128xf32>
    %eq3A_1505 = arith.xori %eq3A_1494, %eq3A_1485 : vector<32x128xi1>
    %eq3A_1506 = arith.constant dense<true> : vector<32x128xi1>
    %eq3A_1507 = arith.xori %eq3A_1505, %eq3A_1506 : vector<32x128xi1>
    %lt3A_1508 = arith.cmpf olt, %select_n3A_1499, %select_n3A_1475 : vector<32x128xf32>
    %and3A_1509 = arith.andi %eq3A_1507, %lt3A_1508 : vector<32x128xi1>
    %not3A_1510 = arith.constant dense<true> : vector<32x128xi1>
    %not3A_1511 = arith.xori %eq3A_1507, %not3A_1510 : vector<32x128xi1>
    %gt3A_1512 = arith.cmpf ogt, %select_n3A_1499, %select_n3A_1475 : vector<32x128xf32>
    %and3A_1513 = arith.andi %not3A_1511, %gt3A_1512 : vector<32x128xi1>
    %or3A_1514 = arith.ori %and3A_1509, %and3A_1513 : vector<32x128xi1>
    %select_n3A_1515 = arith.select %or3A_1514, %select_n3A_1499, %select_n3A_1475 : vector<32x128xi1>, vector<32x128xf32>
    %select_n3A_1516 = arith.select %or3A_1514, %select_n3A_1504, %select_n3A_1476 : vector<32x128xi1>, vector<32x128xf32>
    %shift_right_arithmetic3A_1517 = arith.constant 8 : i32
    %shift_right_arithmetic3A_1518 = vector.broadcast %shift_right_arithmetic3A_1517 : i32 to vector<32x128xi32>
    %shift_right_arithmetic3A_1519 = arith.shrsi %add3A, %shift_right_arithmetic3A_1518 : vector<32x128xi32>
    %and3A_1520 = arith.constant 1 : i32
    %and3A_1521 = vector.broadcast %and3A_1520 : i32 to vector<32x128xi32>
    %and3A_1522 = arith.andi %shift_right_arithmetic3A_1519, %and3A_1521 : vector<32x128xi32>
    %eq3A_1523 = arith.constant 0 : i32
    %eq3A_1524 = vector.broadcast %eq3A_1523 : i32 to vector<32x128xi32>
    %eq3A_1525 = arith.cmpi eq, %and3A_1522, %eq3A_1524 : vector<32x128xi32>
    %roll3A_1526 = arith.constant 30 : i32
    %roll3A_1527 = tpu.dynamic_rotate %select_n3A_1515 by %roll3A_1526 dim 0 : vector<32x128xf32>, i32 -> vector<32x128xf32>
    %roll3A_1528 = arith.constant 2 : i32
    %roll3A_1529 = tpu.dynamic_rotate %select_n3A_1515 by %roll3A_1528 dim 0 : vector<32x128xf32>, i32 -> vector<32x128xf32>
    %select_n3A_1530 = arith.select %eq3A_1525, %roll3A_1527, %roll3A_1529 : vector<32x128xi1>, vector<32x128xf32>
    %roll3A_1531 = arith.constant 30 : i32
    %roll3A_1532 = tpu.dynamic_rotate %select_n3A_1516 by %roll3A_1531 dim 0 : vector<32x128xf32>, i32 -> vector<32x128xf32>
    %roll3A_1533 = arith.constant 2 : i32
    %roll3A_1534 = tpu.dynamic_rotate %select_n3A_1516 by %roll3A_1533 dim 0 : vector<32x128xf32>, i32 -> vector<32x128xf32>
    %select_n3A_1535 = arith.select %eq3A_1525, %roll3A_1532, %roll3A_1534 : vector<32x128xi1>, vector<32x128xf32>
    %eq3A_1536 = arith.xori %eq3A_1525, %eq3A_1485 : vector<32x128xi1>
    %eq3A_1537 = arith.constant dense<true> : vector<32x128xi1>
    %eq3A_1538 = arith.xori %eq3A_1536, %eq3A_1537 : vector<32x128xi1>
    %lt3A_1539 = arith.cmpf olt, %select_n3A_1530, %select_n3A_1515 : vector<32x128xf32>
    %and3A_1540 = arith.andi %eq3A_1538, %lt3A_1539 : vector<32x128xi1>
    %not3A_1541 = arith.constant dense<true> : vector<32x128xi1>
    %not3A_1542 = arith.xori %eq3A_1538, %not3A_1541 : vector<32x128xi1>
    %gt3A_1543 = arith.cmpf ogt, %select_n3A_1530, %select_n3A_1515 : vector<32x128xf32>
    %and3A_1544 = arith.andi %not3A_1542, %gt3A_1543 : vector<32x128xi1>
    %or3A_1545 = arith.ori %and3A_1540, %and3A_1544 : vector<32x128xi1>
    %select_n3A_1546 = arith.select %or3A_1545, %select_n3A_1530, %select_n3A_1515 : vector<32x128xi1>, vector<32x128xf32>
    %select_n3A_1547 = arith.select %or3A_1545, %select_n3A_1535, %select_n3A_1516 : vector<32x128xi1>, vector<32x128xf32>
    %shift_right_arithmetic3A_1548 = arith.constant 7 : i32
    %shift_right_arithmetic3A_1549 = vector.broadcast %shift_right_arithmetic3A_1548 : i32 to vector<32x128xi32>
    %shift_right_arithmetic3A_1550 = arith.shrsi %add3A, %shift_right_arithmetic3A_1549 : vector<32x128xi32>
    %and3A_1551 = arith.constant 1 : i32
    %and3A_1552 = vector.broadcast %and3A_1551 : i32 to vector<32x128xi32>
    %and3A_1553 = arith.andi %shift_right_arithmetic3A_1550, %and3A_1552 : vector<32x128xi32>
    %eq3A_1554 = arith.constant 0 : i32
    %eq3A_1555 = vector.broadcast %eq3A_1554 : i32 to vector<32x128xi32>
    %eq3A_1556 = arith.cmpi eq, %and3A_1553, %eq3A_1555 : vector<32x128xi32>
    %roll3A_1557 = arith.constant 31 : i32
    %roll3A_1558 = tpu.dynamic_rotate %select_n3A_1546 by %roll3A_1557 dim 0 : vector<32x128xf32>, i32 -> vector<32x128xf32>
    %roll3A_1559 = arith.constant 1 : i32
    %roll3A_1560 = tpu.dynamic_rotate %select_n3A_1546 by %roll3A_1559 dim 0 : vector<32x128xf32>, i32 -> vector<32x128xf32>
    %select_n3A_1561 = arith.select %eq3A_1556, %roll3A_1558, %roll3A_1560 : vector<32x128xi1>, vector<32x128xf32>
    %roll3A_1562 = arith.constant 31 : i32
    %roll3A_1563 = tpu.dynamic_rotate %select_n3A_1547 by %roll3A_1562 dim 0 : vector<32x128xf32>, i32 -> vector<32x128xf32>
    %roll3A_1564 = arith.constant 1 : i32
    %roll3A_1565 = tpu.dynamic_rotate %select_n3A_1547 by %roll3A_1564 dim 0 : vector<32x128xf32>, i32 -> vector<32x128xf32>
    %select_n3A_1566 = arith.select %eq3A_1556, %roll3A_1563, %roll3A_1565 : vector<32x128xi1>, vector<32x128xf32>
    %eq3A_1567 = arith.xori %eq3A_1556, %eq3A_1485 : vector<32x128xi1>
    %eq3A_1568 = arith.constant dense<true> : vector<32x128xi1>
    %eq3A_1569 = arith.xori %eq3A_1567, %eq3A_1568 : vector<32x128xi1>
    %lt3A_1570 = arith.cmpf olt, %select_n3A_1561, %select_n3A_1546 : vector<32x128xf32>
    %and3A_1571 = arith.andi %eq3A_1569, %lt3A_1570 : vector<32x128xi1>
    %not3A_1572 = arith.constant dense<true> : vector<32x128xi1>
    %not3A_1573 = arith.xori %eq3A_1569, %not3A_1572 : vector<32x128xi1>
    %gt3A_1574 = arith.cmpf ogt, %select_n3A_1561, %select_n3A_1546 : vector<32x128xf32>
    %and3A_1575 = arith.andi %not3A_1573, %gt3A_1574 : vector<32x128xi1>
    %or3A_1576 = arith.ori %and3A_1571, %and3A_1575 : vector<32x128xi1>
    %select_n3A_1577 = arith.select %or3A_1576, %select_n3A_1561, %select_n3A_1546 : vector<32x128xi1>, vector<32x128xf32>
    %select_n3A_1578 = arith.select %or3A_1576, %select_n3A_1566, %select_n3A_1547 : vector<32x128xi1>, vector<32x128xf32>
    %shift_right_arithmetic3A_1579 = arith.constant 6 : i32
    %shift_right_arithmetic3A_1580 = vector.broadcast %shift_right_arithmetic3A_1579 : i32 to vector<32x128xi32>
    %shift_right_arithmetic3A_1581 = arith.shrsi %add3A, %shift_right_arithmetic3A_1580 : vector<32x128xi32>
    %and3A_1582 = arith.constant 1 : i32
    %and3A_1583 = vector.broadcast %and3A_1582 : i32 to vector<32x128xi32>
    %and3A_1584 = arith.andi %shift_right_arithmetic3A_1581, %and3A_1583 : vector<32x128xi32>
    %eq3A_1585 = arith.constant 0 : i32
    %eq3A_1586 = vector.broadcast %eq3A_1585 : i32 to vector<32x128xi32>
    %eq3A_1587 = arith.cmpi eq, %and3A_1584, %eq3A_1586 : vector<32x128xi32>
    %roll3A_1588 = arith.constant 64 : i32
    %roll3A_1589 = tpu.dynamic_rotate %select_n3A_1577 by %roll3A_1588 dim 1 : vector<32x128xf32>, i32 -> vector<32x128xf32>
    %roll3A_1590 = arith.constant 64 : i32
    %roll3A_1591 = tpu.dynamic_rotate %select_n3A_1577 by %roll3A_1590 dim 1 : vector<32x128xf32>, i32 -> vector<32x128xf32>
    %select_n3A_1592 = arith.select %eq3A_1587, %roll3A_1589, %roll3A_1591 : vector<32x128xi1>, vector<32x128xf32>
    %roll3A_1593 = arith.constant 64 : i32
    %roll3A_1594 = tpu.dynamic_rotate %select_n3A_1578 by %roll3A_1593 dim 1 : vector<32x128xf32>, i32 -> vector<32x128xf32>
    %roll3A_1595 = arith.constant 64 : i32
    %roll3A_1596 = tpu.dynamic_rotate %select_n3A_1578 by %roll3A_1595 dim 1 : vector<32x128xf32>, i32 -> vector<32x128xf32>
    %select_n3A_1597 = arith.select %eq3A_1587, %roll3A_1594, %roll3A_1596 : vector<32x128xi1>, vector<32x128xf32>
    %eq3A_1598 = arith.xori %eq3A_1587, %eq3A_1485 : vector<32x128xi1>
    %eq3A_1599 = arith.constant dense<true> : vector<32x128xi1>
    %eq3A_1600 = arith.xori %eq3A_1598, %eq3A_1599 : vector<32x128xi1>
    %lt3A_1601 = arith.cmpf olt, %select_n3A_1592, %select_n3A_1577 : vector<32x128xf32>
    %and3A_1602 = arith.andi %eq3A_1600, %lt3A_1601 : vector<32x128xi1>
    %not3A_1603 = arith.constant dense<true> : vector<32x128xi1>
    %not3A_1604 = arith.xori %eq3A_1600, %not3A_1603 : vector<32x128xi1>
    %gt3A_1605 = arith.cmpf ogt, %select_n3A_1592, %select_n3A_1577 : vector<32x128xf32>
    %and3A_1606 = arith.andi %not3A_1604, %gt3A_1605 : vector<32x128xi1>
    %or3A_1607 = arith.ori %and3A_1602, %and3A_1606 : vector<32x128xi1>
    %select_n3A_1608 = arith.select %or3A_1607, %select_n3A_1592, %select_n3A_1577 : vector<32x128xi1>, vector<32x128xf32>
    %select_n3A_1609 = arith.select %or3A_1607, %select_n3A_1597, %select_n3A_1578 : vector<32x128xi1>, vector<32x128xf32>
    %shift_right_arithmetic3A_1610 = arith.constant 5 : i32
    %shift_right_arithmetic3A_1611 = vector.broadcast %shift_right_arithmetic3A_1610 : i32 to vector<32x128xi32>
    %shift_right_arithmetic3A_1612 = arith.shrsi %add3A, %shift_right_arithmetic3A_1611 : vector<32x128xi32>
    %and3A_1613 = arith.constant 1 : i32
    %and3A_1614 = vector.broadcast %and3A_1613 : i32 to vector<32x128xi32>
    %and3A_1615 = arith.andi %shift_right_arithmetic3A_1612, %and3A_1614 : vector<32x128xi32>
    %eq3A_1616 = arith.constant 0 : i32
    %eq3A_1617 = vector.broadcast %eq3A_1616 : i32 to vector<32x128xi32>
    %eq3A_1618 = arith.cmpi eq, %and3A_1615, %eq3A_1617 : vector<32x128xi32>
    %roll3A_1619 = arith.constant 96 : i32
    %roll3A_1620 = tpu.dynamic_rotate %select_n3A_1608 by %roll3A_1619 dim 1 : vector<32x128xf32>, i32 -> vector<32x128xf32>
    %roll3A_1621 = arith.constant 32 : i32
    %roll3A_1622 = tpu.dynamic_rotate %select_n3A_1608 by %roll3A_1621 dim 1 : vector<32x128xf32>, i32 -> vector<32x128xf32>
    %select_n3A_1623 = arith.select %eq3A_1618, %roll3A_1620, %roll3A_1622 : vector<32x128xi1>, vector<32x128xf32>
    %roll3A_1624 = arith.constant 96 : i32
    %roll3A_1625 = tpu.dynamic_rotate %select_n3A_1609 by %roll3A_1624 dim 1 : vector<32x128xf32>, i32 -> vector<32x128xf32>
    %roll3A_1626 = arith.constant 32 : i32
    %roll3A_1627 = tpu.dynamic_rotate %select_n3A_1609 by %roll3A_1626 dim 1 : vector<32x128xf32>, i32 -> vector<32x128xf32>
    %select_n3A_1628 = arith.select %eq3A_1618, %roll3A_1625, %roll3A_1627 : vector<32x128xi1>, vector<32x128xf32>
    %eq3A_1629 = arith.xori %eq3A_1618, %eq3A_1485 : vector<32x128xi1>
    %eq3A_1630 = arith.constant dense<true> : vector<32x128xi1>
    %eq3A_1631 = arith.xori %eq3A_1629, %eq3A_1630 : vector<32x128xi1>
    %lt3A_1632 = arith.cmpf olt, %select_n3A_1623, %select_n3A_1608 : vector<32x128xf32>
    %and3A_1633 = arith.andi %eq3A_1631, %lt3A_1632 : vector<32x128xi1>
    %not3A_1634 = arith.constant dense<true> : vector<32x128xi1>
    %not3A_1635 = arith.xori %eq3A_1631, %not3A_1634 : vector<32x128xi1>
    %gt3A_1636 = arith.cmpf ogt, %select_n3A_1623, %select_n3A_1608 : vector<32x128xf32>
    %and3A_1637 = arith.andi %not3A_1635, %gt3A_1636 : vector<32x128xi1>
    %or3A_1638 = arith.ori %and3A_1633, %and3A_1637 : vector<32x128xi1>
    %select_n3A_1639 = arith.select %or3A_1638, %select_n3A_1623, %select_n3A_1608 : vector<32x128xi1>, vector<32x128xf32>
    %select_n3A_1640 = arith.select %or3A_1638, %select_n3A_1628, %select_n3A_1609 : vector<32x128xi1>, vector<32x128xf32>
    %shift_right_arithmetic3A_1641 = arith.constant 4 : i32
    %shift_right_arithmetic3A_1642 = vector.broadcast %shift_right_arithmetic3A_1641 : i32 to vector<32x128xi32>
    %shift_right_arithmetic3A_1643 = arith.shrsi %add3A, %shift_right_arithmetic3A_1642 : vector<32x128xi32>
    %and3A_1644 = arith.constant 1 : i32
    %and3A_1645 = vector.broadcast %and3A_1644 : i32 to vector<32x128xi32>
    %and3A_1646 = arith.andi %shift_right_arithmetic3A_1643, %and3A_1645 : vector<32x128xi32>
    %eq3A_1647 = arith.constant 0 : i32
    %eq3A_1648 = vector.broadcast %eq3A_1647 : i32 to vector<32x128xi32>
    %eq3A_1649 = arith.cmpi eq, %and3A_1646, %eq3A_1648 : vector<32x128xi32>
    %roll3A_1650 = arith.constant 112 : i32
    %roll3A_1651 = tpu.dynamic_rotate %select_n3A_1639 by %roll3A_1650 dim 1 : vector<32x128xf32>, i32 -> vector<32x128xf32>
    %roll3A_1652 = arith.constant 16 : i32
    %roll3A_1653 = tpu.dynamic_rotate %select_n3A_1639 by %roll3A_1652 dim 1 : vector<32x128xf32>, i32 -> vector<32x128xf32>
    %select_n3A_1654 = arith.select %eq3A_1649, %roll3A_1651, %roll3A_1653 : vector<32x128xi1>, vector<32x128xf32>
    %roll3A_1655 = arith.constant 112 : i32
    %roll3A_1656 = tpu.dynamic_rotate %select_n3A_1640 by %roll3A_1655 dim 1 : vector<32x128xf32>, i32 -> vector<32x128xf32>
    %roll3A_1657 = arith.constant 16 : i32
    %roll3A_1658 = tpu.dynamic_rotate %select_n3A_1640 by %roll3A_1657 dim 1 : vector<32x128xf32>, i32 -> vector<32x128xf32>
    %select_n3A_1659 = arith.select %eq3A_1649, %roll3A_1656, %roll3A_1658 : vector<32x128xi1>, vector<32x128xf32>
    %eq3A_1660 = arith.xori %eq3A_1649, %eq3A_1485 : vector<32x128xi1>
    %eq3A_1661 = arith.constant dense<true> : vector<32x128xi1>
    %eq3A_1662 = arith.xori %eq3A_1660, %eq3A_1661 : vector<32x128xi1>
    %lt3A_1663 = arith.cmpf olt, %select_n3A_1654, %select_n3A_1639 : vector<32x128xf32>
    %and3A_1664 = arith.andi %eq3A_1662, %lt3A_1663 : vector<32x128xi1>
    %not3A_1665 = arith.constant dense<true> : vector<32x128xi1>
    %not3A_1666 = arith.xori %eq3A_1662, %not3A_1665 : vector<32x128xi1>
    %gt3A_1667 = arith.cmpf ogt, %select_n3A_1654, %select_n3A_1639 : vector<32x128xf32>
    %and3A_1668 = arith.andi %not3A_1666, %gt3A_1667 : vector<32x128xi1>
    %or3A_1669 = arith.ori %and3A_1664, %and3A_1668 : vector<32x128xi1>
    %select_n3A_1670 = arith.select %or3A_1669, %select_n3A_1654, %select_n3A_1639 : vector<32x128xi1>, vector<32x128xf32>
    %select_n3A_1671 = arith.select %or3A_1669, %select_n3A_1659, %select_n3A_1640 : vector<32x128xi1>, vector<32x128xf32>
    %shift_right_arithmetic3A_1672 = arith.constant 3 : i32
    %shift_right_arithmetic3A_1673 = vector.broadcast %shift_right_arithmetic3A_1672 : i32 to vector<32x128xi32>
    %shift_right_arithmetic3A_1674 = arith.shrsi %add3A, %shift_right_arithmetic3A_1673 : vector<32x128xi32>
    %and3A_1675 = arith.constant 1 : i32
    %and3A_1676 = vector.broadcast %and3A_1675 : i32 to vector<32x128xi32>
    %and3A_1677 = arith.andi %shift_right_arithmetic3A_1674, %and3A_1676 : vector<32x128xi32>
    %eq3A_1678 = arith.constant 0 : i32
    %eq3A_1679 = vector.broadcast %eq3A_1678 : i32 to vector<32x128xi32>
    %eq3A_1680 = arith.cmpi eq, %and3A_1677, %eq3A_1679 : vector<32x128xi32>
    %roll3A_1681 = arith.constant 120 : i32
    %roll3A_1682 = tpu.dynamic_rotate %select_n3A_1670 by %roll3A_1681 dim 1 : vector<32x128xf32>, i32 -> vector<32x128xf32>
    %roll3A_1683 = arith.constant 8 : i32
    %roll3A_1684 = tpu.dynamic_rotate %select_n3A_1670 by %roll3A_1683 dim 1 : vector<32x128xf32>, i32 -> vector<32x128xf32>
    %select_n3A_1685 = arith.select %eq3A_1680, %roll3A_1682, %roll3A_1684 : vector<32x128xi1>, vector<32x128xf32>
    %roll3A_1686 = arith.constant 120 : i32
    %roll3A_1687 = tpu.dynamic_rotate %select_n3A_1671 by %roll3A_1686 dim 1 : vector<32x128xf32>, i32 -> vector<32x128xf32>
    %roll3A_1688 = arith.constant 8 : i32
    %roll3A_1689 = tpu.dynamic_rotate %select_n3A_1671 by %roll3A_1688 dim 1 : vector<32x128xf32>, i32 -> vector<32x128xf32>
    %select_n3A_1690 = arith.select %eq3A_1680, %roll3A_1687, %roll3A_1689 : vector<32x128xi1>, vector<32x128xf32>
    %eq3A_1691 = arith.xori %eq3A_1680, %eq3A_1485 : vector<32x128xi1>
    %eq3A_1692 = arith.constant dense<true> : vector<32x128xi1>
    %eq3A_1693 = arith.xori %eq3A_1691, %eq3A_1692 : vector<32x128xi1>
    %lt3A_1694 = arith.cmpf olt, %select_n3A_1685, %select_n3A_1670 : vector<32x128xf32>
    %and3A_1695 = arith.andi %eq3A_1693, %lt3A_1694 : vector<32x128xi1>
    %not3A_1696 = arith.constant dense<true> : vector<32x128xi1>
    %not3A_1697 = arith.xori %eq3A_1693, %not3A_1696 : vector<32x128xi1>
    %gt3A_1698 = arith.cmpf ogt, %select_n3A_1685, %select_n3A_1670 : vector<32x128xf32>
    %and3A_1699 = arith.andi %not3A_1697, %gt3A_1698 : vector<32x128xi1>
    %or3A_1700 = arith.ori %and3A_1695, %and3A_1699 : vector<32x128xi1>
    %select_n3A_1701 = arith.select %or3A_1700, %select_n3A_1685, %select_n3A_1670 : vector<32x128xi1>, vector<32x128xf32>
    %select_n3A_1702 = arith.select %or3A_1700, %select_n3A_1690, %select_n3A_1671 : vector<32x128xi1>, vector<32x128xf32>
    %shift_right_arithmetic3A_1703 = arith.constant 2 : i32
    %shift_right_arithmetic3A_1704 = vector.broadcast %shift_right_arithmetic3A_1703 : i32 to vector<32x128xi32>
    %shift_right_arithmetic3A_1705 = arith.shrsi %add3A, %shift_right_arithmetic3A_1704 : vector<32x128xi32>
    %and3A_1706 = arith.constant 1 : i32
    %and3A_1707 = vector.broadcast %and3A_1706 : i32 to vector<32x128xi32>
    %and3A_1708 = arith.andi %shift_right_arithmetic3A_1705, %and3A_1707 : vector<32x128xi32>
    %eq3A_1709 = arith.constant 0 : i32
    %eq3A_1710 = vector.broadcast %eq3A_1709 : i32 to vector<32x128xi32>
    %eq3A_1711 = arith.cmpi eq, %and3A_1708, %eq3A_1710 : vector<32x128xi32>
    %roll3A_1712 = arith.constant 124 : i32
    %roll3A_1713 = tpu.dynamic_rotate %select_n3A_1701 by %roll3A_1712 dim 1 : vector<32x128xf32>, i32 -> vector<32x128xf32>
    %roll3A_1714 = arith.constant 4 : i32
    %roll3A_1715 = tpu.dynamic_rotate %select_n3A_1701 by %roll3A_1714 dim 1 : vector<32x128xf32>, i32 -> vector<32x128xf32>
    %select_n3A_1716 = arith.select %eq3A_1711, %roll3A_1713, %roll3A_1715 : vector<32x128xi1>, vector<32x128xf32>
    %roll3A_1717 = arith.constant 124 : i32
    %roll3A_1718 = tpu.dynamic_rotate %select_n3A_1702 by %roll3A_1717 dim 1 : vector<32x128xf32>, i32 -> vector<32x128xf32>
    %roll3A_1719 = arith.constant 4 : i32
    %roll3A_1720 = tpu.dynamic_rotate %select_n3A_1702 by %roll3A_1719 dim 1 : vector<32x128xf32>, i32 -> vector<32x128xf32>
    %select_n3A_1721 = arith.select %eq3A_1711, %roll3A_1718, %roll3A_1720 : vector<32x128xi1>, vector<32x128xf32>
    %eq3A_1722 = arith.xori %eq3A_1711, %eq3A_1485 : vector<32x128xi1>
    %eq3A_1723 = arith.constant dense<true> : vector<32x128xi1>
    %eq3A_1724 = arith.xori %eq3A_1722, %eq3A_1723 : vector<32x128xi1>
    %lt3A_1725 = arith.cmpf olt, %select_n3A_1716, %select_n3A_1701 : vector<32x128xf32>
    %and3A_1726 = arith.andi %eq3A_1724, %lt3A_1725 : vector<32x128xi1>
    %not3A_1727 = arith.constant dense<true> : vector<32x128xi1>
    %not3A_1728 = arith.xori %eq3A_1724, %not3A_1727 : vector<32x128xi1>
    %gt3A_1729 = arith.cmpf ogt, %select_n3A_1716, %select_n3A_1701 : vector<32x128xf32>
    %and3A_1730 = arith.andi %not3A_1728, %gt3A_1729 : vector<32x128xi1>
    %or3A_1731 = arith.ori %and3A_1726, %and3A_1730 : vector<32x128xi1>
    %select_n3A_1732 = arith.select %or3A_1731, %select_n3A_1716, %select_n3A_1701 : vector<32x128xi1>, vector<32x128xf32>
    %select_n3A_1733 = arith.select %or3A_1731, %select_n3A_1721, %select_n3A_1702 : vector<32x128xi1>, vector<32x128xf32>
    %shift_right_arithmetic3A_1734 = arith.constant 1 : i32
    %shift_right_arithmetic3A_1735 = vector.broadcast %shift_right_arithmetic3A_1734 : i32 to vector<32x128xi32>
    %shift_right_arithmetic3A_1736 = arith.shrsi %add3A, %shift_right_arithmetic3A_1735 : vector<32x128xi32>
    %and3A_1737 = arith.constant 1 : i32
    %and3A_1738 = vector.broadcast %and3A_1737 : i32 to vector<32x128xi32>
    %and3A_1739 = arith.andi %shift_right_arithmetic3A_1736, %and3A_1738 : vector<32x128xi32>
    %eq3A_1740 = arith.constant 0 : i32
    %eq3A_1741 = vector.broadcast %eq3A_1740 : i32 to vector<32x128xi32>
    %eq3A_1742 = arith.cmpi eq, %and3A_1739, %eq3A_1741 : vector<32x128xi32>
    %roll3A_1743 = arith.constant 126 : i32
    %roll3A_1744 = tpu.dynamic_rotate %select_n3A_1732 by %roll3A_1743 dim 1 : vector<32x128xf32>, i32 -> vector<32x128xf32>
    %roll3A_1745 = arith.constant 2 : i32
    %roll3A_1746 = tpu.dynamic_rotate %select_n3A_1732 by %roll3A_1745 dim 1 : vector<32x128xf32>, i32 -> vector<32x128xf32>
    %select_n3A_1747 = arith.select %eq3A_1742, %roll3A_1744, %roll3A_1746 : vector<32x128xi1>, vector<32x128xf32>
    %roll3A_1748 = arith.constant 126 : i32
    %roll3A_1749 = tpu.dynamic_rotate %select_n3A_1733 by %roll3A_1748 dim 1 : vector<32x128xf32>, i32 -> vector<32x128xf32>
    %roll3A_1750 = arith.constant 2 : i32
    %roll3A_1751 = tpu.dynamic_rotate %select_n3A_1733 by %roll3A_1750 dim 1 : vector<32x128xf32>, i32 -> vector<32x128xf32>
    %select_n3A_1752 = arith.select %eq3A_1742, %roll3A_1749, %roll3A_1751 : vector<32x128xi1>, vector<32x128xf32>
    %eq3A_1753 = arith.xori %eq3A_1742, %eq3A_1485 : vector<32x128xi1>
    %eq3A_1754 = arith.constant dense<true> : vector<32x128xi1>
    %eq3A_1755 = arith.xori %eq3A_1753, %eq3A_1754 : vector<32x128xi1>
    %lt3A_1756 = arith.cmpf olt, %select_n3A_1747, %select_n3A_1732 : vector<32x128xf32>
    %and3A_1757 = arith.andi %eq3A_1755, %lt3A_1756 : vector<32x128xi1>
    %not3A_1758 = arith.constant dense<true> : vector<32x128xi1>
    %not3A_1759 = arith.xori %eq3A_1755, %not3A_1758 : vector<32x128xi1>
    %gt3A_1760 = arith.cmpf ogt, %select_n3A_1747, %select_n3A_1732 : vector<32x128xf32>
    %and3A_1761 = arith.andi %not3A_1759, %gt3A_1760 : vector<32x128xi1>
    %or3A_1762 = arith.ori %and3A_1757, %and3A_1761 : vector<32x128xi1>
    %select_n3A_1763 = arith.select %or3A_1762, %select_n3A_1747, %select_n3A_1732 : vector<32x128xi1>, vector<32x128xf32>
    %select_n3A_1764 = arith.select %or3A_1762, %select_n3A_1752, %select_n3A_1733 : vector<32x128xi1>, vector<32x128xf32>
    %shift_right_arithmetic3A_1765 = arith.constant 0 : i32
    %shift_right_arithmetic3A_1766 = vector.broadcast %shift_right_arithmetic3A_1765 : i32 to vector<32x128xi32>
    %shift_right_arithmetic3A_1767 = arith.shrsi %add3A, %shift_right_arithmetic3A_1766 : vector<32x128xi32>
    %and3A_1768 = arith.constant 1 : i32
    %and3A_1769 = vector.broadcast %and3A_1768 : i32 to vector<32x128xi32>
    %and3A_1770 = arith.andi %shift_right_arithmetic3A_1767, %and3A_1769 : vector<32x128xi32>
    %eq3A_1771 = arith.constant 0 : i32
    %eq3A_1772 = vector.broadcast %eq3A_1771 : i32 to vector<32x128xi32>
    %eq3A_1773 = arith.cmpi eq, %and3A_1770, %eq3A_1772 : vector<32x128xi32>
    %roll3A_1774 = arith.constant 127 : i32
    %roll3A_1775 = tpu.dynamic_rotate %select_n3A_1763 by %roll3A_1774 dim 1 : vector<32x128xf32>, i32 -> vector<32x128xf32>
    %roll3A_1776 = arith.constant 1 : i32
    %roll3A_1777 = tpu.dynamic_rotate %select_n3A_1763 by %roll3A_1776 dim 1 : vector<32x128xf32>, i32 -> vector<32x128xf32>
    %select_n3A_1778 = arith.select %eq3A_1773, %roll3A_1775, %roll3A_1777 : vector<32x128xi1>, vector<32x128xf32>
    %roll3A_1779 = arith.constant 127 : i32
    %roll3A_1780 = tpu.dynamic_rotate %select_n3A_1764 by %roll3A_1779 dim 1 : vector<32x128xf32>, i32 -> vector<32x128xf32>
    %roll3A_1781 = arith.constant 1 : i32
    %roll3A_1782 = tpu.dynamic_rotate %select_n3A_1764 by %roll3A_1781 dim 1 : vector<32x128xf32>, i32 -> vector<32x128xf32>
    %select_n3A_1783 = arith.select %eq3A_1773, %roll3A_1780, %roll3A_1782 : vector<32x128xi1>, vector<32x128xf32>
    %eq3A_1784 = arith.xori %eq3A_1773, %eq3A_1485 : vector<32x128xi1>
    %eq3A_1785 = arith.constant dense<true> : vector<32x128xi1>
    %eq3A_1786 = arith.xori %eq3A_1784, %eq3A_1785 : vector<32x128xi1>
    %lt3A_1787 = arith.cmpf olt, %select_n3A_1778, %select_n3A_1763 : vector<32x128xf32>
    %and3A_1788 = arith.andi %eq3A_1786, %lt3A_1787 : vector<32x128xi1>
    %not3A_1789 = arith.constant dense<true> : vector<32x128xi1>
    %not3A_1790 = arith.xori %eq3A_1786, %not3A_1789 : vector<32x128xi1>
    %gt3A_1791 = arith.cmpf ogt, %select_n3A_1778, %select_n3A_1763 : vector<32x128xf32>
    %and3A_1792 = arith.andi %not3A_1790, %gt3A_1791 : vector<32x128xi1>
    %or3A_1793 = arith.ori %and3A_1788, %and3A_1792 : vector<32x128xi1>
    %select_n3A_1794 = arith.select %or3A_1793, %select_n3A_1778, %select_n3A_1763 : vector<32x128xi1>, vector<32x128xf32>
    %select_n3A_1795 = arith.select %or3A_1793, %select_n3A_1783, %select_n3A_1764 : vector<32x128xi1>, vector<32x128xf32>
    %shift_right_arithmetic3A_1796 = arith.constant 11 : i32
    %shift_right_arithmetic3A_1797 = vector.broadcast %shift_right_arithmetic3A_1796 : i32 to vector<32x128xi32>
    %shift_right_arithmetic3A_1798 = arith.shrsi %add3A, %shift_right_arithmetic3A_1797 : vector<32x128xi32>
    %and3A_1799 = arith.constant 1 : i32
    %and3A_1800 = vector.broadcast %and3A_1799 : i32 to vector<32x128xi32>
    %and3A_1801 = arith.andi %shift_right_arithmetic3A_1798, %and3A_1800 : vector<32x128xi32>
    %eq3A_1802 = arith.constant 0 : i32
    %eq3A_1803 = vector.broadcast %eq3A_1802 : i32 to vector<32x128xi32>
    %eq3A_1804 = arith.cmpi eq, %and3A_1801, %eq3A_1803 : vector<32x128xi32>
    %shift_right_arithmetic3A_1805 = arith.constant 10 : i32
    %shift_right_arithmetic3A_1806 = vector.broadcast %shift_right_arithmetic3A_1805 : i32 to vector<32x128xi32>
    %shift_right_arithmetic3A_1807 = arith.shrsi %add3A, %shift_right_arithmetic3A_1806 : vector<32x128xi32>
    %and3A_1808 = arith.constant 1 : i32
    %and3A_1809 = vector.broadcast %and3A_1808 : i32 to vector<32x128xi32>
    %and3A_1810 = arith.andi %shift_right_arithmetic3A_1807, %and3A_1809 : vector<32x128xi32>
    %eq3A_1811 = arith.constant 0 : i32
    %eq3A_1812 = vector.broadcast %eq3A_1811 : i32 to vector<32x128xi32>
    %eq3A_1813 = arith.cmpi eq, %and3A_1810, %eq3A_1812 : vector<32x128xi32>
    %roll3A_1814 = arith.constant 24 : i32
    %roll3A_1815 = tpu.dynamic_rotate %select_n3A_1794 by %roll3A_1814 dim 0 : vector<32x128xf32>, i32 -> vector<32x128xf32>
    %roll3A_1816 = arith.constant 8 : i32
    %roll3A_1817 = tpu.dynamic_rotate %select_n3A_1794 by %roll3A_1816 dim 0 : vector<32x128xf32>, i32 -> vector<32x128xf32>
    %select_n3A_1818 = arith.select %eq3A_1813, %roll3A_1815, %roll3A_1817 : vector<32x128xi1>, vector<32x128xf32>
    %roll3A_1819 = arith.constant 24 : i32
    %roll3A_1820 = tpu.dynamic_rotate %select_n3A_1795 by %roll3A_1819 dim 0 : vector<32x128xf32>, i32 -> vector<32x128xf32>
    %roll3A_1821 = arith.constant 8 : i32
    %roll3A_1822 = tpu.dynamic_rotate %select_n3A_1795 by %roll3A_1821 dim 0 : vector<32x128xf32>, i32 -> vector<32x128xf32>
    %select_n3A_1823 = arith.select %eq3A_1813, %roll3A_1820, %roll3A_1822 : vector<32x128xi1>, vector<32x128xf32>
    %eq3A_1824 = arith.xori %eq3A_1813, %eq3A_1804 : vector<32x128xi1>
    %eq3A_1825 = arith.constant dense<true> : vector<32x128xi1>
    %eq3A_1826 = arith.xori %eq3A_1824, %eq3A_1825 : vector<32x128xi1>
    %lt3A_1827 = arith.cmpf olt, %select_n3A_1818, %select_n3A_1794 : vector<32x128xf32>
    %and3A_1828 = arith.andi %eq3A_1826, %lt3A_1827 : vector<32x128xi1>
    %not3A_1829 = arith.constant dense<true> : vector<32x128xi1>
    %not3A_1830 = arith.xori %eq3A_1826, %not3A_1829 : vector<32x128xi1>
    %gt3A_1831 = arith.cmpf ogt, %select_n3A_1818, %select_n3A_1794 : vector<32x128xf32>
    %and3A_1832 = arith.andi %not3A_1830, %gt3A_1831 : vector<32x128xi1>
    %or3A_1833 = arith.ori %and3A_1828, %and3A_1832 : vector<32x128xi1>
    %select_n3A_1834 = arith.select %or3A_1833, %select_n3A_1818, %select_n3A_1794 : vector<32x128xi1>, vector<32x128xf32>
    %select_n3A_1835 = arith.select %or3A_1833, %select_n3A_1823, %select_n3A_1795 : vector<32x128xi1>, vector<32x128xf32>
    %shift_right_arithmetic3A_1836 = arith.constant 9 : i32
    %shift_right_arithmetic3A_1837 = vector.broadcast %shift_right_arithmetic3A_1836 : i32 to vector<32x128xi32>
    %shift_right_arithmetic3A_1838 = arith.shrsi %add3A, %shift_right_arithmetic3A_1837 : vector<32x128xi32>
    %and3A_1839 = arith.constant 1 : i32
    %and3A_1840 = vector.broadcast %and3A_1839 : i32 to vector<32x128xi32>
    %and3A_1841 = arith.andi %shift_right_arithmetic3A_1838, %and3A_1840 : vector<32x128xi32>
    %eq3A_1842 = arith.constant 0 : i32
    %eq3A_1843 = vector.broadcast %eq3A_1842 : i32 to vector<32x128xi32>
    %eq3A_1844 = arith.cmpi eq, %and3A_1841, %eq3A_1843 : vector<32x128xi32>
    %roll3A_1845 = arith.constant 28 : i32
    %roll3A_1846 = tpu.dynamic_rotate %select_n3A_1834 by %roll3A_1845 dim 0 : vector<32x128xf32>, i32 -> vector<32x128xf32>
    %roll3A_1847 = arith.constant 4 : i32
    %roll3A_1848 = tpu.dynamic_rotate %select_n3A_1834 by %roll3A_1847 dim 0 : vector<32x128xf32>, i32 -> vector<32x128xf32>
    %select_n3A_1849 = arith.select %eq3A_1844, %roll3A_1846, %roll3A_1848 : vector<32x128xi1>, vector<32x128xf32>
    %roll3A_1850 = arith.constant 28 : i32
    %roll3A_1851 = tpu.dynamic_rotate %select_n3A_1835 by %roll3A_1850 dim 0 : vector<32x128xf32>, i32 -> vector<32x128xf32>
    %roll3A_1852 = arith.constant 4 : i32
    %roll3A_1853 = tpu.dynamic_rotate %select_n3A_1835 by %roll3A_1852 dim 0 : vector<32x128xf32>, i32 -> vector<32x128xf32>
    %select_n3A_1854 = arith.select %eq3A_1844, %roll3A_1851, %roll3A_1853 : vector<32x128xi1>, vector<32x128xf32>
    %eq3A_1855 = arith.xori %eq3A_1844, %eq3A_1804 : vector<32x128xi1>
    %eq3A_1856 = arith.constant dense<true> : vector<32x128xi1>
    %eq3A_1857 = arith.xori %eq3A_1855, %eq3A_1856 : vector<32x128xi1>
    %lt3A_1858 = arith.cmpf olt, %select_n3A_1849, %select_n3A_1834 : vector<32x128xf32>
    %and3A_1859 = arith.andi %eq3A_1857, %lt3A_1858 : vector<32x128xi1>
    %not3A_1860 = arith.constant dense<true> : vector<32x128xi1>
    %not3A_1861 = arith.xori %eq3A_1857, %not3A_1860 : vector<32x128xi1>
    %gt3A_1862 = arith.cmpf ogt, %select_n3A_1849, %select_n3A_1834 : vector<32x128xf32>
    %and3A_1863 = arith.andi %not3A_1861, %gt3A_1862 : vector<32x128xi1>
    %or3A_1864 = arith.ori %and3A_1859, %and3A_1863 : vector<32x128xi1>
    %select_n3A_1865 = arith.select %or3A_1864, %select_n3A_1849, %select_n3A_1834 : vector<32x128xi1>, vector<32x128xf32>
    %select_n3A_1866 = arith.select %or3A_1864, %select_n3A_1854, %select_n3A_1835 : vector<32x128xi1>, vector<32x128xf32>
    %shift_right_arithmetic3A_1867 = arith.constant 8 : i32
    %shift_right_arithmetic3A_1868 = vector.broadcast %shift_right_arithmetic3A_1867 : i32 to vector<32x128xi32>
    %shift_right_arithmetic3A_1869 = arith.shrsi %add3A, %shift_right_arithmetic3A_1868 : vector<32x128xi32>
    %and3A_1870 = arith.constant 1 : i32
    %and3A_1871 = vector.broadcast %and3A_1870 : i32 to vector<32x128xi32>
    %and3A_1872 = arith.andi %shift_right_arithmetic3A_1869, %and3A_1871 : vector<32x128xi32>
    %eq3A_1873 = arith.constant 0 : i32
    %eq3A_1874 = vector.broadcast %eq3A_1873 : i32 to vector<32x128xi32>
    %eq3A_1875 = arith.cmpi eq, %and3A_1872, %eq3A_1874 : vector<32x128xi32>
    %roll3A_1876 = arith.constant 30 : i32
    %roll3A_1877 = tpu.dynamic_rotate %select_n3A_1865 by %roll3A_1876 dim 0 : vector<32x128xf32>, i32 -> vector<32x128xf32>
    %roll3A_1878 = arith.constant 2 : i32
    %roll3A_1879 = tpu.dynamic_rotate %select_n3A_1865 by %roll3A_1878 dim 0 : vector<32x128xf32>, i32 -> vector<32x128xf32>
    %select_n3A_1880 = arith.select %eq3A_1875, %roll3A_1877, %roll3A_1879 : vector<32x128xi1>, vector<32x128xf32>
    %roll3A_1881 = arith.constant 30 : i32
    %roll3A_1882 = tpu.dynamic_rotate %select_n3A_1866 by %roll3A_1881 dim 0 : vector<32x128xf32>, i32 -> vector<32x128xf32>
    %roll3A_1883 = arith.constant 2 : i32
    %roll3A_1884 = tpu.dynamic_rotate %select_n3A_1866 by %roll3A_1883 dim 0 : vector<32x128xf32>, i32 -> vector<32x128xf32>
    %select_n3A_1885 = arith.select %eq3A_1875, %roll3A_1882, %roll3A_1884 : vector<32x128xi1>, vector<32x128xf32>
    %eq3A_1886 = arith.xori %eq3A_1875, %eq3A_1804 : vector<32x128xi1>
    %eq3A_1887 = arith.constant dense<true> : vector<32x128xi1>
    %eq3A_1888 = arith.xori %eq3A_1886, %eq3A_1887 : vector<32x128xi1>
    %lt3A_1889 = arith.cmpf olt, %select_n3A_1880, %select_n3A_1865 : vector<32x128xf32>
    %and3A_1890 = arith.andi %eq3A_1888, %lt3A_1889 : vector<32x128xi1>
    %not3A_1891 = arith.constant dense<true> : vector<32x128xi1>
    %not3A_1892 = arith.xori %eq3A_1888, %not3A_1891 : vector<32x128xi1>
    %gt3A_1893 = arith.cmpf ogt, %select_n3A_1880, %select_n3A_1865 : vector<32x128xf32>
    %and3A_1894 = arith.andi %not3A_1892, %gt3A_1893 : vector<32x128xi1>
    %or3A_1895 = arith.ori %and3A_1890, %and3A_1894 : vector<32x128xi1>
    %select_n3A_1896 = arith.select %or3A_1895, %select_n3A_1880, %select_n3A_1865 : vector<32x128xi1>, vector<32x128xf32>
    %select_n3A_1897 = arith.select %or3A_1895, %select_n3A_1885, %select_n3A_1866 : vector<32x128xi1>, vector<32x128xf32>
    %shift_right_arithmetic3A_1898 = arith.constant 7 : i32
    %shift_right_arithmetic3A_1899 = vector.broadcast %shift_right_arithmetic3A_1898 : i32 to vector<32x128xi32>
    %shift_right_arithmetic3A_1900 = arith.shrsi %add3A, %shift_right_arithmetic3A_1899 : vector<32x128xi32>
    %and3A_1901 = arith.constant 1 : i32
    %and3A_1902 = vector.broadcast %and3A_1901 : i32 to vector<32x128xi32>
    %and3A_1903 = arith.andi %shift_right_arithmetic3A_1900, %and3A_1902 : vector<32x128xi32>
    %eq3A_1904 = arith.constant 0 : i32
    %eq3A_1905 = vector.broadcast %eq3A_1904 : i32 to vector<32x128xi32>
    %eq3A_1906 = arith.cmpi eq, %and3A_1903, %eq3A_1905 : vector<32x128xi32>
    %roll3A_1907 = arith.constant 31 : i32
    %roll3A_1908 = tpu.dynamic_rotate %select_n3A_1896 by %roll3A_1907 dim 0 : vector<32x128xf32>, i32 -> vector<32x128xf32>
    %roll3A_1909 = arith.constant 1 : i32
    %roll3A_1910 = tpu.dynamic_rotate %select_n3A_1896 by %roll3A_1909 dim 0 : vector<32x128xf32>, i32 -> vector<32x128xf32>
    %select_n3A_1911 = arith.select %eq3A_1906, %roll3A_1908, %roll3A_1910 : vector<32x128xi1>, vector<32x128xf32>
    %roll3A_1912 = arith.constant 31 : i32
    %roll3A_1913 = tpu.dynamic_rotate %select_n3A_1897 by %roll3A_1912 dim 0 : vector<32x128xf32>, i32 -> vector<32x128xf32>
    %roll3A_1914 = arith.constant 1 : i32
    %roll3A_1915 = tpu.dynamic_rotate %select_n3A_1897 by %roll3A_1914 dim 0 : vector<32x128xf32>, i32 -> vector<32x128xf32>
    %select_n3A_1916 = arith.select %eq3A_1906, %roll3A_1913, %roll3A_1915 : vector<32x128xi1>, vector<32x128xf32>
    %eq3A_1917 = arith.xori %eq3A_1906, %eq3A_1804 : vector<32x128xi1>
    %eq3A_1918 = arith.constant dense<true> : vector<32x128xi1>
    %eq3A_1919 = arith.xori %eq3A_1917, %eq3A_1918 : vector<32x128xi1>
    %lt3A_1920 = arith.cmpf olt, %select_n3A_1911, %select_n3A_1896 : vector<32x128xf32>
    %and3A_1921 = arith.andi %eq3A_1919, %lt3A_1920 : vector<32x128xi1>
    %not3A_1922 = arith.constant dense<true> : vector<32x128xi1>
    %not3A_1923 = arith.xori %eq3A_1919, %not3A_1922 : vector<32x128xi1>
    %gt3A_1924 = arith.cmpf ogt, %select_n3A_1911, %select_n3A_1896 : vector<32x128xf32>
    %and3A_1925 = arith.andi %not3A_1923, %gt3A_1924 : vector<32x128xi1>
    %or3A_1926 = arith.ori %and3A_1921, %and3A_1925 : vector<32x128xi1>
    %select_n3A_1927 = arith.select %or3A_1926, %select_n3A_1911, %select_n3A_1896 : vector<32x128xi1>, vector<32x128xf32>
    %select_n3A_1928 = arith.select %or3A_1926, %select_n3A_1916, %select_n3A_1897 : vector<32x128xi1>, vector<32x128xf32>
    %shift_right_arithmetic3A_1929 = arith.constant 6 : i32
    %shift_right_arithmetic3A_1930 = vector.broadcast %shift_right_arithmetic3A_1929 : i32 to vector<32x128xi32>
    %shift_right_arithmetic3A_1931 = arith.shrsi %add3A, %shift_right_arithmetic3A_1930 : vector<32x128xi32>
    %and3A_1932 = arith.constant 1 : i32
    %and3A_1933 = vector.broadcast %and3A_1932 : i32 to vector<32x128xi32>
    %and3A_1934 = arith.andi %shift_right_arithmetic3A_1931, %and3A_1933 : vector<32x128xi32>
    %eq3A_1935 = arith.constant 0 : i32
    %eq3A_1936 = vector.broadcast %eq3A_1935 : i32 to vector<32x128xi32>
    %eq3A_1937 = arith.cmpi eq, %and3A_1934, %eq3A_1936 : vector<32x128xi32>
    %roll3A_1938 = arith.constant 64 : i32
    %roll3A_1939 = tpu.dynamic_rotate %select_n3A_1927 by %roll3A_1938 dim 1 : vector<32x128xf32>, i32 -> vector<32x128xf32>
    %roll3A_1940 = arith.constant 64 : i32
    %roll3A_1941 = tpu.dynamic_rotate %select_n3A_1927 by %roll3A_1940 dim 1 : vector<32x128xf32>, i32 -> vector<32x128xf32>
    %select_n3A_1942 = arith.select %eq3A_1937, %roll3A_1939, %roll3A_1941 : vector<32x128xi1>, vector<32x128xf32>
    %roll3A_1943 = arith.constant 64 : i32
    %roll3A_1944 = tpu.dynamic_rotate %select_n3A_1928 by %roll3A_1943 dim 1 : vector<32x128xf32>, i32 -> vector<32x128xf32>
    %roll3A_1945 = arith.constant 64 : i32
    %roll3A_1946 = tpu.dynamic_rotate %select_n3A_1928 by %roll3A_1945 dim 1 : vector<32x128xf32>, i32 -> vector<32x128xf32>
    %select_n3A_1947 = arith.select %eq3A_1937, %roll3A_1944, %roll3A_1946 : vector<32x128xi1>, vector<32x128xf32>
    %eq3A_1948 = arith.xori %eq3A_1937, %eq3A_1804 : vector<32x128xi1>
    %eq3A_1949 = arith.constant dense<true> : vector<32x128xi1>
    %eq3A_1950 = arith.xori %eq3A_1948, %eq3A_1949 : vector<32x128xi1>
    %lt3A_1951 = arith.cmpf olt, %select_n3A_1942, %select_n3A_1927 : vector<32x128xf32>
    %and3A_1952 = arith.andi %eq3A_1950, %lt3A_1951 : vector<32x128xi1>
    %not3A_1953 = arith.constant dense<true> : vector<32x128xi1>
    %not3A_1954 = arith.xori %eq3A_1950, %not3A_1953 : vector<32x128xi1>
    %gt3A_1955 = arith.cmpf ogt, %select_n3A_1942, %select_n3A_1927 : vector<32x128xf32>
    %and3A_1956 = arith.andi %not3A_1954, %gt3A_1955 : vector<32x128xi1>
    %or3A_1957 = arith.ori %and3A_1952, %and3A_1956 : vector<32x128xi1>
    %select_n3A_1958 = arith.select %or3A_1957, %select_n3A_1942, %select_n3A_1927 : vector<32x128xi1>, vector<32x128xf32>
    %select_n3A_1959 = arith.select %or3A_1957, %select_n3A_1947, %select_n3A_1928 : vector<32x128xi1>, vector<32x128xf32>
    %shift_right_arithmetic3A_1960 = arith.constant 5 : i32
    %shift_right_arithmetic3A_1961 = vector.broadcast %shift_right_arithmetic3A_1960 : i32 to vector<32x128xi32>
    %shift_right_arithmetic3A_1962 = arith.shrsi %add3A, %shift_right_arithmetic3A_1961 : vector<32x128xi32>
    %and3A_1963 = arith.constant 1 : i32
    %and3A_1964 = vector.broadcast %and3A_1963 : i32 to vector<32x128xi32>
    %and3A_1965 = arith.andi %shift_right_arithmetic3A_1962, %and3A_1964 : vector<32x128xi32>
    %eq3A_1966 = arith.constant 0 : i32
    %eq3A_1967 = vector.broadcast %eq3A_1966 : i32 to vector<32x128xi32>
    %eq3A_1968 = arith.cmpi eq, %and3A_1965, %eq3A_1967 : vector<32x128xi32>
    %roll3A_1969 = arith.constant 96 : i32
    %roll3A_1970 = tpu.dynamic_rotate %select_n3A_1958 by %roll3A_1969 dim 1 : vector<32x128xf32>, i32 -> vector<32x128xf32>
    %roll3A_1971 = arith.constant 32 : i32
    %roll3A_1972 = tpu.dynamic_rotate %select_n3A_1958 by %roll3A_1971 dim 1 : vector<32x128xf32>, i32 -> vector<32x128xf32>
    %select_n3A_1973 = arith.select %eq3A_1968, %roll3A_1970, %roll3A_1972 : vector<32x128xi1>, vector<32x128xf32>
    %roll3A_1974 = arith.constant 96 : i32
    %roll3A_1975 = tpu.dynamic_rotate %select_n3A_1959 by %roll3A_1974 dim 1 : vector<32x128xf32>, i32 -> vector<32x128xf32>
    %roll3A_1976 = arith.constant 32 : i32
    %roll3A_1977 = tpu.dynamic_rotate %select_n3A_1959 by %roll3A_1976 dim 1 : vector<32x128xf32>, i32 -> vector<32x128xf32>
    %select_n3A_1978 = arith.select %eq3A_1968, %roll3A_1975, %roll3A_1977 : vector<32x128xi1>, vector<32x128xf32>
    %eq3A_1979 = arith.xori %eq3A_1968, %eq3A_1804 : vector<32x128xi1>
    %eq3A_1980 = arith.constant dense<true> : vector<32x128xi1>
    %eq3A_1981 = arith.xori %eq3A_1979, %eq3A_1980 : vector<32x128xi1>
    %lt3A_1982 = arith.cmpf olt, %select_n3A_1973, %select_n3A_1958 : vector<32x128xf32>
    %and3A_1983 = arith.andi %eq3A_1981, %lt3A_1982 : vector<32x128xi1>
    %not3A_1984 = arith.constant dense<true> : vector<32x128xi1>
    %not3A_1985 = arith.xori %eq3A_1981, %not3A_1984 : vector<32x128xi1>
    %gt3A_1986 = arith.cmpf ogt, %select_n3A_1973, %select_n3A_1958 : vector<32x128xf32>
    %and3A_1987 = arith.andi %not3A_1985, %gt3A_1986 : vector<32x128xi1>
    %or3A_1988 = arith.ori %and3A_1983, %and3A_1987 : vector<32x128xi1>
    %select_n3A_1989 = arith.select %or3A_1988, %select_n3A_1973, %select_n3A_1958 : vector<32x128xi1>, vector<32x128xf32>
    %select_n3A_1990 = arith.select %or3A_1988, %select_n3A_1978, %select_n3A_1959 : vector<32x128xi1>, vector<32x128xf32>
    %shift_right_arithmetic3A_1991 = arith.constant 4 : i32
    %shift_right_arithmetic3A_1992 = vector.broadcast %shift_right_arithmetic3A_1991 : i32 to vector<32x128xi32>
    %shift_right_arithmetic3A_1993 = arith.shrsi %add3A, %shift_right_arithmetic3A_1992 : vector<32x128xi32>
    %and3A_1994 = arith.constant 1 : i32
    %and3A_1995 = vector.broadcast %and3A_1994 : i32 to vector<32x128xi32>
    %and3A_1996 = arith.andi %shift_right_arithmetic3A_1993, %and3A_1995 : vector<32x128xi32>
    %eq3A_1997 = arith.constant 0 : i32
    %eq3A_1998 = vector.broadcast %eq3A_1997 : i32 to vector<32x128xi32>
    %eq3A_1999 = arith.cmpi eq, %and3A_1996, %eq3A_1998 : vector<32x128xi32>
    %roll3A_2000 = arith.constant 112 : i32
    %roll3A_2001 = tpu.dynamic_rotate %select_n3A_1989 by %roll3A_2000 dim 1 : vector<32x128xf32>, i32 -> vector<32x128xf32>
    %roll3A_2002 = arith.constant 16 : i32
    %roll3A_2003 = tpu.dynamic_rotate %select_n3A_1989 by %roll3A_2002 dim 1 : vector<32x128xf32>, i32 -> vector<32x128xf32>
    %select_n3A_2004 = arith.select %eq3A_1999, %roll3A_2001, %roll3A_2003 : vector<32x128xi1>, vector<32x128xf32>
    %roll3A_2005 = arith.constant 112 : i32
    %roll3A_2006 = tpu.dynamic_rotate %select_n3A_1990 by %roll3A_2005 dim 1 : vector<32x128xf32>, i32 -> vector<32x128xf32>
    %roll3A_2007 = arith.constant 16 : i32
    %roll3A_2008 = tpu.dynamic_rotate %select_n3A_1990 by %roll3A_2007 dim 1 : vector<32x128xf32>, i32 -> vector<32x128xf32>
    %select_n3A_2009 = arith.select %eq3A_1999, %roll3A_2006, %roll3A_2008 : vector<32x128xi1>, vector<32x128xf32>
    %eq3A_2010 = arith.xori %eq3A_1999, %eq3A_1804 : vector<32x128xi1>
    %eq3A_2011 = arith.constant dense<true> : vector<32x128xi1>
    %eq3A_2012 = arith.xori %eq3A_2010, %eq3A_2011 : vector<32x128xi1>
    %lt3A_2013 = arith.cmpf olt, %select_n3A_2004, %select_n3A_1989 : vector<32x128xf32>
    %and3A_2014 = arith.andi %eq3A_2012, %lt3A_2013 : vector<32x128xi1>
    %not3A_2015 = arith.constant dense<true> : vector<32x128xi1>
    %not3A_2016 = arith.xori %eq3A_2012, %not3A_2015 : vector<32x128xi1>
    %gt3A_2017 = arith.cmpf ogt, %select_n3A_2004, %select_n3A_1989 : vector<32x128xf32>
    %and3A_2018 = arith.andi %not3A_2016, %gt3A_2017 : vector<32x128xi1>
    %or3A_2019 = arith.ori %and3A_2014, %and3A_2018 : vector<32x128xi1>
    %select_n3A_2020 = arith.select %or3A_2019, %select_n3A_2004, %select_n3A_1989 : vector<32x128xi1>, vector<32x128xf32>
    %select_n3A_2021 = arith.select %or3A_2019, %select_n3A_2009, %select_n3A_1990 : vector<32x128xi1>, vector<32x128xf32>
    %shift_right_arithmetic3A_2022 = arith.constant 3 : i32
    %shift_right_arithmetic3A_2023 = vector.broadcast %shift_right_arithmetic3A_2022 : i32 to vector<32x128xi32>
    %shift_right_arithmetic3A_2024 = arith.shrsi %add3A, %shift_right_arithmetic3A_2023 : vector<32x128xi32>
    %and3A_2025 = arith.constant 1 : i32
    %and3A_2026 = vector.broadcast %and3A_2025 : i32 to vector<32x128xi32>
    %and3A_2027 = arith.andi %shift_right_arithmetic3A_2024, %and3A_2026 : vector<32x128xi32>
    %eq3A_2028 = arith.constant 0 : i32
    %eq3A_2029 = vector.broadcast %eq3A_2028 : i32 to vector<32x128xi32>
    %eq3A_2030 = arith.cmpi eq, %and3A_2027, %eq3A_2029 : vector<32x128xi32>
    %roll3A_2031 = arith.constant 120 : i32
    %roll3A_2032 = tpu.dynamic_rotate %select_n3A_2020 by %roll3A_2031 dim 1 : vector<32x128xf32>, i32 -> vector<32x128xf32>
    %roll3A_2033 = arith.constant 8 : i32
    %roll3A_2034 = tpu.dynamic_rotate %select_n3A_2020 by %roll3A_2033 dim 1 : vector<32x128xf32>, i32 -> vector<32x128xf32>
    %select_n3A_2035 = arith.select %eq3A_2030, %roll3A_2032, %roll3A_2034 : vector<32x128xi1>, vector<32x128xf32>
    %roll3A_2036 = arith.constant 120 : i32
    %roll3A_2037 = tpu.dynamic_rotate %select_n3A_2021 by %roll3A_2036 dim 1 : vector<32x128xf32>, i32 -> vector<32x128xf32>
    %roll3A_2038 = arith.constant 8 : i32
    %roll3A_2039 = tpu.dynamic_rotate %select_n3A_2021 by %roll3A_2038 dim 1 : vector<32x128xf32>, i32 -> vector<32x128xf32>
    %select_n3A_2040 = arith.select %eq3A_2030, %roll3A_2037, %roll3A_2039 : vector<32x128xi1>, vector<32x128xf32>
    %eq3A_2041 = arith.xori %eq3A_2030, %eq3A_1804 : vector<32x128xi1>
    %eq3A_2042 = arith.constant dense<true> : vector<32x128xi1>
    %eq3A_2043 = arith.xori %eq3A_2041, %eq3A_2042 : vector<32x128xi1>
    %lt3A_2044 = arith.cmpf olt, %select_n3A_2035, %select_n3A_2020 : vector<32x128xf32>
    %and3A_2045 = arith.andi %eq3A_2043, %lt3A_2044 : vector<32x128xi1>
    %not3A_2046 = arith.constant dense<true> : vector<32x128xi1>
    %not3A_2047 = arith.xori %eq3A_2043, %not3A_2046 : vector<32x128xi1>
    %gt3A_2048 = arith.cmpf ogt, %select_n3A_2035, %select_n3A_2020 : vector<32x128xf32>
    %and3A_2049 = arith.andi %not3A_2047, %gt3A_2048 : vector<32x128xi1>
    %or3A_2050 = arith.ori %and3A_2045, %and3A_2049 : vector<32x128xi1>
    %select_n3A_2051 = arith.select %or3A_2050, %select_n3A_2035, %select_n3A_2020 : vector<32x128xi1>, vector<32x128xf32>
    %select_n3A_2052 = arith.select %or3A_2050, %select_n3A_2040, %select_n3A_2021 : vector<32x128xi1>, vector<32x128xf32>
    %shift_right_arithmetic3A_2053 = arith.constant 2 : i32
    %shift_right_arithmetic3A_2054 = vector.broadcast %shift_right_arithmetic3A_2053 : i32 to vector<32x128xi32>
    %shift_right_arithmetic3A_2055 = arith.shrsi %add3A, %shift_right_arithmetic3A_2054 : vector<32x128xi32>
    %and3A_2056 = arith.constant 1 : i32
    %and3A_2057 = vector.broadcast %and3A_2056 : i32 to vector<32x128xi32>
    %and3A_2058 = arith.andi %shift_right_arithmetic3A_2055, %and3A_2057 : vector<32x128xi32>
    %eq3A_2059 = arith.constant 0 : i32
    %eq3A_2060 = vector.broadcast %eq3A_2059 : i32 to vector<32x128xi32>
    %eq3A_2061 = arith.cmpi eq, %and3A_2058, %eq3A_2060 : vector<32x128xi32>
    %roll3A_2062 = arith.constant 124 : i32
    %roll3A_2063 = tpu.dynamic_rotate %select_n3A_2051 by %roll3A_2062 dim 1 : vector<32x128xf32>, i32 -> vector<32x128xf32>
    %roll3A_2064 = arith.constant 4 : i32
    %roll3A_2065 = tpu.dynamic_rotate %select_n3A_2051 by %roll3A_2064 dim 1 : vector<32x128xf32>, i32 -> vector<32x128xf32>
    %select_n3A_2066 = arith.select %eq3A_2061, %roll3A_2063, %roll3A_2065 : vector<32x128xi1>, vector<32x128xf32>
    %roll3A_2067 = arith.constant 124 : i32
    %roll3A_2068 = tpu.dynamic_rotate %select_n3A_2052 by %roll3A_2067 dim 1 : vector<32x128xf32>, i32 -> vector<32x128xf32>
    %roll3A_2069 = arith.constant 4 : i32
    %roll3A_2070 = tpu.dynamic_rotate %select_n3A_2052 by %roll3A_2069 dim 1 : vector<32x128xf32>, i32 -> vector<32x128xf32>
    %select_n3A_2071 = arith.select %eq3A_2061, %roll3A_2068, %roll3A_2070 : vector<32x128xi1>, vector<32x128xf32>
    %eq3A_2072 = arith.xori %eq3A_2061, %eq3A_1804 : vector<32x128xi1>
    %eq3A_2073 = arith.constant dense<true> : vector<32x128xi1>
    %eq3A_2074 = arith.xori %eq3A_2072, %eq3A_2073 : vector<32x128xi1>
    %lt3A_2075 = arith.cmpf olt, %select_n3A_2066, %select_n3A_2051 : vector<32x128xf32>
    %and3A_2076 = arith.andi %eq3A_2074, %lt3A_2075 : vector<32x128xi1>
    %not3A_2077 = arith.constant dense<true> : vector<32x128xi1>
    %not3A_2078 = arith.xori %eq3A_2074, %not3A_2077 : vector<32x128xi1>
    %gt3A_2079 = arith.cmpf ogt, %select_n3A_2066, %select_n3A_2051 : vector<32x128xf32>
    %and3A_2080 = arith.andi %not3A_2078, %gt3A_2079 : vector<32x128xi1>
    %or3A_2081 = arith.ori %and3A_2076, %and3A_2080 : vector<32x128xi1>
    %select_n3A_2082 = arith.select %or3A_2081, %select_n3A_2066, %select_n3A_2051 : vector<32x128xi1>, vector<32x128xf32>
    %select_n3A_2083 = arith.select %or3A_2081, %select_n3A_2071, %select_n3A_2052 : vector<32x128xi1>, vector<32x128xf32>
    %shift_right_arithmetic3A_2084 = arith.constant 1 : i32
    %shift_right_arithmetic3A_2085 = vector.broadcast %shift_right_arithmetic3A_2084 : i32 to vector<32x128xi32>
    %shift_right_arithmetic3A_2086 = arith.shrsi %add3A, %shift_right_arithmetic3A_2085 : vector<32x128xi32>
    %and3A_2087 = arith.constant 1 : i32
    %and3A_2088 = vector.broadcast %and3A_2087 : i32 to vector<32x128xi32>
    %and3A_2089 = arith.andi %shift_right_arithmetic3A_2086, %and3A_2088 : vector<32x128xi32>
    %eq3A_2090 = arith.constant 0 : i32
    %eq3A_2091 = vector.broadcast %eq3A_2090 : i32 to vector<32x128xi32>
    %eq3A_2092 = arith.cmpi eq, %and3A_2089, %eq3A_2091 : vector<32x128xi32>
    %roll3A_2093 = arith.constant 126 : i32
    %roll3A_2094 = tpu.dynamic_rotate %select_n3A_2082 by %roll3A_2093 dim 1 : vector<32x128xf32>, i32 -> vector<32x128xf32>
    %roll3A_2095 = arith.constant 2 : i32
    %roll3A_2096 = tpu.dynamic_rotate %select_n3A_2082 by %roll3A_2095 dim 1 : vector<32x128xf32>, i32 -> vector<32x128xf32>
    %select_n3A_2097 = arith.select %eq3A_2092, %roll3A_2094, %roll3A_2096 : vector<32x128xi1>, vector<32x128xf32>
    %roll3A_2098 = arith.constant 126 : i32
    %roll3A_2099 = tpu.dynamic_rotate %select_n3A_2083 by %roll3A_2098 dim 1 : vector<32x128xf32>, i32 -> vector<32x128xf32>
    %roll3A_2100 = arith.constant 2 : i32
    %roll3A_2101 = tpu.dynamic_rotate %select_n3A_2083 by %roll3A_2100 dim 1 : vector<32x128xf32>, i32 -> vector<32x128xf32>
    %select_n3A_2102 = arith.select %eq3A_2092, %roll3A_2099, %roll3A_2101 : vector<32x128xi1>, vector<32x128xf32>
    %eq3A_2103 = arith.xori %eq3A_2092, %eq3A_1804 : vector<32x128xi1>
    %eq3A_2104 = arith.constant dense<true> : vector<32x128xi1>
    %eq3A_2105 = arith.xori %eq3A_2103, %eq3A_2104 : vector<32x128xi1>
    %lt3A_2106 = arith.cmpf olt, %select_n3A_2097, %select_n3A_2082 : vector<32x128xf32>
    %and3A_2107 = arith.andi %eq3A_2105, %lt3A_2106 : vector<32x128xi1>
    %not3A_2108 = arith.constant dense<true> : vector<32x128xi1>
    %not3A_2109 = arith.xori %eq3A_2105, %not3A_2108 : vector<32x128xi1>
    %gt3A_2110 = arith.cmpf ogt, %select_n3A_2097, %select_n3A_2082 : vector<32x128xf32>
    %and3A_2111 = arith.andi %not3A_2109, %gt3A_2110 : vector<32x128xi1>
    %or3A_2112 = arith.ori %and3A_2107, %and3A_2111 : vector<32x128xi1>
    %select_n3A_2113 = arith.select %or3A_2112, %select_n3A_2097, %select_n3A_2082 : vector<32x128xi1>, vector<32x128xf32>
    %select_n3A_2114 = arith.select %or3A_2112, %select_n3A_2102, %select_n3A_2083 : vector<32x128xi1>, vector<32x128xf32>
    %shift_right_arithmetic3A_2115 = arith.constant 0 : i32
    %shift_right_arithmetic3A_2116 = vector.broadcast %shift_right_arithmetic3A_2115 : i32 to vector<32x128xi32>
    %shift_right_arithmetic3A_2117 = arith.shrsi %add3A, %shift_right_arithmetic3A_2116 : vector<32x128xi32>
    %and3A_2118 = arith.constant 1 : i32
    %and3A_2119 = vector.broadcast %and3A_2118 : i32 to vector<32x128xi32>
    %and3A_2120 = arith.andi %shift_right_arithmetic3A_2117, %and3A_2119 : vector<32x128xi32>
    %eq3A_2121 = arith.constant 0 : i32
    %eq3A_2122 = vector.broadcast %eq3A_2121 : i32 to vector<32x128xi32>
    %eq3A_2123 = arith.cmpi eq, %and3A_2120, %eq3A_2122 : vector<32x128xi32>
    %roll3A_2124 = arith.constant 127 : i32
    %roll3A_2125 = tpu.dynamic_rotate %select_n3A_2113 by %roll3A_2124 dim 1 : vector<32x128xf32>, i32 -> vector<32x128xf32>
    %roll3A_2126 = arith.constant 1 : i32
    %roll3A_2127 = tpu.dynamic_rotate %select_n3A_2113 by %roll3A_2126 dim 1 : vector<32x128xf32>, i32 -> vector<32x128xf32>
    %select_n3A_2128 = arith.select %eq3A_2123, %roll3A_2125, %roll3A_2127 : vector<32x128xi1>, vector<32x128xf32>
    %roll3A_2129 = arith.constant 127 : i32
    %roll3A_2130 = tpu.dynamic_rotate %select_n3A_2114 by %roll3A_2129 dim 1 : vector<32x128xf32>, i32 -> vector<32x128xf32>
    %roll3A_2131 = arith.constant 1 : i32
    %roll3A_2132 = tpu.dynamic_rotate %select_n3A_2114 by %roll3A_2131 dim 1 : vector<32x128xf32>, i32 -> vector<32x128xf32>
    %select_n3A_2133 = arith.select %eq3A_2123, %roll3A_2130, %roll3A_2132 : vector<32x128xi1>, vector<32x128xf32>
    %eq3A_2134 = arith.xori %eq3A_2123, %eq3A_1804 : vector<32x128xi1>
    %eq3A_2135 = arith.constant dense<true> : vector<32x128xi1>
    %eq3A_2136 = arith.xori %eq3A_2134, %eq3A_2135 : vector<32x128xi1>
    %lt3A_2137 = arith.cmpf olt, %select_n3A_2128, %select_n3A_2113 : vector<32x128xf32>
    %and3A_2138 = arith.andi %eq3A_2136, %lt3A_2137 : vector<32x128xi1>
    %not3A_2139 = arith.constant dense<true> : vector<32x128xi1>
    %not3A_2140 = arith.xori %eq3A_2136, %not3A_2139 : vector<32x128xi1>
    %gt3A_2141 = arith.cmpf ogt, %select_n3A_2128, %select_n3A_2113 : vector<32x128xf32>
    %and3A_2142 = arith.andi %not3A_2140, %gt3A_2141 : vector<32x128xi1>
    %or3A_2143 = arith.ori %and3A_2138, %and3A_2142 : vector<32x128xi1>
    %select_n3A_2144 = arith.select %or3A_2143, %select_n3A_2128, %select_n3A_2113 : vector<32x128xi1>, vector<32x128xf32>
    %select_n3A_2145 = arith.select %or3A_2143, %select_n3A_2133, %select_n3A_2114 : vector<32x128xi1>, vector<32x128xf32>
    %shift_right_arithmetic3A_2146 = arith.constant 12 : i32
    %shift_right_arithmetic3A_2147 = vector.broadcast %shift_right_arithmetic3A_2146 : i32 to vector<32x128xi32>
    %shift_right_arithmetic3A_2148 = arith.shrsi %add3A, %shift_right_arithmetic3A_2147 : vector<32x128xi32>
    %and3A_2149 = arith.constant 1 : i32
    %and3A_2150 = vector.broadcast %and3A_2149 : i32 to vector<32x128xi32>
    %and3A_2151 = arith.andi %shift_right_arithmetic3A_2148, %and3A_2150 : vector<32x128xi32>
    %eq3A_2152 = arith.constant 0 : i32
    %eq3A_2153 = vector.broadcast %eq3A_2152 : i32 to vector<32x128xi32>
    %eq3A_2154 = arith.cmpi eq, %and3A_2151, %eq3A_2153 : vector<32x128xi32>
    %shift_right_arithmetic3A_2155 = arith.constant 11 : i32
    %shift_right_arithmetic3A_2156 = vector.broadcast %shift_right_arithmetic3A_2155 : i32 to vector<32x128xi32>
    %shift_right_arithmetic3A_2157 = arith.shrsi %add3A, %shift_right_arithmetic3A_2156 : vector<32x128xi32>
    %and3A_2158 = arith.constant 1 : i32
    %and3A_2159 = vector.broadcast %and3A_2158 : i32 to vector<32x128xi32>
    %and3A_2160 = arith.andi %shift_right_arithmetic3A_2157, %and3A_2159 : vector<32x128xi32>
    %eq3A_2161 = arith.constant 0 : i32
    %eq3A_2162 = vector.broadcast %eq3A_2161 : i32 to vector<32x128xi32>
    %eq3A_2163 = arith.cmpi eq, %and3A_2160, %eq3A_2162 : vector<32x128xi32>
    %roll3A_2164 = arith.constant 16 : i32
    %roll3A_2165 = tpu.dynamic_rotate %select_n3A_2144 by %roll3A_2164 dim 0 : vector<32x128xf32>, i32 -> vector<32x128xf32>
    %roll3A_2166 = arith.constant 16 : i32
    %roll3A_2167 = tpu.dynamic_rotate %select_n3A_2144 by %roll3A_2166 dim 0 : vector<32x128xf32>, i32 -> vector<32x128xf32>
    %select_n3A_2168 = arith.select %eq3A_2163, %roll3A_2165, %roll3A_2167 : vector<32x128xi1>, vector<32x128xf32>
    %roll3A_2169 = arith.constant 16 : i32
    %roll3A_2170 = tpu.dynamic_rotate %select_n3A_2145 by %roll3A_2169 dim 0 : vector<32x128xf32>, i32 -> vector<32x128xf32>
    %roll3A_2171 = arith.constant 16 : i32
    %roll3A_2172 = tpu.dynamic_rotate %select_n3A_2145 by %roll3A_2171 dim 0 : vector<32x128xf32>, i32 -> vector<32x128xf32>
    %select_n3A_2173 = arith.select %eq3A_2163, %roll3A_2170, %roll3A_2172 : vector<32x128xi1>, vector<32x128xf32>
    %eq3A_2174 = arith.xori %eq3A_2163, %eq3A_2154 : vector<32x128xi1>
    %eq3A_2175 = arith.constant dense<true> : vector<32x128xi1>
    %eq3A_2176 = arith.xori %eq3A_2174, %eq3A_2175 : vector<32x128xi1>
    %lt3A_2177 = arith.cmpf olt, %select_n3A_2168, %select_n3A_2144 : vector<32x128xf32>
    %and3A_2178 = arith.andi %eq3A_2176, %lt3A_2177 : vector<32x128xi1>
    %not3A_2179 = arith.constant dense<true> : vector<32x128xi1>
    %not3A_2180 = arith.xori %eq3A_2176, %not3A_2179 : vector<32x128xi1>
    %gt3A_2181 = arith.cmpf ogt, %select_n3A_2168, %select_n3A_2144 : vector<32x128xf32>
    %and3A_2182 = arith.andi %not3A_2180, %gt3A_2181 : vector<32x128xi1>
    %or3A_2183 = arith.ori %and3A_2178, %and3A_2182 : vector<32x128xi1>
    %select_n3A_2184 = arith.select %or3A_2183, %select_n3A_2168, %select_n3A_2144 : vector<32x128xi1>, vector<32x128xf32>
    %select_n3A_2185 = arith.select %or3A_2183, %select_n3A_2173, %select_n3A_2145 : vector<32x128xi1>, vector<32x128xf32>
    %shift_right_arithmetic3A_2186 = arith.constant 10 : i32
    %shift_right_arithmetic3A_2187 = vector.broadcast %shift_right_arithmetic3A_2186 : i32 to vector<32x128xi32>
    %shift_right_arithmetic3A_2188 = arith.shrsi %add3A, %shift_right_arithmetic3A_2187 : vector<32x128xi32>
    %and3A_2189 = arith.constant 1 : i32
    %and3A_2190 = vector.broadcast %and3A_2189 : i32 to vector<32x128xi32>
    %and3A_2191 = arith.andi %shift_right_arithmetic3A_2188, %and3A_2190 : vector<32x128xi32>
    %eq3A_2192 = arith.constant 0 : i32
    %eq3A_2193 = vector.broadcast %eq3A_2192 : i32 to vector<32x128xi32>
    %eq3A_2194 = arith.cmpi eq, %and3A_2191, %eq3A_2193 : vector<32x128xi32>
    %roll3A_2195 = arith.constant 24 : i32
    %roll3A_2196 = tpu.dynamic_rotate %select_n3A_2184 by %roll3A_2195 dim 0 : vector<32x128xf32>, i32 -> vector<32x128xf32>
    %roll3A_2197 = arith.constant 8 : i32
    %roll3A_2198 = tpu.dynamic_rotate %select_n3A_2184 by %roll3A_2197 dim 0 : vector<32x128xf32>, i32 -> vector<32x128xf32>
    %select_n3A_2199 = arith.select %eq3A_2194, %roll3A_2196, %roll3A_2198 : vector<32x128xi1>, vector<32x128xf32>
    %roll3A_2200 = arith.constant 24 : i32
    %roll3A_2201 = tpu.dynamic_rotate %select_n3A_2185 by %roll3A_2200 dim 0 : vector<32x128xf32>, i32 -> vector<32x128xf32>
    %roll3A_2202 = arith.constant 8 : i32
    %roll3A_2203 = tpu.dynamic_rotate %select_n3A_2185 by %roll3A_2202 dim 0 : vector<32x128xf32>, i32 -> vector<32x128xf32>
    %select_n3A_2204 = arith.select %eq3A_2194, %roll3A_2201, %roll3A_2203 : vector<32x128xi1>, vector<32x128xf32>
    %eq3A_2205 = arith.xori %eq3A_2194, %eq3A_2154 : vector<32x128xi1>
    %eq3A_2206 = arith.constant dense<true> : vector<32x128xi1>
    %eq3A_2207 = arith.xori %eq3A_2205, %eq3A_2206 : vector<32x128xi1>
    %lt3A_2208 = arith.cmpf olt, %select_n3A_2199, %select_n3A_2184 : vector<32x128xf32>
    %and3A_2209 = arith.andi %eq3A_2207, %lt3A_2208 : vector<32x128xi1>
    %not3A_2210 = arith.constant dense<true> : vector<32x128xi1>
    %not3A_2211 = arith.xori %eq3A_2207, %not3A_2210 : vector<32x128xi1>
    %gt3A_2212 = arith.cmpf ogt, %select_n3A_2199, %select_n3A_2184 : vector<32x128xf32>
    %and3A_2213 = arith.andi %not3A_2211, %gt3A_2212 : vector<32x128xi1>
    %or3A_2214 = arith.ori %and3A_2209, %and3A_2213 : vector<32x128xi1>
    %select_n3A_2215 = arith.select %or3A_2214, %select_n3A_2199, %select_n3A_2184 : vector<32x128xi1>, vector<32x128xf32>
    %select_n3A_2216 = arith.select %or3A_2214, %select_n3A_2204, %select_n3A_2185 : vector<32x128xi1>, vector<32x128xf32>
    %shift_right_arithmetic3A_2217 = arith.constant 9 : i32
    %shift_right_arithmetic3A_2218 = vector.broadcast %shift_right_arithmetic3A_2217 : i32 to vector<32x128xi32>
    %shift_right_arithmetic3A_2219 = arith.shrsi %add3A, %shift_right_arithmetic3A_2218 : vector<32x128xi32>
    %and3A_2220 = arith.constant 1 : i32
    %and3A_2221 = vector.broadcast %and3A_2220 : i32 to vector<32x128xi32>
    %and3A_2222 = arith.andi %shift_right_arithmetic3A_2219, %and3A_2221 : vector<32x128xi32>
    %eq3A_2223 = arith.constant 0 : i32
    %eq3A_2224 = vector.broadcast %eq3A_2223 : i32 to vector<32x128xi32>
    %eq3A_2225 = arith.cmpi eq, %and3A_2222, %eq3A_2224 : vector<32x128xi32>
    %roll3A_2226 = arith.constant 28 : i32
    %roll3A_2227 = tpu.dynamic_rotate %select_n3A_2215 by %roll3A_2226 dim 0 : vector<32x128xf32>, i32 -> vector<32x128xf32>
    %roll3A_2228 = arith.constant 4 : i32
    %roll3A_2229 = tpu.dynamic_rotate %select_n3A_2215 by %roll3A_2228 dim 0 : vector<32x128xf32>, i32 -> vector<32x128xf32>
    %select_n3A_2230 = arith.select %eq3A_2225, %roll3A_2227, %roll3A_2229 : vector<32x128xi1>, vector<32x128xf32>
    %roll3A_2231 = arith.constant 28 : i32
    %roll3A_2232 = tpu.dynamic_rotate %select_n3A_2216 by %roll3A_2231 dim 0 : vector<32x128xf32>, i32 -> vector<32x128xf32>
    %roll3A_2233 = arith.constant 4 : i32
    %roll3A_2234 = tpu.dynamic_rotate %select_n3A_2216 by %roll3A_2233 dim 0 : vector<32x128xf32>, i32 -> vector<32x128xf32>
    %select_n3A_2235 = arith.select %eq3A_2225, %roll3A_2232, %roll3A_2234 : vector<32x128xi1>, vector<32x128xf32>
    %eq3A_2236 = arith.xori %eq3A_2225, %eq3A_2154 : vector<32x128xi1>
    %eq3A_2237 = arith.constant dense<true> : vector<32x128xi1>
    %eq3A_2238 = arith.xori %eq3A_2236, %eq3A_2237 : vector<32x128xi1>
    %lt3A_2239 = arith.cmpf olt, %select_n3A_2230, %select_n3A_2215 : vector<32x128xf32>
    %and3A_2240 = arith.andi %eq3A_2238, %lt3A_2239 : vector<32x128xi1>
    %not3A_2241 = arith.constant dense<true> : vector<32x128xi1>
    %not3A_2242 = arith.xori %eq3A_2238, %not3A_2241 : vector<32x128xi1>
    %gt3A_2243 = arith.cmpf ogt, %select_n3A_2230, %select_n3A_2215 : vector<32x128xf32>
    %and3A_2244 = arith.andi %not3A_2242, %gt3A_2243 : vector<32x128xi1>
    %or3A_2245 = arith.ori %and3A_2240, %and3A_2244 : vector<32x128xi1>
    %select_n3A_2246 = arith.select %or3A_2245, %select_n3A_2230, %select_n3A_2215 : vector<32x128xi1>, vector<32x128xf32>
    %select_n3A_2247 = arith.select %or3A_2245, %select_n3A_2235, %select_n3A_2216 : vector<32x128xi1>, vector<32x128xf32>
    %shift_right_arithmetic3A_2248 = arith.constant 8 : i32
    %shift_right_arithmetic3A_2249 = vector.broadcast %shift_right_arithmetic3A_2248 : i32 to vector<32x128xi32>
    %shift_right_arithmetic3A_2250 = arith.shrsi %add3A, %shift_right_arithmetic3A_2249 : vector<32x128xi32>
    %and3A_2251 = arith.constant 1 : i32
    %and3A_2252 = vector.broadcast %and3A_2251 : i32 to vector<32x128xi32>
    %and3A_2253 = arith.andi %shift_right_arithmetic3A_2250, %and3A_2252 : vector<32x128xi32>
    %eq3A_2254 = arith.constant 0 : i32
    %eq3A_2255 = vector.broadcast %eq3A_2254 : i32 to vector<32x128xi32>
    %eq3A_2256 = arith.cmpi eq, %and3A_2253, %eq3A_2255 : vector<32x128xi32>
    %roll3A_2257 = arith.constant 30 : i32
    %roll3A_2258 = tpu.dynamic_rotate %select_n3A_2246 by %roll3A_2257 dim 0 : vector<32x128xf32>, i32 -> vector<32x128xf32>
    %roll3A_2259 = arith.constant 2 : i32
    %roll3A_2260 = tpu.dynamic_rotate %select_n3A_2246 by %roll3A_2259 dim 0 : vector<32x128xf32>, i32 -> vector<32x128xf32>
    %select_n3A_2261 = arith.select %eq3A_2256, %roll3A_2258, %roll3A_2260 : vector<32x128xi1>, vector<32x128xf32>
    %roll3A_2262 = arith.constant 30 : i32
    %roll3A_2263 = tpu.dynamic_rotate %select_n3A_2247 by %roll3A_2262 dim 0 : vector<32x128xf32>, i32 -> vector<32x128xf32>
    %roll3A_2264 = arith.constant 2 : i32
    %roll3A_2265 = tpu.dynamic_rotate %select_n3A_2247 by %roll3A_2264 dim 0 : vector<32x128xf32>, i32 -> vector<32x128xf32>
    %select_n3A_2266 = arith.select %eq3A_2256, %roll3A_2263, %roll3A_2265 : vector<32x128xi1>, vector<32x128xf32>
    %eq3A_2267 = arith.xori %eq3A_2256, %eq3A_2154 : vector<32x128xi1>
    %eq3A_2268 = arith.constant dense<true> : vector<32x128xi1>
    %eq3A_2269 = arith.xori %eq3A_2267, %eq3A_2268 : vector<32x128xi1>
    %lt3A_2270 = arith.cmpf olt, %select_n3A_2261, %select_n3A_2246 : vector<32x128xf32>
    %and3A_2271 = arith.andi %eq3A_2269, %lt3A_2270 : vector<32x128xi1>
    %not3A_2272 = arith.constant dense<true> : vector<32x128xi1>
    %not3A_2273 = arith.xori %eq3A_2269, %not3A_2272 : vector<32x128xi1>
    %gt3A_2274 = arith.cmpf ogt, %select_n3A_2261, %select_n3A_2246 : vector<32x128xf32>
    %and3A_2275 = arith.andi %not3A_2273, %gt3A_2274 : vector<32x128xi1>
    %or3A_2276 = arith.ori %and3A_2271, %and3A_2275 : vector<32x128xi1>
    %select_n3A_2277 = arith.select %or3A_2276, %select_n3A_2261, %select_n3A_2246 : vector<32x128xi1>, vector<32x128xf32>
    %select_n3A_2278 = arith.select %or3A_2276, %select_n3A_2266, %select_n3A_2247 : vector<32x128xi1>, vector<32x128xf32>
    %shift_right_arithmetic3A_2279 = arith.constant 7 : i32
    %shift_right_arithmetic3A_2280 = vector.broadcast %shift_right_arithmetic3A_2279 : i32 to vector<32x128xi32>
    %shift_right_arithmetic3A_2281 = arith.shrsi %add3A, %shift_right_arithmetic3A_2280 : vector<32x128xi32>
    %and3A_2282 = arith.constant 1 : i32
    %and3A_2283 = vector.broadcast %and3A_2282 : i32 to vector<32x128xi32>
    %and3A_2284 = arith.andi %shift_right_arithmetic3A_2281, %and3A_2283 : vector<32x128xi32>
    %eq3A_2285 = arith.constant 0 : i32
    %eq3A_2286 = vector.broadcast %eq3A_2285 : i32 to vector<32x128xi32>
    %eq3A_2287 = arith.cmpi eq, %and3A_2284, %eq3A_2286 : vector<32x128xi32>
    %roll3A_2288 = arith.constant 31 : i32
    %roll3A_2289 = tpu.dynamic_rotate %select_n3A_2277 by %roll3A_2288 dim 0 : vector<32x128xf32>, i32 -> vector<32x128xf32>
    %roll3A_2290 = arith.constant 1 : i32
    %roll3A_2291 = tpu.dynamic_rotate %select_n3A_2277 by %roll3A_2290 dim 0 : vector<32x128xf32>, i32 -> vector<32x128xf32>
    %select_n3A_2292 = arith.select %eq3A_2287, %roll3A_2289, %roll3A_2291 : vector<32x128xi1>, vector<32x128xf32>
    %roll3A_2293 = arith.constant 31 : i32
    %roll3A_2294 = tpu.dynamic_rotate %select_n3A_2278 by %roll3A_2293 dim 0 : vector<32x128xf32>, i32 -> vector<32x128xf32>
    %roll3A_2295 = arith.constant 1 : i32
    %roll3A_2296 = tpu.dynamic_rotate %select_n3A_2278 by %roll3A_2295 dim 0 : vector<32x128xf32>, i32 -> vector<32x128xf32>
    %select_n3A_2297 = arith.select %eq3A_2287, %roll3A_2294, %roll3A_2296 : vector<32x128xi1>, vector<32x128xf32>
    %eq3A_2298 = arith.xori %eq3A_2287, %eq3A_2154 : vector<32x128xi1>
    %eq3A_2299 = arith.constant dense<true> : vector<32x128xi1>
    %eq3A_2300 = arith.xori %eq3A_2298, %eq3A_2299 : vector<32x128xi1>
    %lt3A_2301 = arith.cmpf olt, %select_n3A_2292, %select_n3A_2277 : vector<32x128xf32>
    %and3A_2302 = arith.andi %eq3A_2300, %lt3A_2301 : vector<32x128xi1>
    %not3A_2303 = arith.constant dense<true> : vector<32x128xi1>
    %not3A_2304 = arith.xori %eq3A_2300, %not3A_2303 : vector<32x128xi1>
    %gt3A_2305 = arith.cmpf ogt, %select_n3A_2292, %select_n3A_2277 : vector<32x128xf32>
    %and3A_2306 = arith.andi %not3A_2304, %gt3A_2305 : vector<32x128xi1>
    %or3A_2307 = arith.ori %and3A_2302, %and3A_2306 : vector<32x128xi1>
    %select_n3A_2308 = arith.select %or3A_2307, %select_n3A_2292, %select_n3A_2277 : vector<32x128xi1>, vector<32x128xf32>
    %select_n3A_2309 = arith.select %or3A_2307, %select_n3A_2297, %select_n3A_2278 : vector<32x128xi1>, vector<32x128xf32>
    %shift_right_arithmetic3A_2310 = arith.constant 6 : i32
    %shift_right_arithmetic3A_2311 = vector.broadcast %shift_right_arithmetic3A_2310 : i32 to vector<32x128xi32>
    %shift_right_arithmetic3A_2312 = arith.shrsi %add3A, %shift_right_arithmetic3A_2311 : vector<32x128xi32>
    %and3A_2313 = arith.constant 1 : i32
    %and3A_2314 = vector.broadcast %and3A_2313 : i32 to vector<32x128xi32>
    %and3A_2315 = arith.andi %shift_right_arithmetic3A_2312, %and3A_2314 : vector<32x128xi32>
    %eq3A_2316 = arith.constant 0 : i32
    %eq3A_2317 = vector.broadcast %eq3A_2316 : i32 to vector<32x128xi32>
    %eq3A_2318 = arith.cmpi eq, %and3A_2315, %eq3A_2317 : vector<32x128xi32>
    %roll3A_2319 = arith.constant 64 : i32
    %roll3A_2320 = tpu.dynamic_rotate %select_n3A_2308 by %roll3A_2319 dim 1 : vector<32x128xf32>, i32 -> vector<32x128xf32>
    %roll3A_2321 = arith.constant 64 : i32
    %roll3A_2322 = tpu.dynamic_rotate %select_n3A_2308 by %roll3A_2321 dim 1 : vector<32x128xf32>, i32 -> vector<32x128xf32>
    %select_n3A_2323 = arith.select %eq3A_2318, %roll3A_2320, %roll3A_2322 : vector<32x128xi1>, vector<32x128xf32>
    %roll3A_2324 = arith.constant 64 : i32
    %roll3A_2325 = tpu.dynamic_rotate %select_n3A_2309 by %roll3A_2324 dim 1 : vector<32x128xf32>, i32 -> vector<32x128xf32>
    %roll3A_2326 = arith.constant 64 : i32
    %roll3A_2327 = tpu.dynamic_rotate %select_n3A_2309 by %roll3A_2326 dim 1 : vector<32x128xf32>, i32 -> vector<32x128xf32>
    %select_n3A_2328 = arith.select %eq3A_2318, %roll3A_2325, %roll3A_2327 : vector<32x128xi1>, vector<32x128xf32>
    %eq3A_2329 = arith.xori %eq3A_2318, %eq3A_2154 : vector<32x128xi1>
    %eq3A_2330 = arith.constant dense<true> : vector<32x128xi1>
    %eq3A_2331 = arith.xori %eq3A_2329, %eq3A_2330 : vector<32x128xi1>
    %lt3A_2332 = arith.cmpf olt, %select_n3A_2323, %select_n3A_2308 : vector<32x128xf32>
    %and3A_2333 = arith.andi %eq3A_2331, %lt3A_2332 : vector<32x128xi1>
    %not3A_2334 = arith.constant dense<true> : vector<32x128xi1>
    %not3A_2335 = arith.xori %eq3A_2331, %not3A_2334 : vector<32x128xi1>
    %gt3A_2336 = arith.cmpf ogt, %select_n3A_2323, %select_n3A_2308 : vector<32x128xf32>
    %and3A_2337 = arith.andi %not3A_2335, %gt3A_2336 : vector<32x128xi1>
    %or3A_2338 = arith.ori %and3A_2333, %and3A_2337 : vector<32x128xi1>
    %select_n3A_2339 = arith.select %or3A_2338, %select_n3A_2323, %select_n3A_2308 : vector<32x128xi1>, vector<32x128xf32>
    %select_n3A_2340 = arith.select %or3A_2338, %select_n3A_2328, %select_n3A_2309 : vector<32x128xi1>, vector<32x128xf32>
    %shift_right_arithmetic3A_2341 = arith.constant 5 : i32
    %shift_right_arithmetic3A_2342 = vector.broadcast %shift_right_arithmetic3A_2341 : i32 to vector<32x128xi32>
    %shift_right_arithmetic3A_2343 = arith.shrsi %add3A, %shift_right_arithmetic3A_2342 : vector<32x128xi32>
    %and3A_2344 = arith.constant 1 : i32
    %and3A_2345 = vector.broadcast %and3A_2344 : i32 to vector<32x128xi32>
    %and3A_2346 = arith.andi %shift_right_arithmetic3A_2343, %and3A_2345 : vector<32x128xi32>
    %eq3A_2347 = arith.constant 0 : i32
    %eq3A_2348 = vector.broadcast %eq3A_2347 : i32 to vector<32x128xi32>
    %eq3A_2349 = arith.cmpi eq, %and3A_2346, %eq3A_2348 : vector<32x128xi32>
    %roll3A_2350 = arith.constant 96 : i32
    %roll3A_2351 = tpu.dynamic_rotate %select_n3A_2339 by %roll3A_2350 dim 1 : vector<32x128xf32>, i32 -> vector<32x128xf32>
    %roll3A_2352 = arith.constant 32 : i32
    %roll3A_2353 = tpu.dynamic_rotate %select_n3A_2339 by %roll3A_2352 dim 1 : vector<32x128xf32>, i32 -> vector<32x128xf32>
    %select_n3A_2354 = arith.select %eq3A_2349, %roll3A_2351, %roll3A_2353 : vector<32x128xi1>, vector<32x128xf32>
    %roll3A_2355 = arith.constant 96 : i32
    %roll3A_2356 = tpu.dynamic_rotate %select_n3A_2340 by %roll3A_2355 dim 1 : vector<32x128xf32>, i32 -> vector<32x128xf32>
    %roll3A_2357 = arith.constant 32 : i32
    %roll3A_2358 = tpu.dynamic_rotate %select_n3A_2340 by %roll3A_2357 dim 1 : vector<32x128xf32>, i32 -> vector<32x128xf32>
    %select_n3A_2359 = arith.select %eq3A_2349, %roll3A_2356, %roll3A_2358 : vector<32x128xi1>, vector<32x128xf32>
    %eq3A_2360 = arith.xori %eq3A_2349, %eq3A_2154 : vector<32x128xi1>
    %eq3A_2361 = arith.constant dense<true> : vector<32x128xi1>
    %eq3A_2362 = arith.xori %eq3A_2360, %eq3A_2361 : vector<32x128xi1>
    %lt3A_2363 = arith.cmpf olt, %select_n3A_2354, %select_n3A_2339 : vector<32x128xf32>
    %and3A_2364 = arith.andi %eq3A_2362, %lt3A_2363 : vector<32x128xi1>
    %not3A_2365 = arith.constant dense<true> : vector<32x128xi1>
    %not3A_2366 = arith.xori %eq3A_2362, %not3A_2365 : vector<32x128xi1>
    %gt3A_2367 = arith.cmpf ogt, %select_n3A_2354, %select_n3A_2339 : vector<32x128xf32>
    %and3A_2368 = arith.andi %not3A_2366, %gt3A_2367 : vector<32x128xi1>
    %or3A_2369 = arith.ori %and3A_2364, %and3A_2368 : vector<32x128xi1>
    %select_n3A_2370 = arith.select %or3A_2369, %select_n3A_2354, %select_n3A_2339 : vector<32x128xi1>, vector<32x128xf32>
    %select_n3A_2371 = arith.select %or3A_2369, %select_n3A_2359, %select_n3A_2340 : vector<32x128xi1>, vector<32x128xf32>
    %shift_right_arithmetic3A_2372 = arith.constant 4 : i32
    %shift_right_arithmetic3A_2373 = vector.broadcast %shift_right_arithmetic3A_2372 : i32 to vector<32x128xi32>
    %shift_right_arithmetic3A_2374 = arith.shrsi %add3A, %shift_right_arithmetic3A_2373 : vector<32x128xi32>
    %and3A_2375 = arith.constant 1 : i32
    %and3A_2376 = vector.broadcast %and3A_2375 : i32 to vector<32x128xi32>
    %and3A_2377 = arith.andi %shift_right_arithmetic3A_2374, %and3A_2376 : vector<32x128xi32>
    %eq3A_2378 = arith.constant 0 : i32
    %eq3A_2379 = vector.broadcast %eq3A_2378 : i32 to vector<32x128xi32>
    %eq3A_2380 = arith.cmpi eq, %and3A_2377, %eq3A_2379 : vector<32x128xi32>
    %roll3A_2381 = arith.constant 112 : i32
    %roll3A_2382 = tpu.dynamic_rotate %select_n3A_2370 by %roll3A_2381 dim 1 : vector<32x128xf32>, i32 -> vector<32x128xf32>
    %roll3A_2383 = arith.constant 16 : i32
    %roll3A_2384 = tpu.dynamic_rotate %select_n3A_2370 by %roll3A_2383 dim 1 : vector<32x128xf32>, i32 -> vector<32x128xf32>
    %select_n3A_2385 = arith.select %eq3A_2380, %roll3A_2382, %roll3A_2384 : vector<32x128xi1>, vector<32x128xf32>
    %roll3A_2386 = arith.constant 112 : i32
    %roll3A_2387 = tpu.dynamic_rotate %select_n3A_2371 by %roll3A_2386 dim 1 : vector<32x128xf32>, i32 -> vector<32x128xf32>
    %roll3A_2388 = arith.constant 16 : i32
    %roll3A_2389 = tpu.dynamic_rotate %select_n3A_2371 by %roll3A_2388 dim 1 : vector<32x128xf32>, i32 -> vector<32x128xf32>
    %select_n3A_2390 = arith.select %eq3A_2380, %roll3A_2387, %roll3A_2389 : vector<32x128xi1>, vector<32x128xf32>
    %eq3A_2391 = arith.xori %eq3A_2380, %eq3A_2154 : vector<32x128xi1>
    %eq3A_2392 = arith.constant dense<true> : vector<32x128xi1>
    %eq3A_2393 = arith.xori %eq3A_2391, %eq3A_2392 : vector<32x128xi1>
    %lt3A_2394 = arith.cmpf olt, %select_n3A_2385, %select_n3A_2370 : vector<32x128xf32>
    %and3A_2395 = arith.andi %eq3A_2393, %lt3A_2394 : vector<32x128xi1>
    %not3A_2396 = arith.constant dense<true> : vector<32x128xi1>
    %not3A_2397 = arith.xori %eq3A_2393, %not3A_2396 : vector<32x128xi1>
    %gt3A_2398 = arith.cmpf ogt, %select_n3A_2385, %select_n3A_2370 : vector<32x128xf32>
    %and3A_2399 = arith.andi %not3A_2397, %gt3A_2398 : vector<32x128xi1>
    %or3A_2400 = arith.ori %and3A_2395, %and3A_2399 : vector<32x128xi1>
    %select_n3A_2401 = arith.select %or3A_2400, %select_n3A_2385, %select_n3A_2370 : vector<32x128xi1>, vector<32x128xf32>
    %select_n3A_2402 = arith.select %or3A_2400, %select_n3A_2390, %select_n3A_2371 : vector<32x128xi1>, vector<32x128xf32>
    %shift_right_arithmetic3A_2403 = arith.constant 3 : i32
    %shift_right_arithmetic3A_2404 = vector.broadcast %shift_right_arithmetic3A_2403 : i32 to vector<32x128xi32>
    %shift_right_arithmetic3A_2405 = arith.shrsi %add3A, %shift_right_arithmetic3A_2404 : vector<32x128xi32>
    %and3A_2406 = arith.constant 1 : i32
    %and3A_2407 = vector.broadcast %and3A_2406 : i32 to vector<32x128xi32>
    %and3A_2408 = arith.andi %shift_right_arithmetic3A_2405, %and3A_2407 : vector<32x128xi32>
    %eq3A_2409 = arith.constant 0 : i32
    %eq3A_2410 = vector.broadcast %eq3A_2409 : i32 to vector<32x128xi32>
    %eq3A_2411 = arith.cmpi eq, %and3A_2408, %eq3A_2410 : vector<32x128xi32>
    %roll3A_2412 = arith.constant 120 : i32
    %roll3A_2413 = tpu.dynamic_rotate %select_n3A_2401 by %roll3A_2412 dim 1 : vector<32x128xf32>, i32 -> vector<32x128xf32>
    %roll3A_2414 = arith.constant 8 : i32
    %roll3A_2415 = tpu.dynamic_rotate %select_n3A_2401 by %roll3A_2414 dim 1 : vector<32x128xf32>, i32 -> vector<32x128xf32>
    %select_n3A_2416 = arith.select %eq3A_2411, %roll3A_2413, %roll3A_2415 : vector<32x128xi1>, vector<32x128xf32>
    %roll3A_2417 = arith.constant 120 : i32
    %roll3A_2418 = tpu.dynamic_rotate %select_n3A_2402 by %roll3A_2417 dim 1 : vector<32x128xf32>, i32 -> vector<32x128xf32>
    %roll3A_2419 = arith.constant 8 : i32
    %roll3A_2420 = tpu.dynamic_rotate %select_n3A_2402 by %roll3A_2419 dim 1 : vector<32x128xf32>, i32 -> vector<32x128xf32>
    %select_n3A_2421 = arith.select %eq3A_2411, %roll3A_2418, %roll3A_2420 : vector<32x128xi1>, vector<32x128xf32>
    %eq3A_2422 = arith.xori %eq3A_2411, %eq3A_2154 : vector<32x128xi1>
    %eq3A_2423 = arith.constant dense<true> : vector<32x128xi1>
    %eq3A_2424 = arith.xori %eq3A_2422, %eq3A_2423 : vector<32x128xi1>
    %lt3A_2425 = arith.cmpf olt, %select_n3A_2416, %select_n3A_2401 : vector<32x128xf32>
    %and3A_2426 = arith.andi %eq3A_2424, %lt3A_2425 : vector<32x128xi1>
    %not3A_2427 = arith.constant dense<true> : vector<32x128xi1>
    %not3A_2428 = arith.xori %eq3A_2424, %not3A_2427 : vector<32x128xi1>
    %gt3A_2429 = arith.cmpf ogt, %select_n3A_2416, %select_n3A_2401 : vector<32x128xf32>
    %and3A_2430 = arith.andi %not3A_2428, %gt3A_2429 : vector<32x128xi1>
    %or3A_2431 = arith.ori %and3A_2426, %and3A_2430 : vector<32x128xi1>
    %select_n3A_2432 = arith.select %or3A_2431, %select_n3A_2416, %select_n3A_2401 : vector<32x128xi1>, vector<32x128xf32>
    %select_n3A_2433 = arith.select %or3A_2431, %select_n3A_2421, %select_n3A_2402 : vector<32x128xi1>, vector<32x128xf32>
    %shift_right_arithmetic3A_2434 = arith.constant 2 : i32
    %shift_right_arithmetic3A_2435 = vector.broadcast %shift_right_arithmetic3A_2434 : i32 to vector<32x128xi32>
    %shift_right_arithmetic3A_2436 = arith.shrsi %add3A, %shift_right_arithmetic3A_2435 : vector<32x128xi32>
    %and3A_2437 = arith.constant 1 : i32
    %and3A_2438 = vector.broadcast %and3A_2437 : i32 to vector<32x128xi32>
    %and3A_2439 = arith.andi %shift_right_arithmetic3A_2436, %and3A_2438 : vector<32x128xi32>
    %eq3A_2440 = arith.constant 0 : i32
    %eq3A_2441 = vector.broadcast %eq3A_2440 : i32 to vector<32x128xi32>
    %eq3A_2442 = arith.cmpi eq, %and3A_2439, %eq3A_2441 : vector<32x128xi32>
    %roll3A_2443 = arith.constant 124 : i32
    %roll3A_2444 = tpu.dynamic_rotate %select_n3A_2432 by %roll3A_2443 dim 1 : vector<32x128xf32>, i32 -> vector<32x128xf32>
    %roll3A_2445 = arith.constant 4 : i32
    %roll3A_2446 = tpu.dynamic_rotate %select_n3A_2432 by %roll3A_2445 dim 1 : vector<32x128xf32>, i32 -> vector<32x128xf32>
    %select_n3A_2447 = arith.select %eq3A_2442, %roll3A_2444, %roll3A_2446 : vector<32x128xi1>, vector<32x128xf32>
    %roll3A_2448 = arith.constant 124 : i32
    %roll3A_2449 = tpu.dynamic_rotate %select_n3A_2433 by %roll3A_2448 dim 1 : vector<32x128xf32>, i32 -> vector<32x128xf32>
    %roll3A_2450 = arith.constant 4 : i32
    %roll3A_2451 = tpu.dynamic_rotate %select_n3A_2433 by %roll3A_2450 dim 1 : vector<32x128xf32>, i32 -> vector<32x128xf32>
    %select_n3A_2452 = arith.select %eq3A_2442, %roll3A_2449, %roll3A_2451 : vector<32x128xi1>, vector<32x128xf32>
    %eq3A_2453 = arith.xori %eq3A_2442, %eq3A_2154 : vector<32x128xi1>
    %eq3A_2454 = arith.constant dense<true> : vector<32x128xi1>
    %eq3A_2455 = arith.xori %eq3A_2453, %eq3A_2454 : vector<32x128xi1>
    %lt3A_2456 = arith.cmpf olt, %select_n3A_2447, %select_n3A_2432 : vector<32x128xf32>
    %and3A_2457 = arith.andi %eq3A_2455, %lt3A_2456 : vector<32x128xi1>
    %not3A_2458 = arith.constant dense<true> : vector<32x128xi1>
    %not3A_2459 = arith.xori %eq3A_2455, %not3A_2458 : vector<32x128xi1>
    %gt3A_2460 = arith.cmpf ogt, %select_n3A_2447, %select_n3A_2432 : vector<32x128xf32>
    %and3A_2461 = arith.andi %not3A_2459, %gt3A_2460 : vector<32x128xi1>
    %or3A_2462 = arith.ori %and3A_2457, %and3A_2461 : vector<32x128xi1>
    %select_n3A_2463 = arith.select %or3A_2462, %select_n3A_2447, %select_n3A_2432 : vector<32x128xi1>, vector<32x128xf32>
    %select_n3A_2464 = arith.select %or3A_2462, %select_n3A_2452, %select_n3A_2433 : vector<32x128xi1>, vector<32x128xf32>
    %shift_right_arithmetic3A_2465 = arith.constant 1 : i32
    %shift_right_arithmetic3A_2466 = vector.broadcast %shift_right_arithmetic3A_2465 : i32 to vector<32x128xi32>
    %shift_right_arithmetic3A_2467 = arith.shrsi %add3A, %shift_right_arithmetic3A_2466 : vector<32x128xi32>
    %and3A_2468 = arith.constant 1 : i32
    %and3A_2469 = vector.broadcast %and3A_2468 : i32 to vector<32x128xi32>
    %and3A_2470 = arith.andi %shift_right_arithmetic3A_2467, %and3A_2469 : vector<32x128xi32>
    %eq3A_2471 = arith.constant 0 : i32
    %eq3A_2472 = vector.broadcast %eq3A_2471 : i32 to vector<32x128xi32>
    %eq3A_2473 = arith.cmpi eq, %and3A_2470, %eq3A_2472 : vector<32x128xi32>
    %roll3A_2474 = arith.constant 126 : i32
    %roll3A_2475 = tpu.dynamic_rotate %select_n3A_2463 by %roll3A_2474 dim 1 : vector<32x128xf32>, i32 -> vector<32x128xf32>
    %roll3A_2476 = arith.constant 2 : i32
    %roll3A_2477 = tpu.dynamic_rotate %select_n3A_2463 by %roll3A_2476 dim 1 : vector<32x128xf32>, i32 -> vector<32x128xf32>
    %select_n3A_2478 = arith.select %eq3A_2473, %roll3A_2475, %roll3A_2477 : vector<32x128xi1>, vector<32x128xf32>
    %roll3A_2479 = arith.constant 126 : i32
    %roll3A_2480 = tpu.dynamic_rotate %select_n3A_2464 by %roll3A_2479 dim 1 : vector<32x128xf32>, i32 -> vector<32x128xf32>
    %roll3A_2481 = arith.constant 2 : i32
    %roll3A_2482 = tpu.dynamic_rotate %select_n3A_2464 by %roll3A_2481 dim 1 : vector<32x128xf32>, i32 -> vector<32x128xf32>
    %select_n3A_2483 = arith.select %eq3A_2473, %roll3A_2480, %roll3A_2482 : vector<32x128xi1>, vector<32x128xf32>
    %eq3A_2484 = arith.xori %eq3A_2473, %eq3A_2154 : vector<32x128xi1>
    %eq3A_2485 = arith.constant dense<true> : vector<32x128xi1>
    %eq3A_2486 = arith.xori %eq3A_2484, %eq3A_2485 : vector<32x128xi1>
    %lt3A_2487 = arith.cmpf olt, %select_n3A_2478, %select_n3A_2463 : vector<32x128xf32>
    %and3A_2488 = arith.andi %eq3A_2486, %lt3A_2487 : vector<32x128xi1>
    %not3A_2489 = arith.constant dense<true> : vector<32x128xi1>
    %not3A_2490 = arith.xori %eq3A_2486, %not3A_2489 : vector<32x128xi1>
    %gt3A_2491 = arith.cmpf ogt, %select_n3A_2478, %select_n3A_2463 : vector<32x128xf32>
    %and3A_2492 = arith.andi %not3A_2490, %gt3A_2491 : vector<32x128xi1>
    %or3A_2493 = arith.ori %and3A_2488, %and3A_2492 : vector<32x128xi1>
    %select_n3A_2494 = arith.select %or3A_2493, %select_n3A_2478, %select_n3A_2463 : vector<32x128xi1>, vector<32x128xf32>
    %select_n3A_2495 = arith.select %or3A_2493, %select_n3A_2483, %select_n3A_2464 : vector<32x128xi1>, vector<32x128xf32>
    %shift_right_arithmetic3A_2496 = arith.constant 0 : i32
    %shift_right_arithmetic3A_2497 = vector.broadcast %shift_right_arithmetic3A_2496 : i32 to vector<32x128xi32>
    %shift_right_arithmetic3A_2498 = arith.shrsi %add3A, %shift_right_arithmetic3A_2497 : vector<32x128xi32>
    %and3A_2499 = arith.constant 1 : i32
    %and3A_2500 = vector.broadcast %and3A_2499 : i32 to vector<32x128xi32>
    %and3A_2501 = arith.andi %shift_right_arithmetic3A_2498, %and3A_2500 : vector<32x128xi32>
    %eq3A_2502 = arith.constant 0 : i32
    %eq3A_2503 = vector.broadcast %eq3A_2502 : i32 to vector<32x128xi32>
    %eq3A_2504 = arith.cmpi eq, %and3A_2501, %eq3A_2503 : vector<32x128xi32>
    %roll3A_2505 = arith.constant 127 : i32
    %roll3A_2506 = tpu.dynamic_rotate %select_n3A_2494 by %roll3A_2505 dim 1 : vector<32x128xf32>, i32 -> vector<32x128xf32>
    %roll3A_2507 = arith.constant 1 : i32
    %roll3A_2508 = tpu.dynamic_rotate %select_n3A_2494 by %roll3A_2507 dim 1 : vector<32x128xf32>, i32 -> vector<32x128xf32>
    %select_n3A_2509 = arith.select %eq3A_2504, %roll3A_2506, %roll3A_2508 : vector<32x128xi1>, vector<32x128xf32>
    %roll3A_2510 = arith.constant 127 : i32
    %roll3A_2511 = tpu.dynamic_rotate %select_n3A_2495 by %roll3A_2510 dim 1 : vector<32x128xf32>, i32 -> vector<32x128xf32>
    %roll3A_2512 = arith.constant 1 : i32
    %roll3A_2513 = tpu.dynamic_rotate %select_n3A_2495 by %roll3A_2512 dim 1 : vector<32x128xf32>, i32 -> vector<32x128xf32>
    %select_n3A_2514 = arith.select %eq3A_2504, %roll3A_2511, %roll3A_2513 : vector<32x128xi1>, vector<32x128xf32>
    %eq3A_2515 = arith.xori %eq3A_2504, %eq3A_2154 : vector<32x128xi1>
    %eq3A_2516 = arith.constant dense<true> : vector<32x128xi1>
    %eq3A_2517 = arith.xori %eq3A_2515, %eq3A_2516 : vector<32x128xi1>
    %lt3A_2518 = arith.cmpf olt, %select_n3A_2509, %select_n3A_2494 : vector<32x128xf32>
    %and3A_2519 = arith.andi %eq3A_2517, %lt3A_2518 : vector<32x128xi1>
    %not3A_2520 = arith.constant dense<true> : vector<32x128xi1>
    %not3A_2521 = arith.xori %eq3A_2517, %not3A_2520 : vector<32x128xi1>
    %gt3A_2522 = arith.cmpf ogt, %select_n3A_2509, %select_n3A_2494 : vector<32x128xf32>
    %and3A_2523 = arith.andi %not3A_2521, %gt3A_2522 : vector<32x128xi1>
    %or3A_2524 = arith.ori %and3A_2519, %and3A_2523 : vector<32x128xi1>
    %select_n3A_2525 = arith.select %or3A_2524, %select_n3A_2509, %select_n3A_2494 : vector<32x128xi1>, vector<32x128xf32>
    %select_n3A_2526 = arith.select %or3A_2524, %select_n3A_2514, %select_n3A_2495 : vector<32x128xi1>, vector<32x128xf32>
    %swap3A = arith.constant 0 : index
    %swap3A_2527 = arith.constant 0 : index
    %swap3A_2528 = vector.load %arg7[%swap3A, %swap3A_2527] : memref<32x128xf32, #tpu.memory_space<vmem>>, vector<32x128xf32>
    tpu.vector_store %arg7[%swap3A, %swap3A_2527], %select_n3A_2525 {strides = array<i32>} : memref<32x128xf32, #tpu.memory_space<vmem>>, vector<32x128xf32>,
    %swap3A_2529 = arith.constant 0 : index
    %swap3A_2530 = arith.constant 0 : index
    %swap3A_2531 = vector.load %arg8[%swap3A_2529, %swap3A_2530] : memref<32x128xf32, #tpu.memory_space<vmem>>, vector<32x128xf32>
    tpu.vector_store %arg8[%swap3A_2529, %swap3A_2530], %select_n3A_2526 {strides = array<i32>} : memref<32x128xf32, #tpu.memory_space<vmem>>, vector<32x128xf32>,
    %mul3A_2532 = arith.constant 128 : i32
    %mul3A_2533 = vector.broadcast %mul3A_2532 : i32 to vector<32x128xi32>
    %mul3A_2534 = arith.muli %iota3A_2, %mul3A_2533 : vector<32x128xi32>
    %add3A_2535 = arith.addi %mul3A_2534, %iota3A_1 : vector<32x128xi32>
    %eq3A_2536 = arith.constant 0 : i32
    %eq3A_2537 = vector.broadcast %eq3A_2536 : i32 to vector<32x128xi32>
    %eq3A_2538 = arith.cmpi eq, %add3A_2535, %eq3A_2537 : vector<32x128xi32>
    %roll3A_2539 = arith.constant 1 : i32
    %roll3A_2540 = tpu.dynamic_rotate %select_n3A_2525 by %roll3A_2539 dim 1 : vector<32x128xf32>, i32 -> vector<32x128xf32>
    %eq3A_2541 = arith.constant 0 : i32
    %eq3A_2542 = vector.broadcast %eq3A_2541 : i32 to vector<32x128xi32>
    %eq3A_2543 = arith.cmpi eq, %iota3A_1, %eq3A_2542 : vector<32x128xi32>
    %roll3A_2544 = arith.constant 1 : i32
    %roll3A_2545 = tpu.dynamic_rotate %roll3A_2540 by %roll3A_2544 dim 0 : vector<32x128xf32>, i32 -> vector<32x128xf32>
    %select_n3A_2546 = arith.select %eq3A_2543, %roll3A_2545, %roll3A_2540 : vector<32x128xi1>, vector<32x128xf32>
    %mul3A_2547 = arith.constant 128 : i32
    %mul3A_2548 = vector.broadcast %mul3A_2547 : i32 to vector<32x128xi32>
    %mul3A_2549 = arith.muli %iota3A_2, %mul3A_2548 : vector<32x128xi32>
    %add3A_2550 = arith.addi %mul3A_2549, %iota3A_1 : vector<32x128xi32>
    %eq3A_2551 = arith.constant 0 : i32
    %eq3A_2552 = vector.broadcast %eq3A_2551 : i32 to vector<32x128xi32>
    %eq3A_2553 = arith.cmpi eq, %add3A_2550, %eq3A_2552 : vector<32x128xi32>
    %jit3A = arith.constant 0xFF800000 : f32
    %broadcast_in_dim3A = vector.broadcast %jit3A : f32 to vector<32x128xf32>
    %select_n3A_2554 = arith.select %eq3A_2553, %broadcast_in_dim3A, %select_n3A_2546 : vector<32x128xi1>, vector<32x128xf32>
    %ne3A = arith.cmpf one, %select_n3A_2525, %select_n3A_2554 : vector<32x128xf32>
    %or3A_2555 = arith.ori %eq3A_2538, %ne3A : vector<32x128xi1>
    %convert_element_type3A = arith.extui %or3A_2555 : vector<32x128xi1> to vector<32x128xi32>
    %roll3A_2556 = arith.constant 1 : i32
    %roll3A_2557 = tpu.dynamic_rotate %convert_element_type3A by %roll3A_2556 dim 1 : vector<32x128xi32>, i32 -> vector<32x128xi32>
    %ge3A = arith.constant 1 : i32
    %ge3A_2558 = vector.broadcast %ge3A : i32 to vector<32x128xi32>
    %ge3A_2559 = arith.cmpi sge, %iota3A_1, %ge3A_2558 : vector<32x128xi32>
    %jit3A_2560 = arith.constant 0 : i32
    %broadcast_in_dim3A_2561 = vector.broadcast %jit3A_2560 : i32 to vector<32x128xi32>
    %select_n3A_2562 = arith.select %ge3A_2559, %roll3A_2557, %broadcast_in_dim3A_2561 : vector<32x128xi1>, vector<32x128xi32>
    %add3A_2563 = arith.addi %convert_element_type3A, %select_n3A_2562 : vector<32x128xi32>
    %roll3A_2564 = arith.constant 2 : i32
    %roll3A_2565 = tpu.dynamic_rotate %add3A_2563 by %roll3A_2564 dim 1 : vector<32x128xi32>, i32 -> vector<32x128xi32>
    %ge3A_2566 = arith.constant 2 : i32
    %ge3A_2567 = vector.broadcast %ge3A_2566 : i32 to vector<32x128xi32>
    %ge3A_2568 = arith.cmpi sge, %iota3A_1, %ge3A_2567 : vector<32x128xi32>
    %jit3A_2569 = arith.constant 0 : i32
    %broadcast_in_dim3A_2570 = vector.broadcast %jit3A_2569 : i32 to vector<32x128xi32>
    %select_n3A_2571 = arith.select %ge3A_2568, %roll3A_2565, %broadcast_in_dim3A_2570 : vector<32x128xi1>, vector<32x128xi32>
    %add3A_2572 = arith.addi %add3A_2563, %select_n3A_2571 : vector<32x128xi32>
    %roll3A_2573 = arith.constant 4 : i32
    %roll3A_2574 = tpu.dynamic_rotate %add3A_2572 by %roll3A_2573 dim 1 : vector<32x128xi32>, i32 -> vector<32x128xi32>
    %ge3A_2575 = arith.constant 4 : i32
    %ge3A_2576 = vector.broadcast %ge3A_2575 : i32 to vector<32x128xi32>
    %ge3A_2577 = arith.cmpi sge, %iota3A_1, %ge3A_2576 : vector<32x128xi32>
    %jit3A_2578 = arith.constant 0 : i32
    %broadcast_in_dim3A_2579 = vector.broadcast %jit3A_2578 : i32 to vector<32x128xi32>
    %select_n3A_2580 = arith.select %ge3A_2577, %roll3A_2574, %broadcast_in_dim3A_2579 : vector<32x128xi1>, vector<32x128xi32>
    %add3A_2581 = arith.addi %add3A_2572, %select_n3A_2580 : vector<32x128xi32>
    %roll3A_2582 = arith.constant 8 : i32
    %roll3A_2583 = tpu.dynamic_rotate %add3A_2581 by %roll3A_2582 dim 1 : vector<32x128xi32>, i32 -> vector<32x128xi32>
    %ge3A_2584 = arith.constant 8 : i32
    %ge3A_2585 = vector.broadcast %ge3A_2584 : i32 to vector<32x128xi32>
    %ge3A_2586 = arith.cmpi sge, %iota3A_1, %ge3A_2585 : vector<32x128xi32>
    %jit3A_2587 = arith.constant 0 : i32
    %broadcast_in_dim3A_2588 = vector.broadcast %jit3A_2587 : i32 to vector<32x128xi32>
    %select_n3A_2589 = arith.select %ge3A_2586, %roll3A_2583, %broadcast_in_dim3A_2588 : vector<32x128xi1>, vector<32x128xi32>
    %add3A_2590 = arith.addi %add3A_2581, %select_n3A_2589 : vector<32x128xi32>
    %roll3A_2591 = arith.constant 16 : i32
    %roll3A_2592 = tpu.dynamic_rotate %add3A_2590 by %roll3A_2591 dim 1 : vector<32x128xi32>, i32 -> vector<32x128xi32>
    %ge3A_2593 = arith.constant 16 : i32
    %ge3A_2594 = vector.broadcast %ge3A_2593 : i32 to vector<32x128xi32>
    %ge3A_2595 = arith.cmpi sge, %iota3A_1, %ge3A_2594 : vector<32x128xi32>
    %jit3A_2596 = arith.constant 0 : i32
    %broadcast_in_dim3A_2597 = vector.broadcast %jit3A_2596 : i32 to vector<32x128xi32>
    %select_n3A_2598 = arith.select %ge3A_2595, %roll3A_2592, %broadcast_in_dim3A_2597 : vector<32x128xi1>, vector<32x128xi32>
    %add3A_2599 = arith.addi %add3A_2590, %select_n3A_2598 : vector<32x128xi32>
    %roll3A_2600 = arith.constant 32 : i32
    %roll3A_2601 = tpu.dynamic_rotate %add3A_2599 by %roll3A_2600 dim 1 : vector<32x128xi32>, i32 -> vector<32x128xi32>
    %ge3A_2602 = arith.constant 32 : i32
    %ge3A_2603 = vector.broadcast %ge3A_2602 : i32 to vector<32x128xi32>
    %ge3A_2604 = arith.cmpi sge, %iota3A_1, %ge3A_2603 : vector<32x128xi32>
    %jit3A_2605 = arith.constant 0 : i32
    %broadcast_in_dim3A_2606 = vector.broadcast %jit3A_2605 : i32 to vector<32x128xi32>
    %select_n3A_2607 = arith.select %ge3A_2604, %roll3A_2601, %broadcast_in_dim3A_2606 : vector<32x128xi1>, vector<32x128xi32>
    %add3A_2608 = arith.addi %add3A_2599, %select_n3A_2607 : vector<32x128xi32>
    %roll3A_2609 = arith.constant 64 : i32
    %roll3A_2610 = tpu.dynamic_rotate %add3A_2608 by %roll3A_2609 dim 1 : vector<32x128xi32>, i32 -> vector<32x128xi32>
    %ge3A_2611 = arith.constant 64 : i32
    %ge3A_2612 = vector.broadcast %ge3A_2611 : i32 to vector<32x128xi32>
    %ge3A_2613 = arith.cmpi sge, %iota3A_1, %ge3A_2612 : vector<32x128xi32>
    %jit3A_2614 = arith.constant 0 : i32
    %broadcast_in_dim3A_2615 = vector.broadcast %jit3A_2614 : i32 to vector<32x128xi32>
    %select_n3A_2616 = arith.select %ge3A_2613, %roll3A_2610, %broadcast_in_dim3A_2615 : vector<32x128xi1>, vector<32x128xi32>
    %add3A_2617 = arith.addi %add3A_2608, %select_n3A_2616 : vector<32x128xi32>
    %slice3A = vector.extract_strided_slice %add3A_2617 {offsets = [0, 127], sizes = [32, 1], strides = [1, 1]} : vector<32x128xi32> to vector<32x1xi32>
    %roll3A_2618 = arith.constant 1 : i32
    %roll3A_2619 = tpu.dynamic_rotate %slice3A by %roll3A_2618 dim 0 : vector<32x1xi32>, i32 -> vector<32x1xi32>
    %ge3A_2620 = arith.constant 1 : i32
    %ge3A_2621 = vector.broadcast %ge3A_2620 : i32 to vector<32x1xi32>
    %ge3A_2622 = arith.cmpi sge, %iota3A_0, %ge3A_2621 : vector<32x1xi32>
    %jit3A_2623 = arith.constant 0 : i32
    %broadcast_in_dim3A_2624 = vector.broadcast %jit3A_2623 : i32 to vector<32x1xi32>
    %select_n3A_2625 = arith.select %ge3A_2622, %roll3A_2619, %broadcast_in_dim3A_2624 : vector<32x1xi1>, vector<32x1xi32>
    %add3A_2626 = arith.addi %slice3A, %select_n3A_2625 : vector<32x1xi32>
    %roll3A_2627 = arith.constant 2 : i32
    %roll3A_2628 = tpu.dynamic_rotate %add3A_2626 by %roll3A_2627 dim 0 : vector<32x1xi32>, i32 -> vector<32x1xi32>
    %ge3A_2629 = arith.constant 2 : i32
    %ge3A_2630 = vector.broadcast %ge3A_2629 : i32 to vector<32x1xi32>
    %ge3A_2631 = arith.cmpi sge, %iota3A_0, %ge3A_2630 : vector<32x1xi32>
    %jit3A_2632 = arith.constant 0 : i32
    %broadcast_in_dim3A_2633 = vector.broadcast %jit3A_2632 : i32 to vector<32x1xi32>
    %select_n3A_2634 = arith.select %ge3A_2631, %roll3A_2628, %broadcast_in_dim3A_2633 : vector<32x1xi1>, vector<32x1xi32>
    %add3A_2635 = arith.addi %add3A_2626, %select_n3A_2634 : vector<32x1xi32>
    %roll3A_2636 = arith.constant 4 : i32
    %roll3A_2637 = tpu.dynamic_rotate %add3A_2635 by %roll3A_2636 dim 0 : vector<32x1xi32>, i32 -> vector<32x1xi32>
    %ge3A_2638 = arith.constant 4 : i32
    %ge3A_2639 = vector.broadcast %ge3A_2638 : i32 to vector<32x1xi32>
    %ge3A_2640 = arith.cmpi sge, %iota3A_0, %ge3A_2639 : vector<32x1xi32>
    %jit3A_2641 = arith.constant 0 : i32
    %broadcast_in_dim3A_2642 = vector.broadcast %jit3A_2641 : i32 to vector<32x1xi32>
    %select_n3A_2643 = arith.select %ge3A_2640, %roll3A_2637, %broadcast_in_dim3A_2642 : vector<32x1xi1>, vector<32x1xi32>
    %add3A_2644 = arith.addi %add3A_2635, %select_n3A_2643 : vector<32x1xi32>
    %roll3A_2645 = arith.constant 8 : i32
    %roll3A_2646 = tpu.dynamic_rotate %add3A_2644 by %roll3A_2645 dim 0 : vector<32x1xi32>, i32 -> vector<32x1xi32>
    %ge3A_2647 = arith.constant 8 : i32
    %ge3A_2648 = vector.broadcast %ge3A_2647 : i32 to vector<32x1xi32>
    %ge3A_2649 = arith.cmpi sge, %iota3A_0, %ge3A_2648 : vector<32x1xi32>
    %jit3A_2650 = arith.constant 0 : i32
    %broadcast_in_dim3A_2651 = vector.broadcast %jit3A_2650 : i32 to vector<32x1xi32>
    %select_n3A_2652 = arith.select %ge3A_2649, %roll3A_2646, %broadcast_in_dim3A_2651 : vector<32x1xi1>, vector<32x1xi32>
    %add3A_2653 = arith.addi %add3A_2644, %select_n3A_2652 : vector<32x1xi32>
    %roll3A_2654 = arith.constant 16 : i32
    %roll3A_2655 = tpu.dynamic_rotate %add3A_2653 by %roll3A_2654 dim 0 : vector<32x1xi32>, i32 -> vector<32x1xi32>
    %ge3A_2656 = arith.constant 16 : i32
    %ge3A_2657 = vector.broadcast %ge3A_2656 : i32 to vector<32x1xi32>
    %ge3A_2658 = arith.cmpi sge, %iota3A_0, %ge3A_2657 : vector<32x1xi32>
    %jit3A_2659 = arith.constant 0 : i32
    %broadcast_in_dim3A_2660 = vector.broadcast %jit3A_2659 : i32 to vector<32x1xi32>
    %select_n3A_2661 = arith.select %ge3A_2658, %roll3A_2655, %broadcast_in_dim3A_2660 : vector<32x1xi1>, vector<32x1xi32>
    %add3A_2662 = arith.addi %add3A_2653, %select_n3A_2661 : vector<32x1xi32>
    %sub3A = arith.subi %add3A_2662, %slice3A : vector<32x1xi32>
    %add3A_2663 = vector.broadcast %sub3A : vector<32x1xi32> to vector<32x128xi32>
    %add3A_2664 = arith.addi %add3A_2617, %add3A_2663 : vector<32x128xi32>
    %sub3A_2665 = arith.constant 1 : i32
    %sub3A_2666 = vector.broadcast %sub3A_2665 : i32 to vector<32x128xi32>
    %sub3A_2667 = arith.subi %add3A_2664, %sub3A_2666 : vector<32x128xi32>
    %swap3A_2668 = arith.constant 0 : index
    %swap3A_2669 = arith.constant 0 : index
    %swap3A_2670 = vector.load %arg9[%swap3A_2668, %swap3A_2669] : memref<32x128xi32, #tpu.memory_space<vmem>>, vector<32x128xi32>
    tpu.vector_store %arg9[%swap3A_2668, %swap3A_2669], %sub3A_2667 {strides = array<i32>} : memref<32x128xi32, #tpu.memory_space<vmem>>, vector<32x128xi32>,
    %reduce_sum3A = arith.constant dense<0> : vector<32xi32>
    %reduce_sum3A_2671 = vector.multi_reduction <add>, %convert_element_type3A, %reduce_sum3A [1] : vector<32x128xi32> to vector<32xi32>
    %broadcast_in_dim3A_2672 = vector.shape_cast %reduce_sum3A_2671 : vector<32xi32> to vector<32x1xi32>
    %reduce_sum3A_2673 = arith.constant dense<0> : vector<1xi32>
    %reduce_sum3A_2674 = vector.multi_reduction <add>, %broadcast_in_dim3A_2672, %reduce_sum3A_2673 [0] : vector<32x1xi32> to vector<1xi32>
    %broadcast_in_dim3A_2675 = vector.shape_cast %reduce_sum3A_2674 : vector<1xi32> to vector<1x1xi32>
    %squeeze3A = vector.extract %broadcast_in_dim3A_2675[0, 0] : i32 from vector<1x1xi32>
    %sub3A_2676 = arith.constant 4096 : i32
    %sub3A_2677 = arith.subi %sub3A_2676, %squeeze3A : i32
    %add3A_2678 = arith.constant 511 : i32
    %add3A_2679 = arith.addi %add3A_2678, %sub3A_2677 : i32
    %jit3A_2680 = arith.constant 128 : i32
    %div3A = arith.divsi %add3A_2679, %jit3A_2680 : i32
    %sign3A = arith.constant 0 : i32
    %sign3A_2681 = arith.cmpi sgt, %add3A_2679, %sign3A : i32
    %sign3A_2682 = arith.extui %sign3A_2681 : i1 to i32
    %sign3A_2683 = arith.constant 0 : i32
    %sign3A_2684 = arith.cmpi slt, %add3A_2679, %sign3A_2683 : i32
    %sign3A_2685 = arith.extui %sign3A_2684 : i1 to i32
    %sign3A_2686 = arith.subi %sign3A_2682, %sign3A_2685 : i32
    %sign3A_2687 = arith.constant 0 : i32
    %sign3A_2688 = arith.cmpi sgt, %jit3A_2680, %sign3A_2687 : i32
    %sign3A_2689 = arith.extui %sign3A_2688 : i1 to i32
    %sign3A_2690 = arith.constant 0 : i32
    %sign3A_2691 = arith.cmpi slt, %jit3A_2680, %sign3A_2690 : i32
    %sign3A_2692 = arith.extui %sign3A_2691 : i1 to i32
    %sign3A_2693 = arith.subi %sign3A_2689, %sign3A_2692 : i32
    %ne3A_2694 = arith.cmpi ne, %sign3A_2686, %sign3A_2693 : i32
    %rem3A = arith.remsi %add3A_2679, %jit3A_2680 : i32
    %ne3A_2695 = arith.constant 0 : i32
    %ne3A_2696 = arith.cmpi ne, %rem3A, %ne3A_2695 : i32
    %and3A_2697 = arith.andi %ne3A_2694, %ne3A_2696 : i1
    %sub3A_2698 = arith.constant 1 : i32
    %sub3A_2699 = arith.subi %div3A, %sub3A_2698 : i32
    %select_n3A_2700 = arith.select %and3A_2697, %sub3A_2699, %div3A : i32
    %add3A_2701 = arith.constant 1 : i32
    %add3A_2702 = arith.addi %select_n3A_2700, %add3A_2701 : i32
    %scan3A = arith.constant 0xFF800000 : f32
    %scan3A_2703 = arith.constant 0x7F800000 : f32
    %scan3A_2704 = arith.constant 0 : i32
    %scan3A_2705 = arith.constant 8 : i32
    %scan3A_2706 = arith.addi %scan3A_2704, %scan3A_2705 : i32
    %scan3A_2707 = arith.constant 1 : i32
    scf.for %scan3A_2731 = %scan3A_2704 to %scan3A_2706 step %scan3A_2707  : i32 {
      %mul3A_2732 = arith.constant 512 : i32
      %mul3A_2733 = arith.muli %scan3A_2731, %mul3A_2732 : i32
      %add3A_2734 = vector.broadcast %mul3A_2733 : i32 to vector<512x1xi32>
      %add3A_2735 = arith.addi %add3A_2734, %iota3A : vector<512x1xi32>
      %mul3A_2736 = arith.constant 4 : i32
      %mul3A_2737 = arith.muli %scan3A_2731, %mul3A_2736 : i32
      %sub3A_2738 = arith.constant 32 : i32
      %sub3A_2739 = arith.subi %sub3A_2738, %mul3A_2737 : i32
      %min3A = arith.minsi %add3A_2702, %sub3A_2739 : i32
      %broadcast_in_dim3A_2740 = arith.constant 0.000000e+00 : f32
      %broadcast_in_dim3A_2741 = vector.broadcast %broadcast_in_dim3A_2740 : f32 to vector<512x1xf32>
      %broadcast_in_dim3A_2742 = arith.constant 0.000000e+00 : f32
      %broadcast_in_dim3A_2743 = vector.broadcast %broadcast_in_dim3A_2742 : f32 to vector<512x1xf32>
      %broadcast_in_dim3A_2744 = vector.broadcast %scan3A : f32 to vector<512x1xf32>
      %while3A = arith.constant 0 : i32
      %while3A_2745 = arith.subi %min3A, %while3A : i32
      %while3A_2746 = arith.addi %while3A, %while3A_2745 : i32
      %while3A_2747 = arith.constant 1 : i32
      %while3A_2748 = arith.divsi %while3A_2745, %while3A_2747 : i32
      %while3A_2749 = arith.muli %while3A_2748, %while3A_2747 : i32
      %while3A_2750 = arith.addi %while3A, %while3A_2749 : i32
      %while3A_2751 = arith.constant 1 : i32
      %while3A_2752:3 = scf.for %while3A_2772 = %while3A to %while3A_2750 step %while3A_2751 iter_args(%while3A_2773 = %broadcast_in_dim3A_2741, %while3A_2774 = %broadcast_in_dim3A_2743, %while3A_2775 = %broadcast_in_dim3A_2744) -> (vector<512x1xf32>, vector<512x1xf32>, vector<512x1xf32>)  : i32 {
        %add3A_2776 = arith.addi %mul3A_2737, %while3A_2772 : i32
        %get3A_2777 = arith.index_cast %add3A_2776 : i32 to index
        %get3A_2778 = arith.constant 0 : index
        %get3A_2779 = vector.load %arg9[%get3A_2777, %get3A_2778] : memref<32x128xi32, #tpu.memory_space<vmem>>, vector<1x128xi32>
        %eq3A_2780 = vector.broadcast %get3A_2779 : vector<1x128xi32> to vector<512x128xi32>
        %eq3A_2781 = vector.broadcast %add3A_2735 : vector<512x1xi32> to vector<512x128xi32>
        %eq3A_2782 = arith.cmpi eq, %eq3A_2780, %eq3A_2781 : vector<512x128xi32>
        %get3A_2783 = arith.index_cast %add3A_2776 : i32 to index
        %get3A_2784 = arith.constant 0 : index
        %get3A_2785 = vector.load %arg8[%get3A_2783, %get3A_2784] : memref<32x128xf32, #tpu.memory_space<vmem>>, vector<1x128xf32>
        %get3A_2786 = arith.index_cast %add3A_2776 : i32 to index
        %get3A_2787 = arith.constant 0 : index
        %get3A_2788 = vector.load %arg7[%get3A_2786, %get3A_2787] : memref<32x128xf32, #tpu.memory_space<vmem>>, vector<1x128xf32>
        %jit3A_2789 = arith.constant 1.000000e+00 : f32
        %jit3A_2790 = arith.constant 0.000000e+00 : f32
        %broadcast_in_dim3A_2791 = vector.broadcast %jit3A_2789 : f32 to vector<512x128xf32>
        %broadcast_in_dim3A_2792 = vector.broadcast %jit3A_2790 : f32 to vector<512x128xf32>
        %select_n3A_2793 = arith.select %eq3A_2782, %broadcast_in_dim3A_2791, %broadcast_in_dim3A_2792 : vector<512x128xi1>, vector<512x128xf32>
        %reduce_sum3A_2794 = arith.constant dense<0.000000e+00> : vector<512xf32>
        %reduce_sum3A_2795 = vector.multi_reduction <add>, %select_n3A_2793, %reduce_sum3A_2794 [1] : vector<512x128xf32> to vector<512xf32>
        %broadcast_in_dim3A_2796 = vector.shape_cast %reduce_sum3A_2795 : vector<512xf32> to vector<512x1xf32>
        %add3A_2797 = arith.addf %while3A_2773, %broadcast_in_dim3A_2796 : vector<512x1xf32>
        %jit3A_2798 = arith.constant 0.000000e+00 : f32
        %broadcast_in_dim3A_2799 = vector.shape_cast %get3A_2785 : vector<1x128xf32> to vector<1x128xf32>
        %broadcast_in_dim3A_2800 = vector.broadcast %broadcast_in_dim3A_2799 : vector<1x128xf32> to vector<512x128xf32>
        %broadcast_in_dim3A_2801 = vector.broadcast %jit3A_2798 : f32 to vector<512x128xf32>
        %select_n3A_2802 = arith.select %eq3A_2782, %broadcast_in_dim3A_2800, %broadcast_in_dim3A_2801 : vector<512x128xi1>, vector<512x128xf32>
        %reduce_sum3A_2803 = arith.constant dense<0.000000e+00> : vector<512xf32>
        %reduce_sum3A_2804 = vector.multi_reduction <add>, %select_n3A_2802, %reduce_sum3A_2803 [1] : vector<512x128xf32> to vector<512xf32>
        %broadcast_in_dim3A_2805 = vector.shape_cast %reduce_sum3A_2804 : vector<512xf32> to vector<512x1xf32>
        %add3A_2806 = arith.addf %while3A_2774, %broadcast_in_dim3A_2805 : vector<512x1xf32>
        %broadcast_in_dim3A_2807 = vector.shape_cast %get3A_2788 : vector<1x128xf32> to vector<1x128xf32>
        %broadcast_in_dim3A_2808 = vector.broadcast %broadcast_in_dim3A_2807 : vector<1x128xf32> to vector<512x128xf32>
        %broadcast_in_dim3A_2809 = vector.broadcast %scan3A : f32 to vector<512x128xf32>
        %select_n3A_2810 = arith.select %eq3A_2782, %broadcast_in_dim3A_2808, %broadcast_in_dim3A_2809 : vector<512x128xi1>, vector<512x128xf32>
        %reduce_max3A_2811 = arith.constant dense<0xFF800000> : vector<512xf32>
        %reduce_max3A_2812 = vector.multi_reduction <maximumf>, %select_n3A_2810, %reduce_max3A_2811 [1] : vector<512x128xf32> to vector<512xf32>
        %broadcast_in_dim3A_2813 = vector.shape_cast %reduce_max3A_2812 : vector<512xf32> to vector<512x1xf32>
        %max3A_2814 = arith.maximumf %while3A_2775, %broadcast_in_dim3A_2813 : vector<512x1xf32>
        scf.yield %add3A_2797, %add3A_2806, %max3A_2814 : vector<512x1xf32>, vector<512x1xf32>, vector<512x1xf32>
      }
      %while3A_2753 = arith.constant 1 : i32
      %while3A_2754:3 = scf.for %while3A_2772 = %while3A_2750 to %while3A_2746 step %while3A_2753 iter_args(%while3A_2773 = %while3A_2752#0, %while3A_2774 = %while3A_2752#1, %while3A_2775 = %while3A_2752#2) -> (vector<512x1xf32>, vector<512x1xf32>, vector<512x1xf32>)  : i32 {
        %add3A_2776 = arith.addi %mul3A_2737, %while3A_2772 : i32
        %get3A_2777 = arith.index_cast %add3A_2776 : i32 to index
        %get3A_2778 = arith.constant 0 : index
        %get3A_2779 = vector.load %arg9[%get3A_2777, %get3A_2778] : memref<32x128xi32, #tpu.memory_space<vmem>>, vector<1x128xi32>
        %eq3A_2780 = vector.broadcast %get3A_2779 : vector<1x128xi32> to vector<512x128xi32>
        %eq3A_2781 = vector.broadcast %add3A_2735 : vector<512x1xi32> to vector<512x128xi32>
        %eq3A_2782 = arith.cmpi eq, %eq3A_2780, %eq3A_2781 : vector<512x128xi32>
        %get3A_2783 = arith.index_cast %add3A_2776 : i32 to index
        %get3A_2784 = arith.constant 0 : index
        %get3A_2785 = vector.load %arg8[%get3A_2783, %get3A_2784] : memref<32x128xf32, #tpu.memory_space<vmem>>, vector<1x128xf32>
        %get3A_2786 = arith.index_cast %add3A_2776 : i32 to index
        %get3A_2787 = arith.constant 0 : index
        %get3A_2788 = vector.load %arg7[%get3A_2786, %get3A_2787] : memref<32x128xf32, #tpu.memory_space<vmem>>, vector<1x128xf32>
        %jit3A_2789 = arith.constant 1.000000e+00 : f32
        %jit3A_2790 = arith.constant 0.000000e+00 : f32
        %broadcast_in_dim3A_2791 = vector.broadcast %jit3A_2789 : f32 to vector<512x128xf32>
        %broadcast_in_dim3A_2792 = vector.broadcast %jit3A_2790 : f32 to vector<512x128xf32>
        %select_n3A_2793 = arith.select %eq3A_2782, %broadcast_in_dim3A_2791, %broadcast_in_dim3A_2792 : vector<512x128xi1>, vector<512x128xf32>
        %reduce_sum3A_2794 = arith.constant dense<0.000000e+00> : vector<512xf32>
        %reduce_sum3A_2795 = vector.multi_reduction <add>, %select_n3A_2793, %reduce_sum3A_2794 [1] : vector<512x128xf32> to vector<512xf32>
        %broadcast_in_dim3A_2796 = vector.shape_cast %reduce_sum3A_2795 : vector<512xf32> to vector<512x1xf32>
        %add3A_2797 = arith.addf %while3A_2773, %broadcast_in_dim3A_2796 : vector<512x1xf32>
        %jit3A_2798 = arith.constant 0.000000e+00 : f32
        %broadcast_in_dim3A_2799 = vector.shape_cast %get3A_2785 : vector<1x128xf32> to vector<1x128xf32>
        %broadcast_in_dim3A_2800 = vector.broadcast %broadcast_in_dim3A_2799 : vector<1x128xf32> to vector<512x128xf32>
        %broadcast_in_dim3A_2801 = vector.broadcast %jit3A_2798 : f32 to vector<512x128xf32>
        %select_n3A_2802 = arith.select %eq3A_2782, %broadcast_in_dim3A_2800, %broadcast_in_dim3A_2801 : vector<512x128xi1>, vector<512x128xf32>
        %reduce_sum3A_2803 = arith.constant dense<0.000000e+00> : vector<512xf32>
        %reduce_sum3A_2804 = vector.multi_reduction <add>, %select_n3A_2802, %reduce_sum3A_2803 [1] : vector<512x128xf32> to vector<512xf32>
        %broadcast_in_dim3A_2805 = vector.shape_cast %reduce_sum3A_2804 : vector<512xf32> to vector<512x1xf32>
        %add3A_2806 = arith.addf %while3A_2774, %broadcast_in_dim3A_2805 : vector<512x1xf32>
        %broadcast_in_dim3A_2807 = vector.shape_cast %get3A_2788 : vector<1x128xf32> to vector<1x128xf32>
        %broadcast_in_dim3A_2808 = vector.broadcast %broadcast_in_dim3A_2807 : vector<1x128xf32> to vector<512x128xf32>
        %broadcast_in_dim3A_2809 = vector.broadcast %scan3A : f32 to vector<512x128xf32>
        %select_n3A_2810 = arith.select %eq3A_2782, %broadcast_in_dim3A_2808, %broadcast_in_dim3A_2809 : vector<512x128xi1>, vector<512x128xf32>
        %reduce_max3A_2811 = arith.constant dense<0xFF800000> : vector<512xf32>
        %reduce_max3A_2812 = vector.multi_reduction <maximumf>, %select_n3A_2810, %reduce_max3A_2811 [1] : vector<512x128xf32> to vector<512xf32>
        %broadcast_in_dim3A_2813 = vector.shape_cast %reduce_max3A_2812 : vector<512xf32> to vector<512x1xf32>
        %max3A_2814 = arith.maximumf %while3A_2775, %broadcast_in_dim3A_2813 : vector<512x1xf32>
        scf.yield %add3A_2797, %add3A_2806, %max3A_2814 : vector<512x1xf32>, vector<512x1xf32>, vector<512x1xf32>
      }
      %max3A = arith.constant 1.000000e+00 : f32
      %max3A_2755 = vector.broadcast %max3A : f32 to vector<512x1xf32>
      %max3A_2756 = arith.maximumf %while3A_2754#0, %max3A_2755 : vector<512x1xf32>
      %div3A_2757 = arith.divf %while3A_2754#1, %max3A_2756 : vector<512x1xf32>
      %mul3A_2758 = arith.constant 512 : i32
      %mul3A_2759 = arith.muli %scan3A_2731, %mul3A_2758 : i32
      %swap3A_2760 = arith.index_cast %mul3A_2759 : i32 to index
      %swap3A_2761 = arith.constant 0 : index
      %swap3A_2762 = vector.load %arg3[%swap3A_2760, %swap3A_2761] : memref<4096x1xf32, #tpu.memory_space<vmem>>, vector<512x1xf32>
      tpu.vector_store %arg3[%swap3A_2760, %swap3A_2761], %div3A_2757 {strides = array<i32>} : memref<4096x1xf32, #tpu.memory_space<vmem>>, vector<512x1xf32>,
      %ge3A_2763 = vector.broadcast %broadcast_in_dim3A_2675 : vector<1x1xi32> to vector<512x1xi32>
      %ge3A_2764 = arith.cmpi sge, %add3A_2735, %ge3A_2763 : vector<512x1xi32>
      %broadcast_in_dim3A_2765 = vector.broadcast %scan3A_2703 : f32 to vector<512x1xf32>
      %select_n3A_2766 = arith.select %ge3A_2764, %broadcast_in_dim3A_2765, %while3A_2754#2 : vector<512x1xi1>, vector<512x1xf32>
      %mul3A_2767 = arith.constant 512 : i32
      %mul3A_2768 = arith.muli %scan3A_2731, %mul3A_2767 : i32
      %swap3A_2769 = arith.index_cast %mul3A_2768 : i32 to index
      %swap3A_2770 = arith.constant 0 : index
      %swap3A_2771 = vector.load %arg2[%swap3A_2769, %swap3A_2770] : memref<4096x1xf32, #tpu.memory_space<vmem>>, vector<512x1xf32>
      tpu.vector_store %arg2[%swap3A_2769, %swap3A_2770], %select_n3A_2766 {strides = array<i32>} : memref<4096x1xf32, #tpu.memory_space<vmem>>, vector<512x1xf32>,
    }
    %scan3A_2708 = arith.constant 8 : i32
    %swap3A_2709 = arith.constant 0 : index
    %swap3A_2710 = arith.constant 0 : index
    %swap3A_2711 = vector.load %arg4[%swap3A_2709, %swap3A_2710] : memref<1x1xi32, #tpu.memory_space<vmem>>, vector<1x1xi32>
    tpu.vector_store %arg4[%swap3A_2709, %swap3A_2710], %broadcast_in_dim3A_2675 {strides = array<i32>} : memref<1x1xi32, #tpu.memory_space<vmem>>, vector<1x1xi32>,
    %get3A_2712 = arith.constant 0 : index
    %get3A_2713 = arith.constant 0 : index
    %get3A_2714 = vector.load %arg0[%get3A_2712, %get3A_2713] : memref<32x128xf32, #tpu.memory_space<vmem>>, vector<32x128xf32>
    %reduce_min3A = arith.constant dense<0x7F800000> : vector<32xf32>
    %reduce_min3A_2715 = vector.multi_reduction <minimumf>, %get3A_2714, %reduce_min3A [1] : vector<32x128xf32> to vector<32xf32>
    %broadcast_in_dim3A_2716 = vector.shape_cast %reduce_min3A_2715 : vector<32xf32> to vector<32x1xf32>
    %reduce_min3A_2717 = arith.constant dense<0x7F800000> : vector<1xf32>
    %reduce_min3A_2718 = vector.multi_reduction <minimumf>, %broadcast_in_dim3A_2716, %reduce_min3A_2717 [0] : vector<32x1xf32> to vector<1xf32>
    %broadcast_in_dim3A_2719 = vector.shape_cast %reduce_min3A_2718 : vector<1xf32> to vector<1x1xf32>
    %swap3A_2720 = arith.constant 0 : index
    %swap3A_2721 = arith.constant 0 : index
    %swap3A_2722 = vector.load %arg5[%swap3A_2720, %swap3A_2721] : memref<1x1xf32, #tpu.memory_space<vmem>>, vector<1x1xf32>
    tpu.vector_store %arg5[%swap3A_2720, %swap3A_2721], %broadcast_in_dim3A_2719 {strides = array<i32>} : memref<1x1xf32, #tpu.memory_space<vmem>>, vector<1x1xf32>,
    %reduce_max3A = arith.constant dense<0xFF800000> : vector<32xf32>
    %reduce_max3A_2723 = vector.multi_reduction <maximumf>, %get3A_2714, %reduce_max3A [1] : vector<32x128xf32> to vector<32xf32>
    %broadcast_in_dim3A_2724 = vector.shape_cast %reduce_max3A_2723 : vector<32xf32> to vector<32x1xf32>
    %reduce_max3A_2725 = arith.constant dense<0xFF800000> : vector<1xf32>
    %reduce_max3A_2726 = vector.multi_reduction <maximumf>, %broadcast_in_dim3A_2724, %reduce_max3A_2725 [0] : vector<32x1xf32> to vector<1xf32>
    %broadcast_in_dim3A_2727 = vector.shape_cast %reduce_max3A_2726 : vector<1xf32> to vector<1x1xf32>
    %swap3A_2728 = arith.constant 0 : index
    %swap3A_2729 = arith.constant 0 : index
    %swap3A_2730 = vector.load %arg6[%swap3A_2728, %swap3A_2729] : memref<1x1xf32, #tpu.memory_space<vmem>>, vector<1x1xf32>
    tpu.vector_store %arg6[%swap3A_2728, %swap3A_2729], %broadcast_in_dim3A_2727 {strides = array<i32>} : memref<1x1xf32, #tpu.memory_space<vmem>>, vector<1x1xf32>,
    return
  }
}

</mosaic_0001>

<sc_bundles>
// kernel: kernel.5.cloned.1.call-start
scs
__scs_entry_jumppad:
0x0: {  	(pc) =	sbr.rel $0x88, $3  }
0x1: {  	(tag) =	ssettag $0x0;
	lr =	simm.s32 $0x1  }
0x2: {  	[smem:$0x3F9E] =	sst lr;
	_ =	strace $0xD0000000  }
0x3: {  	_ = 	snop  }
0x4: {  	_ = 	snop  }
0x5: {  	_ = 	snop  }
0x6: {  	_ = 	snop  }
0x7: {  	_ = 	snop  }
__scs_overlays_trampoline_lowered:
0x8: {  	[smem:$0x3FAD] =	sst s0  }
0x9: {  	[smem:$0x3FAE] =	sst s1  }
0xa: {  	[smem:$0x3FAF] =	sst s2  }
0xb: {  	[smem:$0x3FB0] =	sst s3  }
0xc: {  	[smem:$0x3FB1] =	sst s4  }
0xd: {  	[smem:$0x3FB2] =	sst s5  }
0xe: {  	[smem:$0x3FB3] =	sst s6  }
0xf: {  	[smem:$0x3FB4] =	sst s7  }
0x10: {  	[smem:$0x3FB5] =	sst s8  }
0x11: {  	[smem:$0x3FB6] =	sst s9;
	s0 =	simm.s32 @!p0 $0x0  }
0x12: {  	s1 =	sld [smem:$0x3F9C];
	s0 =	simm.s32 @p0 $0x1  }
0x13: {  	[smem:$0x3FB7] =	sst s0;
	s0 =	simm.s32 @!p1 $0x0  }
0x14: {  	s2 =	sld [smem:$0x3F9B];
	s0 =	simm.s32 @p1 $0x1  }
0x15: {  	[smem:$0x3FB8] =	sst s0;
	s0 =	simm.s32 @!p2 $0x0  }
0x16: {  	s3 =	sld [smem:$0x3FDB];
	s0 =	simm.s32 @p2 $0x1  }
0x17: {  	s4 =	simm.s32 $0x1BF5;
	[smem:$0x3FBA] =	sst s0  }
0x18: {  	s0 =	sld [smem:$0x3F9D];
	_ =	swait.ge [sflag:s4], $0x0  }
0x19: {  	s7 =	sld [smem:$0x3F9E]  }
0x1a: {  	s8 =	sadd.s32 $0xFFFFE003, lr  }
0x1b: {  	s9 =	sadd.s32 $0xFFFFFEF7, lr;
	s5 =	simm.s32 $0xFFFFFFFF;
	p2 =	slt.u32 s8, $0xFFFFF086  }
0x1c: {  	p1 =	slt.u32 s9, $0xF7A;
	s5 =	simm.s32 @!p2 $0x0  }
0x1d: {  	s5 =	simm.s32 @p1 $0x1;
	p0 =	seq.s32 s7, s2  }
0x1e: {  	s7 =	smul.u32 @!p0 $0xF7A, s2;
	p2 =	seq.s32 @!p0 s5, $0x0  }
0x1f: {  	s9 =	smul.u32 $0xF7A, s1;
	s8 =	simm.s32 @!p0 $0x1BF5;
	p2 =	por !p2, p0  }
0x20: {  	[sflag:s8] =	ssyncset.s32 @!p0 $0xFFFFF086;
	s6 =	sadd.s32 @!p0 s3, s7;
	s7 =	simm.s32 @!p0 $0x108  }
0x21: {  	s3 =	sadd.s32 s3, s9;
	s6 =	sadd.s32 @!p0 $0x88, s6;
	s7 =	simm.s32 @p2 $0x1082  }
0x22: {  	[simem:s7], [sflag:s8] =	dma.local @!p0 [hbm:s6], $0xF7A  }
0x23: {  	s9 =	sor.u32 $0xD0000000, s2;
	s6 =	simm.s32 $0x108;
	_ =	swait.ge @!p0 [sflag:s8], $0x0  }
0x24: {  	s3 =	sadd.s32 $0x88, s3;
	s6 =	simm.s32 @!p1 $0x1082;
	[sflag:s4] =	ssyncset.s32 $0xFFFFF086  }
0x25: {  	[simem:s6], [sflag:s4] =	dma.local [hbm:s3], $0xF7A  }
0x26: {  	[smem:$0x3F9E] =	sst s1;
	(tag) =	ssettag s2;
	_ =	strace s9  }
0x27: {  	s1 =	sld [smem:$0x3FAE]  }
0x28: {  	s2 =	sld [smem:$0x3FAF]  }
0x29: {  	s4 =	sld [smem:$0x3FB1]  }
0x2a: {  	p0 =	seq.s32 s5, $0x0;
	s5 =	sld [smem:$0x3FB2]  }
0x2b: {  	s6 =	sld [smem:$0x3FB3]  }
0x2c: {  	s7 =	sld [smem:$0x3FB4]  }
0x2d: {  	s3 =	simm.s32 $0x108;
	s8 =	sld [smem:$0x3FB5]  }
0x2e: {  	s3 =	simm.s32 @!p0 $0x1082;
	s9 =	sld [smem:$0x3FB6]  }
0x2f: {  	lr =	sadd.s32 s0, s3;
	s0 =	sld [smem:$0x3FAD]  }
0x30: {  	s3 =	sld [smem:$0x3FB0]  }
0x31: {  	[smem:$0x3FB9] =	sst s10  }
0x32: {  	s10 =	sld [smem:$0x3FB7];
	_ =	sdelay $0x3  }
0x33: {  	p0 =	seq.s32 s10, $0x1;
	s10 =	sld [smem:$0x3FB9];
	_ =	sdelay $0x3  }
0x34: {  	[smem:$0x3FB9] =	sst s10  }
0x35: {  	s10 =	sld [smem:$0x3FB8];
	_ =	sdelay $0x3  }
0x36: {  	p1 =	seq.s32 s10, $0x1;
	s10 =	sld [smem:$0x3FB9];
	_ =	sdelay $0x3  }
0x37: {  	[smem:$0x3FB9] =	sst s10  }
0x38: {  	s10 =	sld [smem:$0x3FBA]  }
0x39: {  	_ = 	snop;
	(pc) =	sbr.ind lr, $3  }
0x3a: {  	_ = 	snop  }
0x3b: {  	_ = 	snop  }
0x3c: {  	p2 =	seq.s32 s10, $0x1;
	s10 =	sld [smem:$0x3FB9]  }
0x3d: {  	_ =	shalt  }
0x3e: {  	_ =	shalt  }
0x3f: {  	_ =	shalt  }
0x40: {  	_ =	shalt  }
0x41: {  	_ =	shalt  }
0x42: {  	_ =	shalt  }
0x43: {  	_ =	shalt  }
0x44: {  	_ =	shalt  }
0x45: {  	_ =	shalt  }
0x46: {  	_ =	shalt  }
0x47: {  	_ =	shalt  }
0x48: {  	_ =	shalt  }
0x49: {  	_ =	shalt  }
0x4a: {  	_ =	shalt  }
0x4b: {  	_ =	shalt  }
0x4c: {  	_ =	shalt  }
0x4d: {  	_ =	shalt  }
0x4e: {  	_ =	shalt  }
0x4f: {  	_ =	shalt  }
0x50: {  	_ =	shalt  }
0x51: {  	_ =	shalt  }
0x52: {  	_ =	shalt  }
0x53: {  	_ =	shalt  }
0x54: {  	_ =	shalt  }
0x55: {  	_ =	shalt  }
0x56: {  	_ =	shalt  }
0x57: {  	_ =	shalt  }
0x58: {  	_ =	shalt  }
0x59: {  	_ =	shalt  }
0x5a: {  	_ =	shalt  }
0x5b: {  	_ =	shalt  }
0x5c: {  	_ =	shalt  }
0x5d: {  	_ =	shalt  }
0x5e: {  	_ =	shalt  }
0x5f: {  	_ =	shalt  }
0x60: {  	_ =	shalt  }
0x61: {  	_ =	shalt  }
0x62: {  	_ =	shalt  }
0x63: {  	_ =	shalt  }
0x64: {  	_ =	shalt  }
0x65: {  	_ =	shalt  }
0x66: {  	_ =	shalt  }
0x67: {  	_ =	shalt  }
0x68: {  	_ =	shalt  }
0x69: {  	_ =	shalt  }
0x6a: {  	_ =	shalt  }
0x6b: {  	_ =	shalt  }
0x6c: {  	_ =	shalt  }
0x6d: {  	_ =	shalt  }
0x6e: {  	_ =	shalt  }
0x6f: {  	_ =	shalt  }
0x70: {  	_ =	shalt  }
0x71: {  	_ =	shalt  }
0x72: {  	_ =	shalt  }
0x73: {  	_ =	shalt  }
0x74: {  	_ =	shalt  }
0x75: {  	_ =	shalt  }
0x76: {  	_ =	shalt  }
0x77: {  	_ =	shalt  }
0x78: {  	_ =	shalt  }
0x79: {  	_ =	shalt  }
0x7a: {  	_ =	shalt  }
0x7b: {  	_ =	shalt  }
0x7c: {  	_ =	shalt  }
0x7d: {  	_ =	shalt  }
0x7e: {  	_ =	shalt  }
0x7f: {  	_ =	shalt  }
0x80: {  	_ =	shalt  }
0x81: {  	_ =	shalt  }
0x82: {  	_ =	shalt  }
0x83: {  	_ =	shalt  }
0x84: {  	_ =	shalt  }
0x85: {  	_ =	shalt  }
0x86: {  	_ =	shalt  }
0x87: {  	_ =	shalt  }
.Lfunc_end0:
.L_simem_size_0:
called_computation_lowered:
.L_overlay_start_0:
0x88: {  	s2 =	sld [smem:$0x3FD9]  }
0x89: {  	s3 =	sld [smem:$0x3FFE];
	_ =	sdelay $0x1  }
0x8a: {  	s1 =	srdreg.scid  }
0x8b: {  	s0 =	sand.u32 $0x1, s1  }
0x8c: {  	s17 =	sshll.u32 s0, $0xA;
	s2 =	sadd.s32 s3, s2  }
0x8d: {  	s2 =	sadd.s32 s2, s17  }
0x8e: {  	[smem:$0x3FC5] =	sst s2  }
0x8f: {  	_ = 	snop  }
0x90: {  	s2 =	sld [smem:$0x3FC7]  }
0x91: {  	s18 =	sld [smem:$0x3FD0];
	(tm) =	ssettm $0x1  }
0x92: {  	s4 =	sld [smem:$0x3FFB];
	_ =	sdelay $0x3  }
0x93: {  	_ =	strace s4  }
0x94: {  	s4 =	sld [smem:$0x3FFC];
	_ =	sdelay $0x3  }
0x95: {  	_ =	strace s4  }
0x96: {  	s4 =	sld [smem:$0x3FFD];
	_ =	sdelay $0x3  }
0x97: {  	_ =	strace s4  }
0x98: {  	_ =	strace $0x8FFFFFFF  }
0x99: {  	s19 =	sld [smem:$0x3FDB];
	_ =	sdelay $0x1  }
0x9a: {  	s5 =	simm.s32 $_scs_section_size  }
0x9b: {  	s6 =	simm.s32 $_size__tile_overlayer_lowered;
	s7 =	simm.s32 $_tile_overlayer_lowered  }
0x9c: {  	s22 =	simm.s32 $0x1BFF;
	s21 =	sshll.u32 s7, $0x1;
	s4 =	sadd.s32 s5, s19  }
0x9d: {  	s8 =	simm.s32 $0x0;
	s20 =	sshll.u32 s6, $0x1;
	s6 =	sadd.s32 s21, s4  }
0x9e: {  	[timem:s8], [sflag:s22] =	dma.local [hbm:s6], s20  }
0x9f: {  	_ =	swait.ge [sflag:s22], s20  }
0xa0: {  	s5 =	ssub.s32 $0x0, s20;
	[sflag:s22] =	ssyncset.done $0x0  }
0xa1: {  	[sflag:s22] =	ssyncadd.s32 s5;
	_ =	sdelay $0x1  }
0xa2: {  	s23 =	simm.s32 $0x1B8B  }
0xa3: {  	_ =	swait.ge [sflag:s23], $0x1  }
0xa4: {  	[sflag:s23] =	ssyncset.done $0x0  }
0xa5: {  	s25 =	simm.s32 $0x1B8E;
	s24 =	sld [smem:$0x3FFE];
	[sflag:s23] =	ssyncadd.s32 $0xFFFFFFFF  }
0xa6: {  	s26 =	simm.s32 $execute0_lowered;
	[smem:$0x3FD2] =	sst s25  }
0xa7: {  	s6 =	sshll.u32 s26, $0x1;
	_ =	strace $0x80000046;
	[dreg:$0x1] =	wrdreg $0xFFFFFFFF  }
0xa8: {  	s28 =	simm.s32 $_size_execute0_lowered;
	s4 =	sadd.s32 s4, s6;
	[dreg:$0x0] =	wrdreg $0x0  }
0xa9: {  	s6 =	sshll.u32 s28, $0x1;
	[dreg:$0x2] =	wrdreg s4  }
0xaa: {  	[dreg:$0x3] =	wrdreg s6  }
0xab: {  	[dreg:$0x4] =	wrdreg $0xC0  }
0xac: {  	_ =	task [dreg:s8], $0x5FFFF  }
0xad: {  	[dreg:$0x1] =	wrdreg $0xFFFFFFFF  }
0xae: {  	[dreg:$0x0] =	wrdreg $0x60  }
0xaf: {  	[dreg:$0x2] =	wrdreg s2  }
0xb0: {  	[dreg:$0x3] =	wrdreg s24  }
0xb1: {  	[dreg:$0x4] =	wrdreg s18  }
0xb2: {  	[dreg:$0x5] =	wrdreg $0x9  }
0xb3: {  	_ =	task.clear_ibuf [dreg:s8], $0x6FFFF;
	_ =	strace $0x90000046  }
0xb4: {  	s29 =	simm.s32 $0x9;
	_ =	strace $0x80000048  }
0xb5: {  	_ =	swait.ge [sflag:s29], $0x1  }
0xb6: {  	[sflag:s29] =	ssyncadd.s32 $0xFFFFFFFF  }
0xb7: {  	_ =	strace $0x90000048  }
0xb8: {  	_ =	sfence  }
0xb9: {  	s30 =	sld [smem:$0x0];
	_ =	sdelay $0x2  }
0xba: {  	s31 =	sshll.u32 s1, $0xD;
	s1 =	sshrl.u32 s1, $0x2  }
0xbb: {  	s3 =	sand.u32 $0x4000, s31;
	s1 =	sadd.s32 s1, s30  }
0xbc: {  	s0 =	sor.u32 s3, s0;
	s1 =	sshll.u32 s1, $0x11  }
0xbd: {  	s0 =	sor.u32 s1, s0  }
0xbe: {  	s0 =	sadd.s32 $0x8F2B, s0  }
0xbf: {  	[sflag:s0] =	ssyncadd.remote.s32 $0x1  }
0xc0: {  	_ =	sfence.sel $0xFFFF  }
0xc1: {  	[dreg:$0x0] =	wrdreg $0xFFFFFFFF;
	(pc) =	sbr.abs _section_cstart, $3  }
0xc2: {  	[dreg:$0x1] =	wrdreg $0xFFFFFFFF  }
0xc3: {  	_ =	task.clear_ibuf [dreg:s8], $0x2FFFF;
	_ =	strace $0x9FFFFFFF  }
0xc4: {  	(tm) =	ssettm $0x7FFFFFFF  }
0xc5: {  	_ =	shalt  }
tec
execute0_lowered:
.L_overlay_start_1:
0x0: {  	(tag) =	ssettag $0x1  }
0x1: {  	s10 =	rddreg [dreg:$0x0]  }
0x2: {  	s9 =	rddreg [dreg:$0x1]  }
0x3: {  	s11 =	rddreg [dreg:$0x2]  }
0x4: {  	s0 =	rddreg [dreg:$0x3];
	s1 =	simm.s32 $0x0;
	s8 =	srdreg.scid  }
0x5: {  	s4 =	stileid.u32;
	s16 =	simm.s32 $0x3000;
	s17 =	simm.s32 $0x3400  }
0x6: {  	s18 =	simm.s32 $0x3480;
	s19 =	simm.s32 $0x3500;
	s20 =	simm.s32 $0x3580  }
0x7: {  	s21 =	simm.s32 $0x3200;
	s22 =	simm.s32 $0x0;
	[smem:$0x7FF] =	sst s1  }
0x8: {  	s2 =	sadd.s32 $0xA00, s9;
	s3 =	sadd.s32 $0x1000, s9;
	s5 =	sadd.s32 $0xE00, s9  }
0x9: {  	s6 =	sadd.s32 $0x1400, s9;
	s7 =	sadd.s32 $0x600, s9;
	s8 =	sand.u32 $0x1, s8  }
0xa: {  	s13 =	sshll.u32 s4, $0x7;
	_ =	strace $0x80000047;
	s12 =	ssub.s32 $0x2, s8  }
0xb: {  	s14 =	sshll.u32 s8, $0x6;
	s8 =	sadd.s32 $0xC00, s9;
	s9 =	sadd.s32 $0x1200, s9  }
0xc: {  	s15 =	sshrl.u32 s12, $0x1;
	s13 =	sor.u32 s14, s13;
	s14 =	simm.s32 $0x1000  }
0xd: {  	v0 =	vimm.s32 $0x7FF;
	s12 =	ssub.s32 s12, s15;
	s10 =	sadd.s32 s10, s13;
	s11 =	sadd.s32 s11, s13  }
0xe: {  	v1 =	vimm.s32 $0x0;
	v2 =	vimm.s32 $0x1;
	s13 =	simm.s32 $0x1;
	s15 =	simm.s32 $0x2000;
	s12 =	smax.u32 s12, $0x1  }
.LBB2_1:
0xf: {  	[tilespmem:s1], [sflag:$0x1] =	stream.linear.gather [hbm4b:s2+s1], $0x1000, $0x38;
	[tilespmem:$0x3600] =	vst v63  }
0x10: {  	_ =	swait.ge [sflag:s13], $0x1000  }
0x11: {  	[sflag:s13] =	ssyncset.done $0x0  }
0x12: {  	[sflag:s13] =	ssyncadd.s32 $0xFFFFF000  }
0x13: {  	[tilespmem:s14], [sflag:$0x1] =	stream.linear.gather [hbm4b:s3+s1], $0x1000, $0x38;
	[tilespmem:$0x3600] =	vst v63  }
0x14: {  	_ =	swait.ge [sflag:s13], $0x1000  }
0x15: {  	[sflag:s13] =	ssyncset.done $0x0  }
0x16: {  	[sflag:s13] =	ssyncadd.s32 $0xFFFFF000  }
0x17: {  	[tilespmem:s15], [sflag:$0x1] =	stream.linear.gather [hbm4b:s5+s1], $0x1000, $0x38;
	[tilespmem:$0x3600] =	vst v63  }
0x18: {  	_ =	swait.ge [sflag:s13], $0x1000  }
0x19: {  	[sflag:s13] =	ssyncset.done $0x0  }
0x1a: {  	[sflag:s13] =	ssyncadd.s32 $0xFFFFF000  }
0x1b: {  	[tilespmem:s16], [sflag:$0x1] =	stream.linear.gather [hbm4b:s10+s1], $0x200, $0x38;
	[tilespmem:$0x3600] =	vst v63  }
0x1c: {  	_ =	swait.ge [sflag:s13], $0x200  }
0x1d: {  	[sflag:s13] =	ssyncset.done $0x0  }
0x1e: {  	[sflag:s13] =	ssyncadd.s32 $0xFFFFFE00  }
0x1f: {  	[tilespmem:s17], [sflag:$0x1] =	stream.linear.gather [hbm4b:s6+s1], $0x80, $0x38;
	[tilespmem:$0x3600] =	vst v63  }
0x20: {  	_ =	swait.ge [sflag:s13], $0x80  }
0x21: {  	[sflag:s13] =	ssyncset.done $0x0  }
0x22: {  	[sflag:s13] =	ssyncadd.s32 $0xFFFFFF80  }
0x23: {  	[tilespmem:s18], [sflag:$0x1] =	stream.linear.gather [hbm4b:s7+s1], $0x80, $0x38;
	[tilespmem:$0x3600] =	vst v63  }
0x24: {  	_ =	swait.ge [sflag:s13], $0x80  }
0x25: {  	[sflag:s13] =	ssyncset.done $0x0  }
0x26: {  	[sflag:s13] =	ssyncadd.s32 $0xFFFFFF80  }
0x27: {  	[tilespmem:s19], [sflag:$0x1] =	stream.linear.gather [hbm4b:s8+s1], $0x80, $0x38;
	[tilespmem:$0x3600] =	vst v63  }
0x28: {  	_ =	swait.ge [sflag:s13], $0x80  }
0x29: {  	[sflag:s13] =	ssyncset.done $0x0  }
0x2a: {  	[sflag:s13] =	ssyncadd.s32 $0xFFFFFF80  }
0x2b: {  	[tilespmem:s20], [sflag:$0x1] =	stream.linear.gather [hbm4b:s9+s1], $0x80, $0x38;
	[tilespmem:$0x3600] =	vst v63  }
0x2c: {  	_ =	swait.ge [sflag:s13], $0x80  }
0x2d: {  	[sflag:s13] =	ssyncset.done $0x0  }
0x2e: {  	[sflag:s13] =	ssyncadd.s32 $0xFFFFFF80  }
0x2f: {  	v3 =	vld [tilespmem:$0x3580];
	_ =	sdelay $0x2  }
0x30: {  	v4 =	vld [tilespmem:$0x3400]  }
0x31: {  	v5 =	vld [tilespmem:$0x3480]  }
0x32: {  	s23 =	simm.s32 $0x0;
	v6 =	vld [tilespmem:$0x3500];
	v7 =	vadd.s32 $0xFFFFFFFF, v3;
	vm0 =	vgt.s32 v3, $0x7FF  }
.LBB2_2:
0x33: {  	s24 =	sshra.s32 s23, $0x2  }
0x34: {  	v8 =	vld [tilespmem:s24+$0x3000];
	_ =	sdelay $0x1  }
0x35: {  	v9 =	vld.idx.msk [tilespmem:v0+s1+$0x0], $0xffff;
	_ =	sdelay $0x2  }
0x36: {  	v8 =	vmax.f32 v8, v4  }
0x37: {  	v8 =	vmin.f32 v8, v5  }
0x38: {  	vm1 =	vle.f32 v9, v8  }
0x39: {  	v9 =	vsel vm1, $0x800, v1  }
0x3a: {  	v10 =	vor.u32 $0x3FF, v9;
	_ =	sdelay $0x4  }
0x3b: {  	v10 =	vld.idx.msk [tilespmem:v10+s1+$0x0], $0xffff;
	_ =	sdelay $0x4  }
0x3c: {  	v11 =	vor.u32 $0x400, v9;
	vm1 =	vle.f32 v10, v8  }
0x3d: {  	v9 =	vsel vm1, v11, v9  }
0x3e: {  	v35 =	vor.u32 $0x1FF, v9;
	_ =	sdelay $0x4  }
0x3f: {  	v10 =	vld.idx.msk [tilespmem:v35+s1+$0x0], $0xffff;
	_ =	sdelay $0x4  }
0x40: {  	v11 =	vor.u32 $0x200, v9;
	vm1 =	vle.f32 v10, v8  }
0x41: {  	v9 =	vsel vm1, v11, v9  }
0x42: {  	v36 =	vor.u32 $0xFF, v9;
	_ =	sdelay $0x4  }
0x43: {  	v10 =	vld.idx.msk [tilespmem:v36+s1+$0x0], $0xffff;
	_ =	sdelay $0x4  }
0x44: {  	v11 =	vor.u32 $0x100, v9;
	vm1 =	vle.f32 v10, v8  }
0x45: {  	v9 =	vsel vm1, v11, v9  }
0x46: {  	v37 =	vadd.s32 $0x7F, v9;
	_ =	sdelay $0x4  }
0x47: {  	v10 =	vld.idx.msk [tilespmem:v37+s1+$0x0], $0xffff;
	_ =	sdelay $0x4  }
0x48: {  	v11 =	vadd.s32 $0x80, v9;
	vm1 =	vle.f32 v10, v8  }
0x49: {  	v9 =	vsel vm1, v11, v9  }
0x4a: {  	v38 =	vadd.s32 $0x3F, v9;
	_ =	sdelay $0x4  }
0x4b: {  	v10 =	vld.idx.msk [tilespmem:v38+s1+$0x0], $0xffff;
	_ =	sdelay $0x4  }
0x4c: {  	v11 =	vadd.s32 $0x40, v9;
	vm1 =	vle.f32 v10, v8  }
0x4d: {  	v9 =	vsel vm1, v11, v9  }
0x4e: {  	v39 =	vadd.s32 $0x1F, v9;
	_ =	sdelay $0x4  }
0x4f: {  	v10 =	vld.idx.msk [tilespmem:v39+s1+$0x0], $0xffff;
	_ =	sdelay $0x4  }
0x50: {  	v11 =	vadd.s32 $0x20, v9;
	vm1 =	vle.f32 v10, v8  }
0x51: {  	v9 =	vsel vm1, v11, v9  }
0x52: {  	v40 =	vadd.s32 $0xF, v9;
	_ =	sdelay $0x4  }
0x53: {  	v10 =	vld.idx.msk [tilespmem:v40+s1+$0x0], $0xffff;
	_ =	sdelay $0x4  }
0x54: {  	v11 =	vadd.s32 $0x10, v9;
	vm1 =	vle.f32 v10, v8  }
0x55: {  	v9 =	vsel vm1, v11, v9  }
0x56: {  	v41 =	vadd.s32 $0x7, v9;
	_ =	sdelay $0x4  }
0x57: {  	v10 =	vld.idx.msk [tilespmem:v41+s1+$0x0], $0xffff;
	_ =	sdelay $0x4  }
0x58: {  	v11 =	vadd.s32 $0x8, v9;
	vm1 =	vle.f32 v10, v8  }
0x59: {  	v9 =	vsel vm1, v11, v9  }
0x5a: {  	v42 =	vadd.s32 $0x3, v9;
	_ =	sdelay $0x4  }
0x5b: {  	v10 =	vld.idx.msk [tilespmem:v42+s1+$0x0], $0xffff;
	_ =	sdelay $0x4  }
0x5c: {  	v11 =	vadd.s32 $0x4, v9;
	vm1 =	vle.f32 v10, v8  }
0x5d: {  	v9 =	vsel vm1, v11, v9  }
0x5e: {  	v43 =	vadd.s32 $0x1, v9;
	_ =	sdelay $0x4  }
0x5f: {  	v10 =	vld.idx.msk [tilespmem:v43+s1+$0x0], $0xffff;
	_ =	sdelay $0x4  }
0x60: {  	v11 =	vadd.s32 $0x2, v9;
	vm1 =	vle.f32 v10, v8  }
0x61: {  	v9 =	vsel vm1, v11, v9;
	_ =	sdelay $0x4  }
0x62: {  	v44 =	vld.idx.msk [tilespmem:v9+s1+$0x0], $0xffff;
	_ =	sdelay $0x4  }
0x63: {  	vm1 =	vle.f32 v44, v8  }
0x64: {  	v10 =	vsel vm1, $0x1, v1  }
0x65: {  	v45 =	vld.idx.msk [tilespmem:v0+s15+$0x0], $0xffff;
	v9 =	vadd.s32 v10, v9  }
0x66: {  	v9 =	vmax.u32 v9, $0x1  }
0x67: {  	v9 =	vsub.s32 v9, v2  }
0x68: {  	vm1 =	vlt.s32 v6, v9  }
0x69: {  	v9 =	vsel vm1, v6, v9  }
0x6a: {  	vm1 =	vle.s32 v45, v9  }
0x6b: {  	vm1 =	vmand vm0, vm1  }
0x6c: {  	v46 =	vsel vm1, $0x800, v1  }
0x6d: {  	v47 =	vor.u32 $0x3FF, v46;
	_ =	sdelay $0x4  }
0x6e: {  	v11 =	vld.idx.msk [tilespmem:v47+s15+$0x0], $0xffff;
	_ =	sdelay $0x3  }
0x6f: {  	v12 =	vor.u32 $0x400, v46  }
0x70: {  	vm1 =	vle.s32 v12, v3;
	vm2 =	vle.s32 v11, v9  }
0x71: {  	vm1 =	vmand vm2, vm1  }
0x72: {  	v10 =	vsel vm1, v12, v46  }
0x73: {  	v48 =	vor.u32 $0x1FF, v10;
	_ =	sdelay $0x4  }
0x74: {  	v11 =	vld.idx.msk [tilespmem:v48+s15+$0x0], $0xffff;
	_ =	sdelay $0x3  }
0x75: {  	v12 =	vor.u32 $0x200, v10  }
0x76: {  	vm1 =	vle.s32 v12, v3;
	vm2 =	vle.s32 v11, v9  }
0x77: {  	vm1 =	vmand vm2, vm1  }
0x78: {  	v10 =	vsel vm1, v12, v10  }
0x79: {  	v49 =	vor.u32 $0xFF, v10;
	_ =	sdelay $0x4  }
0x7a: {  	v11 =	vld.idx.msk [tilespmem:v49+s15+$0x0], $0xffff;
	_ =	sdelay $0x3  }
0x7b: {  	v12 =	vor.u32 $0x100, v10  }
0x7c: {  	vm1 =	vle.s32 v12, v3;
	vm2 =	vle.s32 v11, v9  }
0x7d: {  	vm1 =	vmand vm2, vm1  }
0x7e: {  	v10 =	vsel vm1, v12, v10  }
0x7f: {  	v50 =	vadd.s32 $0x7F, v10;
	_ =	sdelay $0x4  }
0x80: {  	v11 =	vld.idx.msk [tilespmem:v50+s15+$0x0], $0xffff;
	_ =	sdelay $0x3  }
0x81: {  	v12 =	vadd.s32 $0x80, v10  }
0x82: {  	vm1 =	vle.s32 v12, v3;
	vm2 =	vle.s32 v11, v9  }
0x83: {  	vm1 =	vmand vm2, vm1  }
0x84: {  	v10 =	vsel vm1, v12, v10  }
0x85: {  	v51 =	vadd.s32 $0x3F, v10;
	_ =	sdelay $0x4  }
0x86: {  	v11 =	vld.idx.msk [tilespmem:v51+s15+$0x0], $0xffff;
	_ =	sdelay $0x3  }
0x87: {  	v12 =	vadd.s32 $0x40, v10  }
0x88: {  	vm1 =	vle.s32 v12, v3;
	vm2 =	vle.s32 v11, v9  }
0x89: {  	vm1 =	vmand vm2, vm1  }
0x8a: {  	v10 =	vsel vm1, v12, v10  }
0x8b: {  	v52 =	vadd.s32 $0x1F, v10;
	_ =	sdelay $0x4  }
0x8c: {  	v11 =	vld.idx.msk [tilespmem:v52+s15+$0x0], $0xffff;
	_ =	sdelay $0x3  }
0x8d: {  	v12 =	vadd.s32 $0x20, v10  }
0x8e: {  	vm1 =	vle.s32 v12, v3;
	vm2 =	vle.s32 v11, v9  }
0x8f: {  	vm1 =	vmand vm2, vm1  }
0x90: {  	v10 =	vsel vm1, v12, v10  }
0x91: {  	v53 =	vadd.s32 $0xF, v10;
	_ =	sdelay $0x4  }
0x92: {  	v11 =	vld.idx.msk [tilespmem:v53+s15+$0x0], $0xffff;
	_ =	sdelay $0x3  }
0x93: {  	v12 =	vadd.s32 $0x10, v10  }
0x94: {  	vm1 =	vle.s32 v12, v3;
	vm2 =	vle.s32 v11, v9  }
0x95: {  	vm1 =	vmand vm2, vm1  }
0x96: {  	v10 =	vsel vm1, v12, v10  }
0x97: {  	v54 =	vadd.s32 $0x7, v10;
	_ =	sdelay $0x4  }
0x98: {  	v11 =	vld.idx.msk [tilespmem:v54+s15+$0x0], $0xffff;
	_ =	sdelay $0x3  }
0x99: {  	v12 =	vadd.s32 $0x8, v10  }
0x9a: {  	vm1 =	vle.s32 v12, v3;
	vm2 =	vle.s32 v11, v9  }
0x9b: {  	vm1 =	vmand vm2, vm1  }
0x9c: {  	v10 =	vsel vm1, v12, v10  }
0x9d: {  	v55 =	vadd.s32 $0x3, v10;
	_ =	sdelay $0x4  }
0x9e: {  	v11 =	vld.idx.msk [tilespmem:v55+s15+$0x0], $0xffff;
	_ =	sdelay $0x3  }
0x9f: {  	v12 =	vadd.s32 $0x4, v10  }
0xa0: {  	vm1 =	vle.s32 v12, v3;
	vm2 =	vle.s32 v11, v9  }
0xa1: {  	vm1 =	vmand vm2, vm1  }
0xa2: {  	v10 =	vsel vm1, v12, v10  }
0xa3: {  	v56 =	vadd.s32 $0x1, v10;
	_ =	sdelay $0x4  }
0xa4: {  	v11 =	vld.idx.msk [tilespmem:v56+s15+$0x0], $0xffff;
	_ =	sdelay $0x3  }
0xa5: {  	v12 =	vadd.s32 $0x2, v10  }
0xa6: {  	vm1 =	vle.s32 v12, v3;
	vm2 =	vle.s32 v11, v9  }
0xa7: {  	vm1 =	vmand vm2, vm1  }
0xa8: {  	v10 =	vsel vm1, v12, v10;
	_ =	sdelay $0x4  }
0xa9: {  	v57 =	vld.idx.msk [tilespmem:v10+s15+$0x0], $0xffff;
	_ =	sdelay $0x2  }
0xaa: {  	v58 =	vadd.s32 $0x1, v9;
	_ =	sdelay $0x1  }
0xab: {  	vm1 =	vlt.s32 v10, v3;
	vm2 =	vle.s32 v57, v9  }
0xac: {  	vm1 =	vmand vm2, vm1  }
0xad: {  	v59 =	vsel vm1, $0x1, v1  }
0xae: {  	v60 =	vld.idx.msk [tilespmem:v58+s1+$0x0], $0xffff;
	v10 =	vadd.s32 v59, v10  }
0xaf: {  	v9 =	vld.idx.msk [tilespmem:v9+s1+$0x0], $0xffff;
	v13 =	vadd.s32 $0xFFFFFFFF, v10;
	vm1 =	vlt.s32 v10, v7  }
0xb0: {  	v14 =	vsel vm1, v10, v7;
	_ =	sdelay $0x3  }
0xb1: {  	v11 =	vsub.f32 v60, v9;
	v13 =	vld.idx.msk [tilespmem:v13+s14+$0x0], $0xffff  }
0xb2: {  	v15 =	vld.idx.msk [tilespmem:v14+s15+$0x0], $0xffff  }
0xb3: {  	(erf) = vrcp.f32 v11;
	v14 =	vld.idx.msk [tilespmem:v14+s14+$0x0], $0xffff;
	_ =	sdelay $0x3  }
0xb4: {  	vm1 =	veq.s32 v3, v10  }
0xb5: {  	v61 =	vmax.f32 v13, $-2.000000000e+00;
	vm2 =	vlt.s32 v58, v15;
	v62 =	vmax.f32 v14, $-2.000000000e+00  }
0xb6: {  	v11 =	vmin.f32 v61, $2.000000000e+00;
	vm1 =	vmor vm2, vm1;
	v10 =	vmin.f32 v62, $2.000000000e+00  }
0xb7: {  	v10 =	vsel vm1, v11, v10  }
0xb8: {  	v10 =	vsub.f32 v10, v11  }
0xb9: {  	v63 =	vpop (erf)  }
0xba: {  	v8 =	vsub.f32 v8, v9;
	v10 =	vmul.f32 v10, v63  }
0xbb: {  	p0 =	sne.s32 s23, $0x7C0  }
.Ltmp0:
0xbc: {  	v8 =	vmul.f32 v10, v8;
	(pc) =	sbr.rel @p0 .LBB2_2-.Ltmp0, $3  }
0xbd: {  	_ = 	snop  }
0xbe: {  	v8 =	vadd.f32 v8, v11;
	_ =	sdelay $0x1  }
0xbf: {  	s23 =	sadd.s32 $0x40, s23;
	[tilespmem:s24+$0x3200] =	vst v8  }
0xc0: {  	s22 =	sadd.s32 $0x1, s22  }
0xc1: {  	p0 =	sne.s32 s22, s12  }
.Ltmp1:
0xc2: {  	_ = 	snop;
	(pc) =	sbr.rel @p0 .LBB2_1-.Ltmp1, $4  }
0xc3: {  	[hbm4b:s11+s1] =	stream.linear.scatter [tilespmem:s21], [sflag:$0x1], $0x200, $0x38;
	[tilespmem:$0x3600] =	vst v63  }
0xc4: {  	_ =	swait.ge [sflag:s13], $0x200  }
0xc5: {  	[sflag:s13] =	ssyncset.done $0x0  }
0xc6: {  	[sflag:s13] =	ssyncadd.s32 $0xFFFFFE00  }
0xc7: {  	_ =	sfence.sel $0x180000  }
0xc8: {  	[bflag:$0x0] =	sbarrier.arrive $0xFFFF  }
0xc9: {  	p0 =	sne.s32 s4, $0x0;
	_ =	strace $0x90000047  }
0xca: {  	s0 =	sadd.s32 @!p0 $0x100000, s0;
	[bflag:$0x2] =	sbarrier.arrive $0xFFFF  }
0xcb: {  	[sflag:s0] =	ssyncadd.tile.s32 @!p0 $0x1;
	_ =	shalt  }
.Lfunc_end2:
_tile_overlayer_lowered:
.L_overlay_start_2:
0xcc: {  	(tag) =	ssettag $0x2  }
0xcd: {  	s0 =	rddreg [dreg:$0x0];
	s2 =	stileid.u32  }
0xce: {  	s1 =	rddreg [dreg:$0x1];
	p0 =	sne.s32 s2, $0x0  }
0xcf: {  	s3 =	rddreg [dreg:$0x2];
	[bflag:$0x3] =	sbarrier.arrive $0xFFFF;
	s2 =	simm.s32 @!p0 $0x1C01  }
0xd0: {  	[timem:s3], [sflag:s2] =	dma.local @!p0 [hbm:s0], s1  }
0xd1: {  	s0 =	simm.s32 @!p0 $0x1  }
0xd2: {  	_ =	swait.ge @!p0 [sflag:s0], s1  }
0xd3: {  	s1 =	ssub.s32 @!p0 $0x0, s1;
	[sflag:s0] =	ssyncset.done @!p0 $0x0  }
0xd4: {  	[sflag:s0] =	ssyncadd.s32 @!p0 s1  }
0xd5: {  	[bflag:$0x3] =	sbarrier.arrive $0xFFFF  }
0xd6: {  	_ =	shalt  }

</sc_bundles>
